<compile_context>
chip_gen: v7x
topology: tpu7x:2x2x1
jax: 0.10.2.dev20260603
libtpu: 0.0.44.dev20260713+nightly
codegen_flags: <defaults>
</compile_context>

<pallas_src>
import functools

import jax
import jax.numpy as jnp
from jax import lax
from jax.experimental import pallas as pl
from jax.experimental.pallas import tpu as pltpu
from jax.experimental.pallas import tpu_sc as plsc

NUM_EXPERTS = 64
TOPK = 8
TOKEN_BLOCK = 512
NUM_TOKENS = 8192
NUM_CHUNKS = 4
CHUNK = NUM_TOKENS // NUM_CHUNKS
NC = 2
NS = 16
L = 16
TOK_PER_W = CHUNK // (NC * NS)


def _softmax_kernel(x_ref, w_ref, p_ref):
    logits = jax.lax.dot_general(
        w_ref[...], x_ref[...],
        dimension_numbers=(((1,), (1,)), ((), ())),
        preferred_element_type=jnp.float32,
    )
    col_max = jnp.max(logits, axis=0, keepdims=True)
    e = jnp.exp(logits - col_max)
    p = e / jnp.sum(e, axis=0, keepdims=True)
    p_ref[...] = p.T


def _tc_softmax(x, weight):
    num_tokens, hidden = x.shape
    grid = (num_tokens // TOKEN_BLOCK,)
    return pl.pallas_call(
        _softmax_kernel,
        grid=grid,
        in_specs=[
            pl.BlockSpec((TOKEN_BLOCK, hidden), lambda i: (i, 0)),
            pl.BlockSpec((NUM_EXPERTS, hidden), lambda i: (0, 0)),
        ],
        out_specs=pl.BlockSpec((TOKEN_BLOCK, NUM_EXPERTS), lambda i: (i, 0)),
        out_shape=jax.ShapeDtypeStruct((num_tokens, NUM_EXPERTS), jnp.float32),
    )(x, weight)


def _sc_topk_body(p_hbm, probs_hbm, map_hbm, chunk, oprobs, omap):
    wid = lax.axis_index("s") * NC + lax.axis_index("c")
    base = wid * TOK_PER_W
    pltpu.sync_copy(p_hbm.at[pl.ds(base, TOK_PER_W)], chunk)

    lanes = lax.broadcasted_iota(jnp.int32, (L,), 0)

    def body(t, _):
        s = [chunk[t, pl.ds(k * L, L)] for k in range(4)]
        ss = [plsc.sort_key_val(sk, sk)[0] for sk in s]
        u = jnp.maximum(ss[0], lax.rev(ss[1], (0,)))
        v = jnp.maximum(ss[2], lax.rev(ss[3], (0,)))
        us = plsc.sort_key_val(u, u)[0]
        vs = plsc.sort_key_val(v, v)[0]
        w = jnp.maximum(us, lax.rev(vs, (0,)))
        ws = plsc.sort_key_val(w, w)[0]
        thr = jnp.min(jnp.where(lanes >= TOPK, ws, jnp.inf), axis=0)
        thr = jnp.broadcast_to(thr, (L,))
        gt = [sk > thr for sk in s]
        cnt_gt = plsc.all_reduce_population_count(gt[0])
        for k in range(1, 4):
            cnt_gt = cnt_gt + plsc.all_reduce_population_count(gt[k])
        need_ties = TOPK - cnt_gt
        prior = jnp.zeros((L,), jnp.int32)
        for k in range(4):
            tie = s[k] == thr
            cum = jnp.cumsum(tie.astype(jnp.int32))
            sel_tie = jnp.logical_and(tie, (prior + cum) <= need_ties)
            mask = jnp.logical_or(gt[k], sel_tie)
            oprobs[t, pl.ds(k * L, L)] = jnp.where(mask, s[k], 0.0)
            omap[t, pl.ds(k * L, L)] = mask.astype(jnp.float32)
            prior = prior + plsc.all_reduce_population_count(tie)
        return _

    lax.fori_loop(0, TOK_PER_W, body, None)
    pltpu.sync_copy(oprobs, probs_hbm.at[pl.ds(base, TOK_PER_W)])
    pltpu.sync_copy(omap, map_hbm.at[pl.ds(base, TOK_PER_W)])


_sc_topk = functools.partial(
    pl.kernel,
    out_type=[
        jax.ShapeDtypeStruct((CHUNK, NUM_EXPERTS), jnp.float32),
        jax.ShapeDtypeStruct((CHUNK, NUM_EXPERTS), jnp.float32),
    ],
    scratch_types=[
        pltpu.VMEM((TOK_PER_W, NUM_EXPERTS), jnp.float32),
        pltpu.VMEM((TOK_PER_W, NUM_EXPERTS), jnp.float32),
        pltpu.VMEM((TOK_PER_W, NUM_EXPERTS), jnp.float32),
    ],
    mesh=plsc.VectorSubcoreMesh(core_axis_name="c", subcore_axis_name="s"),
    compiler_params=pltpu.CompilerParams(needs_layout_passes=False),
)(_sc_topk_body)


@jax.jit
def kernel(x, weight):
    outs = []
    for i in range(NUM_CHUNKS):
        p = _tc_softmax(x[i * CHUNK:(i + 1) * CHUNK], weight)
        outs.append(_sc_topk(p))
    probs = jnp.concatenate([o[0] for o in outs], axis=0)
    rmap = jnp.concatenate([o[1] for o in outs], axis=0)
    return probs, rmap.astype(jnp.bool_)

# --- scband reference (transcript-rebuilt; emitter-appended) ---
"""Pipeline reference for scband-top-krouter-90263032692930 (READ-ONLY COPY).

The authoritative reference and input builder live on the scoring server;
editing this copy changes nothing except your own understanding.
"""

import jax, jax.numpy as jnp
import numpy as np

NUM_EXPERTS = 64
TOPK = 8
HIDDEN = 4096
NUM_TOKENS = 8192


def setup_inputs(seed: int = 0) -> dict:
    key = jax.random.key(seed)
    k1, k2 = jax.random.split(key)
    x = jax.random.normal(k1, (NUM_TOKENS, HIDDEN), dtype=jnp.float32)
    # router gating weight: (num_experts, hidden_size)
    weight = jax.random.normal(k2, (NUM_EXPERTS, HIDDEN), dtype=jnp.float32) * 0.02
    return {"x": x, "weight": weight}


def reference(x, weight):
    # (1) gating: logits computed in float32 (router_gating_linear)
    logits = jnp.dot(x.astype(jnp.float32), weight.astype(jnp.float32).T)
    # (2) softmax score function over experts
    scores = jax.nn.softmax(logits, axis=-1)
    # top-k expert selection
    topk_vals, topk_idx = jax.lax.top_k(scores, TOPK)
    rows = jnp.arange(scores.shape[0])[:, None]
    # masked routing map between tokens and experts
    routing_map = jnp.zeros(scores.shape, dtype=bool).at[rows, topk_idx].set(True)
    # probs: top-k weights scattered back to dense [tokens, experts], zeros elsewhere
    probs = jnp.zeros_like(scores).at[rows, topk_idx].set(topk_vals)
    return probs, routing_map

if __name__ == "__main__":
    import jax
    _d = setup_inputs()
    print(jax.jit(kernel)(*tuple(_d.values())))

</pallas_src>

<mosaic_0001>
#map = affine_map<(d0, d1) -> (0, 0)>
module attributes {stable_mosaic.version = 14 : i64} {
  func.func @_sc_topk_body(%arg0: i32, %arg1: i32, %arg2: memref<2048x64xf32, #tpu.memory_space<hbm>>, %arg3: memref<2048x64xf32, #tpu.memory_space<hbm>>, %arg4: memref<2048x64xf32, #tpu.memory_space<hbm>>, %arg5: memref<64x64xf32, #tpu.memory_space<vmem>>, %arg6: memref<64x64xf32, #tpu.memory_space<vmem>>, %arg7: memref<64x64xf32, #tpu.memory_space<vmem>>) attributes {dimension_semantics = [#tpu.dimension_semantics<core_parallel>, #tpu.dimension_semantics<subcore_parallel>], iteration_bounds = array<i64: 2, 16>, scalar_prefetch = 0 : i64, scratch_operands = 3 : i64, tpu.core_type = #tpu.core_type<sc_vector_subcore>, window_params = [{transform_indices = #map}, {transform_indices = #map}, {transform_indices = #map}]} {
    %mul3A = arith.constant 2 : i32
    %mul3A_0 = arith.muli %arg1, %mul3A : i32
    %add3A = arith.addi %mul3A_0, %arg0 : i32
    %mul3A_1 = arith.constant 64 : i32
    %mul3A_2 = arith.muli %add3A, %mul3A_1 : i32
    "tpu.region"() ({
      %run_scoped3A = tpu.sem_alloc : memref<!tpu.dma_semaphore, #tpu.memory_space<semaphore_mem>>
      %dma_start3A = arith.constant 0 : i32
      %dma_start3A_7 = tpu.memref_slice %arg2[%mul3A_2, %dma_start3A] : memref<2048x64xf32, #tpu.memory_space<hbm>> -> memref<64x64xf32, #tpu.memory_space<hbm>>
      %dma_start3A_8 = arith.constant 0 : i32
      %dma_start3A_9 = tpu.memref_slice %arg2[%mul3A_2, %dma_start3A_8] : memref<2048x64xf32, #tpu.memory_space<hbm>> -> memref<64x64xf32, #tpu.memory_space<hbm>>
      tpu.enqueue_dma source(%dma_start3A_9 : memref<64x64xf32, #tpu.memory_space<hbm>>) target(%arg5 : memref<64x64xf32, #tpu.memory_space<vmem>>) target_semaphore(%run_scoped3A : memref<!tpu.dma_semaphore, #tpu.memory_space<semaphore_mem>>)
      %dma_wait3A = arith.constant 0 : i32
      %dma_wait3A_10 = tpu.memref_slice %arg2[%mul3A_2, %dma_wait3A] : memref<2048x64xf32, #tpu.memory_space<hbm>> -> memref<64x64xf32, #tpu.memory_space<hbm>>
      %dma_wait3A_11 = arith.constant 0 : i32
      %dma_wait3A_12 = tpu.memref_slice %arg2[%mul3A_2, %dma_wait3A_11] : memref<2048x64xf32, #tpu.memory_space<hbm>> -> memref<64x64xf32, #tpu.memory_space<hbm>>
      tpu.wait_dma2 semaphore(%run_scoped3A : memref<!tpu.dma_semaphore, #tpu.memory_space<semaphore_mem>>) src(%dma_wait3A_12 : memref<64x64xf32, #tpu.memory_space<hbm>>) dst(%arg5 : memref<64x64xf32, #tpu.memory_space<vmem>>)
      tpu.yield
    }) : () -> ()
    %iota3A = tpu.iota {dimensions = array<i32: 0>} : vector<16xi32>
    %scan3A = arith.constant 0 : i32
    %scan3A_3 = arith.constant 64 : i32
    %scan3A_4 = arith.addi %scan3A, %scan3A_3 : i32
    %scan3A_5 = arith.constant 1 : i32
    scf.for %scan3A_7 = %scan3A to %scan3A_4 step %scan3A_5  : i32 {
      %get3A = arith.index_cast %scan3A_7 : i32 to index
      %get3A_8 = arith.constant 0 : index
      %get3A_9 = tpu.vector_load %arg5[%get3A, %get3A_8] {strides = array<i32>} : memref<64x64xf32, #tpu.memory_space<vmem>>, vector<16xf32>,
      %get3A_10 = arith.index_cast %scan3A_7 : i32 to index
      %get3A_11 = arith.constant 16 : index
      %get3A_12 = tpu.vector_load %arg5[%get3A_10, %get3A_11] {strides = array<i32>} : memref<64x64xf32, #tpu.memory_space<vmem>>, vector<16xf32>,
      %get3A_13 = arith.index_cast %scan3A_7 : i32 to index
      %get3A_14 = arith.constant 32 : index
      %get3A_15 = tpu.vector_load %arg5[%get3A_13, %get3A_14] {strides = array<i32>} : memref<64x64xf32, #tpu.memory_space<vmem>>, vector<16xf32>,
      %get3A_16 = arith.index_cast %scan3A_7 : i32 to index
      %get3A_17 = arith.constant 48 : index
      %get3A_18 = tpu.vector_load %arg5[%get3A_16, %get3A_17] {strides = array<i32>} : memref<64x64xf32, #tpu.memory_space<vmem>>, vector<16xf32>,
      %masked_sort3A = arith.constant dense<true> : vector<16xi1>
      %masked_sort3A_19, %masked_sort3A_20, %masked_sort3A_21 = tpu.sort %get3A_9, %get3A_9 masked %masked_sort3A : (vector<16xf32>, vector<16xf32>, vector<16xi1>) -> (vector<16xi1>, vector<16xf32>, vector<16xf32>)
      %masked_sort3A_22 = arith.constant dense<true> : vector<16xi1>
      %masked_sort3A_23, %masked_sort3A_24, %masked_sort3A_25 = tpu.sort %get3A_12, %get3A_12 masked %masked_sort3A_22 : (vector<16xf32>, vector<16xf32>, vector<16xi1>) -> (vector<16xi1>, vector<16xf32>, vector<16xf32>)
      %masked_sort3A_26 = arith.constant dense<true> : vector<16xi1>
      %masked_sort3A_27, %masked_sort3A_28, %masked_sort3A_29 = tpu.sort %get3A_15, %get3A_15 masked %masked_sort3A_26 : (vector<16xf32>, vector<16xf32>, vector<16xi1>) -> (vector<16xi1>, vector<16xf32>, vector<16xf32>)
      %masked_sort3A_30 = arith.constant dense<true> : vector<16xi1>
      %masked_sort3A_31, %masked_sort3A_32, %masked_sort3A_33 = tpu.sort %get3A_18, %get3A_18 masked %masked_sort3A_30 : (vector<16xf32>, vector<16xf32>, vector<16xi1>) -> (vector<16xi1>, vector<16xf32>, vector<16xf32>)
      %rev3A = arith.constant 15 : i32
      %rev3A_34 = vector.broadcast %rev3A : i32 to vector<16xi32>
      %rev3A_35 = tpu.iota {dimensions = array<i32: 0>} : vector<16xi32>
      %rev3A_36 = arith.subi %rev3A_34, %rev3A_35 : vector<16xi32>
      %rev3A_37 = tpu.dynamic_gather %masked_sort3A_24[%rev3A_36] in [0] : vector<16xf32>, vector<16xi32> -> vector<16xf32>
      %max3A = arith.maximumf %masked_sort3A_20, %rev3A_37 : vector<16xf32>
      %rev3A_38 = arith.constant 15 : i32
      %rev3A_39 = vector.broadcast %rev3A_38 : i32 to vector<16xi32>
      %rev3A_40 = tpu.iota {dimensions = array<i32: 0>} : vector<16xi32>
      %rev3A_41 = arith.subi %rev3A_39, %rev3A_40 : vector<16xi32>
      %rev3A_42 = tpu.dynamic_gather %masked_sort3A_32[%rev3A_41] in [0] : vector<16xf32>, vector<16xi32> -> vector<16xf32>
      %max3A_43 = arith.maximumf %masked_sort3A_28, %rev3A_42 : vector<16xf32>
      %masked_sort3A_44 = arith.constant dense<true> : vector<16xi1>
      %masked_sort3A_45, %masked_sort3A_46, %masked_sort3A_47 = tpu.sort %max3A, %max3A masked %masked_sort3A_44 : (vector<16xf32>, vector<16xf32>, vector<16xi1>) -> (vector<16xi1>, vector<16xf32>, vector<16xf32>)
      %masked_sort3A_48 = arith.constant dense<true> : vector<16xi1>
      %masked_sort3A_49, %masked_sort3A_50, %masked_sort3A_51 = tpu.sort %max3A_43, %max3A_43 masked %masked_sort3A_48 : (vector<16xf32>, vector<16xf32>, vector<16xi1>) -> (vector<16xi1>, vector<16xf32>, vector<16xf32>)
      %rev3A_52 = arith.constant 15 : i32
      %rev3A_53 = vector.broadcast %rev3A_52 : i32 to vector<16xi32>
      %rev3A_54 = tpu.iota {dimensions = array<i32: 0>} : vector<16xi32>
      %rev3A_55 = arith.subi %rev3A_53, %rev3A_54 : vector<16xi32>
      %rev3A_56 = tpu.dynamic_gather %masked_sort3A_50[%rev3A_55] in [0] : vector<16xf32>, vector<16xi32> -> vector<16xf32>
      %max3A_57 = arith.maximumf %masked_sort3A_46, %rev3A_56 : vector<16xf32>
      %masked_sort3A_58 = arith.constant dense<true> : vector<16xi1>
      %masked_sort3A_59, %masked_sort3A_60, %masked_sort3A_61 = tpu.sort %max3A_57, %max3A_57 masked %masked_sort3A_58 : (vector<16xf32>, vector<16xf32>, vector<16xi1>) -> (vector<16xi1>, vector<16xf32>, vector<16xf32>)
      %ge3A = arith.constant 8 : i32
      %ge3A_62 = vector.broadcast %ge3A : i32 to vector<16xi32>
      %ge3A_63 = arith.cmpi sge, %iota3A, %ge3A_62 : vector<16xi32>
      %jit3A = arith.constant 0x7F800000 : f32
      %broadcast_in_dim3A = vector.broadcast %jit3A : f32 to vector<16xf32>
      %select_n3A = arith.select %ge3A_63, %masked_sort3A_60, %broadcast_in_dim3A : vector<16xi1>, vector<16xf32>
      %reduce_min3A = arith.constant true
      %reduce_min3A_64 = vector.broadcast %reduce_min3A : i1 to vector<16xi1>
      %reduce_min3A_65 = tpu.scan <min>, %select_n3A masked %reduce_min3A_64 : vector<16xf32>, vector<16xi1> -> vector<16xf32>
      %reduce_min3A_66 = vector.extract %reduce_min3A_65[15] : f32 from vector<16xf32>
      %broadcast_in_dim3A_67 = vector.broadcast %reduce_min3A_66 : f32 to vector<16xf32>
      %gt3A = arith.cmpf ogt, %get3A_9, %broadcast_in_dim3A_67 : vector<16xf32>
      %gt3A_68 = arith.cmpf ogt, %get3A_12, %broadcast_in_dim3A_67 : vector<16xf32>
      %gt3A_69 = arith.cmpf ogt, %get3A_15, %broadcast_in_dim3A_67 : vector<16xf32>
      %gt3A_70 = arith.cmpf ogt, %get3A_18, %broadcast_in_dim3A_67 : vector<16xf32>
      %all_reduce_population_count3A = tpu.all_reduce %gt3A {dim = 0 : i64, kind = #tpu.reduction_kind<sum>} : vector<16xi1> -> vector<16xi32>
      %all_reduce_population_count3A_71 = tpu.all_reduce %gt3A_68 {dim = 0 : i64, kind = #tpu.reduction_kind<sum>} : vector<16xi1> -> vector<16xi32>
      %add3A_72 = arith.addi %all_reduce_population_count3A, %all_reduce_population_count3A_71 : vector<16xi32>
      %all_reduce_population_count3A_73 = tpu.all_reduce %gt3A_69 {dim = 0 : i64, kind = #tpu.reduction_kind<sum>} : vector<16xi1> -> vector<16xi32>
      %add3A_74 = arith.addi %add3A_72, %all_reduce_population_count3A_73 : vector<16xi32>
      %all_reduce_population_count3A_75 = tpu.all_reduce %gt3A_70 {dim = 0 : i64, kind = #tpu.reduction_kind<sum>} : vector<16xi1> -> vector<16xi32>
      %add3A_76 = arith.addi %add3A_74, %all_reduce_population_count3A_75 : vector<16xi32>
      %sub3A = arith.constant 8 : i32
      %sub3A_77 = vector.broadcast %sub3A : i32 to vector<16xi32>
      %sub3A_78 = arith.subi %sub3A_77, %add3A_76 : vector<16xi32>
      %broadcast_in_dim3A_79 = arith.constant 0 : i32
      %broadcast_in_dim3A_80 = vector.broadcast %broadcast_in_dim3A_79 : i32 to vector<16xi32>
      %eq3A = arith.cmpf oeq, %get3A_9, %broadcast_in_dim3A_67 : vector<16xf32>
      %convert_element_type3A = arith.extui %eq3A : vector<16xi1> to vector<16xi32>
      %cumsum3A = arith.constant true
      %cumsum3A_81 = vector.broadcast %cumsum3A : i1 to vector<16xi1>
      %cumsum3A_82 = tpu.scan <sum>, %convert_element_type3A masked %cumsum3A_81 : vector<16xi32>, vector<16xi1> -> vector<16xi32>
      %add3A_83 = arith.addi %broadcast_in_dim3A_80, %cumsum3A_82 : vector<16xi32>
      %le3A = arith.cmpi sle, %add3A_83, %sub3A_78 : vector<16xi32>
      %and3A = arith.andi %eq3A, %le3A : vector<16xi1>
      %or3A = arith.ori %gt3A, %and3A : vector<16xi1>
      %jit3A_84 = arith.constant 0.000000e+00 : f32
      %broadcast_in_dim3A_85 = vector.broadcast %jit3A_84 : f32 to vector<16xf32>
      %select_n3A_86 = arith.select %or3A, %get3A_9, %broadcast_in_dim3A_85 : vector<16xi1>, vector<16xf32>
      %swap3A = arith.index_cast %scan3A_7 : i32 to index
      %swap3A_87 = arith.constant 0 : index
      %swap3A_88 = tpu.vector_load %arg6[%swap3A, %swap3A_87] {strides = array<i32>} : memref<64x64xf32, #tpu.memory_space<vmem>>, vector<16xf32>,
      tpu.vector_store %arg6[%swap3A, %swap3A_87], %select_n3A_86 {strides = array<i32>} : memref<64x64xf32, #tpu.memory_space<vmem>>, vector<16xf32>,
      %convert_element_type3A_89 = arith.extui %or3A : vector<16xi1> to vector<16xi32>
      %convert_element_type3A_90 = arith.sitofp %convert_element_type3A_89 : vector<16xi32> to vector<16xf32>
      %swap3A_91 = arith.index_cast %scan3A_7 : i32 to index
      %swap3A_92 = arith.constant 0 : index
      %swap3A_93 = tpu.vector_load %arg7[%swap3A_91, %swap3A_92] {strides = array<i32>} : memref<64x64xf32, #tpu.memory_space<vmem>>, vector<16xf32>,
      tpu.vector_store %arg7[%swap3A_91, %swap3A_92], %convert_element_type3A_90 {strides = array<i32>} : memref<64x64xf32, #tpu.memory_space<vmem>>, vector<16xf32>,
      %all_reduce_population_count3A_94 = tpu.all_reduce %eq3A {dim = 0 : i64, kind = #tpu.reduction_kind<sum>} : vector<16xi1> -> vector<16xi32>
      %add3A_95 = arith.addi %broadcast_in_dim3A_80, %all_reduce_population_count3A_94 : vector<16xi32>
      %eq3A_96 = arith.cmpf oeq, %get3A_12, %broadcast_in_dim3A_67 : vector<16xf32>
      %convert_element_type3A_97 = arith.extui %eq3A_96 : vector<16xi1> to vector<16xi32>
      %cumsum3A_98 = arith.constant true
      %cumsum3A_99 = vector.broadcast %cumsum3A_98 : i1 to vector<16xi1>
      %cumsum3A_100 = tpu.scan <sum>, %convert_element_type3A_97 masked %cumsum3A_99 : vector<16xi32>, vector<16xi1> -> vector<16xi32>
      %add3A_101 = arith.addi %add3A_95, %cumsum3A_100 : vector<16xi32>
      %le3A_102 = arith.cmpi sle, %add3A_101, %sub3A_78 : vector<16xi32>
      %and3A_103 = arith.andi %eq3A_96, %le3A_102 : vector<16xi1>
      %or3A_104 = arith.ori %gt3A_68, %and3A_103 : vector<16xi1>
      %jit3A_105 = arith.constant 0.000000e+00 : f32
      %broadcast_in_dim3A_106 = vector.broadcast %jit3A_105 : f32 to vector<16xf32>
      %select_n3A_107 = arith.select %or3A_104, %get3A_12, %broadcast_in_dim3A_106 : vector<16xi1>, vector<16xf32>
      %swap3A_108 = arith.index_cast %scan3A_7 : i32 to index
      %swap3A_109 = arith.constant 16 : index
      %swap3A_110 = tpu.vector_load %arg6[%swap3A_108, %swap3A_109] {strides = array<i32>} : memref<64x64xf32, #tpu.memory_space<vmem>>, vector<16xf32>,
      tpu.vector_store %arg6[%swap3A_108, %swap3A_109], %select_n3A_107 {strides = array<i32>} : memref<64x64xf32, #tpu.memory_space<vmem>>, vector<16xf32>,
      %convert_element_type3A_111 = arith.extui %or3A_104 : vector<16xi1> to vector<16xi32>
      %convert_element_type3A_112 = arith.sitofp %convert_element_type3A_111 : vector<16xi32> to vector<16xf32>
      %swap3A_113 = arith.index_cast %scan3A_7 : i32 to index
      %swap3A_114 = arith.constant 16 : index
      %swap3A_115 = tpu.vector_load %arg7[%swap3A_113, %swap3A_114] {strides = array<i32>} : memref<64x64xf32, #tpu.memory_space<vmem>>, vector<16xf32>,
      tpu.vector_store %arg7[%swap3A_113, %swap3A_114], %convert_element_type3A_112 {strides = array<i32>} : memref<64x64xf32, #tpu.memory_space<vmem>>, vector<16xf32>,
      %all_reduce_population_count3A_116 = tpu.all_reduce %eq3A_96 {dim = 0 : i64, kind = #tpu.reduction_kind<sum>} : vector<16xi1> -> vector<16xi32>
      %add3A_117 = arith.addi %add3A_95, %all_reduce_population_count3A_116 : vector<16xi32>
      %eq3A_118 = arith.cmpf oeq, %get3A_15, %broadcast_in_dim3A_67 : vector<16xf32>
      %convert_element_type3A_119 = arith.extui %eq3A_118 : vector<16xi1> to vector<16xi32>
      %cumsum3A_120 = arith.constant true
      %cumsum3A_121 = vector.broadcast %cumsum3A_120 : i1 to vector<16xi1>
      %cumsum3A_122 = tpu.scan <sum>, %convert_element_type3A_119 masked %cumsum3A_121 : vector<16xi32>, vector<16xi1> -> vector<16xi32>
      %add3A_123 = arith.addi %add3A_117, %cumsum3A_122 : vector<16xi32>
      %le3A_124 = arith.cmpi sle, %add3A_123, %sub3A_78 : vector<16xi32>
      %and3A_125 = arith.andi %eq3A_118, %le3A_124 : vector<16xi1>
      %or3A_126 = arith.ori %gt3A_69, %and3A_125 : vector<16xi1>
      %jit3A_127 = arith.constant 0.000000e+00 : f32
      %broadcast_in_dim3A_128 = vector.broadcast %jit3A_127 : f32 to vector<16xf32>
      %select_n3A_129 = arith.select %or3A_126, %get3A_15, %broadcast_in_dim3A_128 : vector<16xi1>, vector<16xf32>
      %swap3A_130 = arith.index_cast %scan3A_7 : i32 to index
      %swap3A_131 = arith.constant 32 : index
      %swap3A_132 = tpu.vector_load %arg6[%swap3A_130, %swap3A_131] {strides = array<i32>} : memref<64x64xf32, #tpu.memory_space<vmem>>, vector<16xf32>,
      tpu.vector_store %arg6[%swap3A_130, %swap3A_131], %select_n3A_129 {strides = array<i32>} : memref<64x64xf32, #tpu.memory_space<vmem>>, vector<16xf32>,
      %convert_element_type3A_133 = arith.extui %or3A_126 : vector<16xi1> to vector<16xi32>
      %convert_element_type3A_134 = arith.sitofp %convert_element_type3A_133 : vector<16xi32> to vector<16xf32>
      %swap3A_135 = arith.index_cast %scan3A_7 : i32 to index
      %swap3A_136 = arith.constant 32 : index
      %swap3A_137 = tpu.vector_load %arg7[%swap3A_135, %swap3A_136] {strides = array<i32>} : memref<64x64xf32, #tpu.memory_space<vmem>>, vector<16xf32>,
      tpu.vector_store %arg7[%swap3A_135, %swap3A_136], %convert_element_type3A_134 {strides = array<i32>} : memref<64x64xf32, #tpu.memory_space<vmem>>, vector<16xf32>,
      %all_reduce_population_count3A_138 = tpu.all_reduce %eq3A_118 {dim = 0 : i64, kind = #tpu.reduction_kind<sum>} : vector<16xi1> -> vector<16xi32>
      %add3A_139 = arith.addi %add3A_117, %all_reduce_population_count3A_138 : vector<16xi32>
      %eq3A_140 = arith.cmpf oeq, %get3A_18, %broadcast_in_dim3A_67 : vector<16xf32>
      %convert_element_type3A_141 = arith.extui %eq3A_140 : vector<16xi1> to vector<16xi32>
      %cumsum3A_142 = arith.constant true
      %cumsum3A_143 = vector.broadcast %cumsum3A_142 : i1 to vector<16xi1>
      %cumsum3A_144 = tpu.scan <sum>, %convert_element_type3A_141 masked %cumsum3A_143 : vector<16xi32>, vector<16xi1> -> vector<16xi32>
      %add3A_145 = arith.addi %add3A_139, %cumsum3A_144 : vector<16xi32>
      %le3A_146 = arith.cmpi sle, %add3A_145, %sub3A_78 : vector<16xi32>
      %and3A_147 = arith.andi %eq3A_140, %le3A_146 : vector<16xi1>
      %or3A_148 = arith.ori %gt3A_70, %and3A_147 : vector<16xi1>
      %jit3A_149 = arith.constant 0.000000e+00 : f32
      %broadcast_in_dim3A_150 = vector.broadcast %jit3A_149 : f32 to vector<16xf32>
      %select_n3A_151 = arith.select %or3A_148, %get3A_18, %broadcast_in_dim3A_150 : vector<16xi1>, vector<16xf32>
      %swap3A_152 = arith.index_cast %scan3A_7 : i32 to index
      %swap3A_153 = arith.constant 48 : index
      %swap3A_154 = tpu.vector_load %arg6[%swap3A_152, %swap3A_153] {strides = array<i32>} : memref<64x64xf32, #tpu.memory_space<vmem>>, vector<16xf32>,
      tpu.vector_store %arg6[%swap3A_152, %swap3A_153], %select_n3A_151 {strides = array<i32>} : memref<64x64xf32, #tpu.memory_space<vmem>>, vector<16xf32>,
      %convert_element_type3A_155 = arith.extui %or3A_148 : vector<16xi1> to vector<16xi32>
      %convert_element_type3A_156 = arith.sitofp %convert_element_type3A_155 : vector<16xi32> to vector<16xf32>
      %swap3A_157 = arith.index_cast %scan3A_7 : i32 to index
      %swap3A_158 = arith.constant 48 : index
      %swap3A_159 = tpu.vector_load %arg7[%swap3A_157, %swap3A_158] {strides = array<i32>} : memref<64x64xf32, #tpu.memory_space<vmem>>, vector<16xf32>,
      tpu.vector_store %arg7[%swap3A_157, %swap3A_158], %convert_element_type3A_156 {strides = array<i32>} : memref<64x64xf32, #tpu.memory_space<vmem>>, vector<16xf32>,
      %all_reduce_population_count3A_160 = tpu.all_reduce %eq3A_140 {dim = 0 : i64, kind = #tpu.reduction_kind<sum>} : vector<16xi1> -> vector<16xi32>
      %add3A_161 = arith.addi %add3A_139, %all_reduce_population_count3A_160 : vector<16xi32>
    }
    %scan3A_6 = arith.constant 64 : i32
    "tpu.region"() ({
      %run_scoped3A = tpu.sem_alloc : memref<!tpu.dma_semaphore, #tpu.memory_space<semaphore_mem>>
      %dma_start3A = arith.constant 0 : i32
      %dma_start3A_7 = tpu.memref_slice %arg3[%mul3A_2, %dma_start3A] : memref<2048x64xf32, #tpu.memory_space<hbm>> -> memref<64x64xf32, #tpu.memory_space<hbm>>
      %dma_start3A_8 = arith.constant 0 : i32
      %dma_start3A_9 = tpu.memref_slice %arg3[%mul3A_2, %dma_start3A_8] : memref<2048x64xf32, #tpu.memory_space<hbm>> -> memref<64x64xf32, #tpu.memory_space<hbm>>
      tpu.enqueue_dma source(%arg6 : memref<64x64xf32, #tpu.memory_space<vmem>>) target(%dma_start3A_9 : memref<64x64xf32, #tpu.memory_space<hbm>>) target_semaphore(%run_scoped3A : memref<!tpu.dma_semaphore, #tpu.memory_space<semaphore_mem>>)
      %dma_wait3A = arith.constant 0 : i32
      %dma_wait3A_10 = tpu.memref_slice %arg3[%mul3A_2, %dma_wait3A] : memref<2048x64xf32, #tpu.memory_space<hbm>> -> memref<64x64xf32, #tpu.memory_space<hbm>>
      %dma_wait3A_11 = arith.constant 0 : i32
      %dma_wait3A_12 = tpu.memref_slice %arg3[%mul3A_2, %dma_wait3A_11] : memref<2048x64xf32, #tpu.memory_space<hbm>> -> memref<64x64xf32, #tpu.memory_space<hbm>>
      tpu.wait_dma2 semaphore(%run_scoped3A : memref<!tpu.dma_semaphore, #tpu.memory_space<semaphore_mem>>) src(%arg6 : memref<64x64xf32, #tpu.memory_space<vmem>>) dst(%dma_wait3A_12 : memref<64x64xf32, #tpu.memory_space<hbm>>)
      tpu.yield
    }) : () -> ()
    "tpu.region"() ({
      %run_scoped3A = tpu.sem_alloc : memref<!tpu.dma_semaphore, #tpu.memory_space<semaphore_mem>>
      %dma_start3A = arith.constant 0 : i32
      %dma_start3A_7 = tpu.memref_slice %arg4[%mul3A_2, %dma_start3A] : memref<2048x64xf32, #tpu.memory_space<hbm>> -> memref<64x64xf32, #tpu.memory_space<hbm>>
      %dma_start3A_8 = arith.constant 0 : i32
      %dma_start3A_9 = tpu.memref_slice %arg4[%mul3A_2, %dma_start3A_8] : memref<2048x64xf32, #tpu.memory_space<hbm>> -> memref<64x64xf32, #tpu.memory_space<hbm>>
      tpu.enqueue_dma source(%arg7 : memref<64x64xf32, #tpu.memory_space<vmem>>) target(%dma_start3A_9 : memref<64x64xf32, #tpu.memory_space<hbm>>) target_semaphore(%run_scoped3A : memref<!tpu.dma_semaphore, #tpu.memory_space<semaphore_mem>>)
      %dma_wait3A = arith.constant 0 : i32
      %dma_wait3A_10 = tpu.memref_slice %arg4[%mul3A_2, %dma_wait3A] : memref<2048x64xf32, #tpu.memory_space<hbm>> -> memref<64x64xf32, #tpu.memory_space<hbm>>
      %dma_wait3A_11 = arith.constant 0 : i32
      %dma_wait3A_12 = tpu.memref_slice %arg4[%mul3A_2, %dma_wait3A_11] : memref<2048x64xf32, #tpu.memory_space<hbm>> -> memref<64x64xf32, #tpu.memory_space<hbm>>
      tpu.wait_dma2 semaphore(%run_scoped3A : memref<!tpu.dma_semaphore, #tpu.memory_space<semaphore_mem>>) src(%arg7 : memref<64x64xf32, #tpu.memory_space<vmem>>) dst(%dma_wait3A_12 : memref<64x64xf32, #tpu.memory_space<hbm>>)
      tpu.yield
    }) : () -> ()
    return
  }
}

#map = affine_map<(d0, d1) -> (0, 0)>
module attributes {stable_mosaic.version = 14 : i64} {
  func.func @_sc_topk_body(%arg0: i32, %arg1: i32, %arg2: memref<2048x64xf32, #tpu.memory_space<hbm>>, %arg3: memref<2048x64xf32, #tpu.memory_space<hbm>>, %arg4: memref<2048x64xf32, #tpu.memory_space<hbm>>, %arg5: memref<64x64xf32, #tpu.memory_space<vmem>>, %arg6: memref<64x64xf32, #tpu.memory_space<vmem>>, %arg7: memref<64x64xf32, #tpu.memory_space<vmem>>) attributes {dimension_semantics = [#tpu.dimension_semantics<core_parallel>, #tpu.dimension_semantics<subcore_parallel>], iteration_bounds = array<i64: 2, 16>, scalar_prefetch = 0 : i64, scratch_operands = 3 : i64, tpu.core_type = #tpu.core_type<sc_vector_subcore>, window_params = [{transform_indices = #map}, {transform_indices = #map}, {transform_indices = #map}]} {
    %mul3A = arith.constant 2 : i32
    %mul3A_0 = arith.muli %arg1, %mul3A : i32
    %add3A = arith.addi %mul3A_0, %arg0 : i32
    %mul3A_1 = arith.constant 64 : i32
    %mul3A_2 = arith.muli %add3A, %mul3A_1 : i32
    "tpu.region"() ({
      %run_scoped3A = tpu.sem_alloc : memref<!tpu.dma_semaphore, #tpu.memory_space<semaphore_mem>>
      %dma_start3A = arith.constant 0 : i32
      %dma_start3A_7 = tpu.memref_slice %arg2[%mul3A_2, %dma_start3A] : memref<2048x64xf32, #tpu.memory_space<hbm>> -> memref<64x64xf32, #tpu.memory_space<hbm>>
      %dma_start3A_8 = arith.constant 0 : i32
      %dma_start3A_9 = tpu.memref_slice %arg2[%mul3A_2, %dma_start3A_8] : memref<2048x64xf32, #tpu.memory_space<hbm>> -> memref<64x64xf32, #tpu.memory_space<hbm>>
      tpu.enqueue_dma source(%dma_start3A_9 : memref<64x64xf32, #tpu.memory_space<hbm>>) target(%arg5 : memref<64x64xf32, #tpu.memory_space<vmem>>) target_semaphore(%run_scoped3A : memref<!tpu.dma_semaphore, #tpu.memory_space<semaphore_mem>>)
      %dma_wait3A = arith.constant 0 : i32
      %dma_wait3A_10 = tpu.memref_slice %arg2[%mul3A_2, %dma_wait3A] : memref<2048x64xf32, #tpu.memory_space<hbm>> -> memref<64x64xf32, #tpu.memory_space<hbm>>
      %dma_wait3A_11 = arith.constant 0 : i32
      %dma_wait3A_12 = tpu.memref_slice %arg2[%mul3A_2, %dma_wait3A_11] : memref<2048x64xf32, #tpu.memory_space<hbm>> -> memref<64x64xf32, #tpu.memory_space<hbm>>
      tpu.wait_dma2 semaphore(%run_scoped3A : memref<!tpu.dma_semaphore, #tpu.memory_space<semaphore_mem>>) src(%dma_wait3A_12 : memref<64x64xf32, #tpu.memory_space<hbm>>) dst(%arg5 : memref<64x64xf32, #tpu.memory_space<vmem>>)
      tpu.yield
    }) : () -> ()
    %iota3A = tpu.iota {dimensions = array<i32: 0>} : vector<16xi32>
    %scan3A = arith.constant 0 : i32
    %scan3A_3 = arith.constant 64 : i32
    %scan3A_4 = arith.addi %scan3A, %scan3A_3 : i32
    %scan3A_5 = arith.constant 1 : i32
    scf.for %scan3A_7 = %scan3A to %scan3A_4 step %scan3A_5  : i32 {
      %get3A = arith.index_cast %scan3A_7 : i32 to index
      %get3A_8 = arith.constant 0 : index
      %get3A_9 = tpu.vector_load %arg5[%get3A, %get3A_8] {strides = array<i32>} : memref<64x64xf32, #tpu.memory_space<vmem>>, vector<16xf32>,
      %get3A_10 = arith.index_cast %scan3A_7 : i32 to index
      %get3A_11 = arith.constant 16 : index
      %get3A_12 = tpu.vector_load %arg5[%get3A_10, %get3A_11] {strides = array<i32>} : memref<64x64xf32, #tpu.memory_space<vmem>>, vector<16xf32>,
      %get3A_13 = arith.index_cast %scan3A_7 : i32 to index
      %get3A_14 = arith.constant 32 : index
      %get3A_15 = tpu.vector_load %arg5[%get3A_13, %get3A_14] {strides = array<i32>} : memref<64x64xf32, #tpu.memory_space<vmem>>, vector<16xf32>,
      %get3A_16 = arith.index_cast %scan3A_7 : i32 to index
      %get3A_17 = arith.constant 48 : index
      %get3A_18 = tpu.vector_load %arg5[%get3A_16, %get3A_17] {strides = array<i32>} : memref<64x64xf32, #tpu.memory_space<vmem>>, vector<16xf32>,
      %masked_sort3A = arith.constant dense<true> : vector<16xi1>
      %masked_sort3A_19, %masked_sort3A_20, %masked_sort3A_21 = tpu.sort %get3A_9, %get3A_9 masked %masked_sort3A : (vector<16xf32>, vector<16xf32>, vector<16xi1>) -> (vector<16xi1>, vector<16xf32>, vector<16xf32>)
      %masked_sort3A_22 = arith.constant dense<true> : vector<16xi1>
      %masked_sort3A_23, %masked_sort3A_24, %masked_sort3A_25 = tpu.sort %get3A_12, %get3A_12 masked %masked_sort3A_22 : (vector<16xf32>, vector<16xf32>, vector<16xi1>) -> (vector<16xi1>, vector<16xf32>, vector<16xf32>)
      %masked_sort3A_26 = arith.constant dense<true> : vector<16xi1>
      %masked_sort3A_27, %masked_sort3A_28, %masked_sort3A_29 = tpu.sort %get3A_15, %get3A_15 masked %masked_sort3A_26 : (vector<16xf32>, vector<16xf32>, vector<16xi1>) -> (vector<16xi1>, vector<16xf32>, vector<16xf32>)
      %masked_sort3A_30 = arith.constant dense<true> : vector<16xi1>
      %masked_sort3A_31, %masked_sort3A_32, %masked_sort3A_33 = tpu.sort %get3A_18, %get3A_18 masked %masked_sort3A_30 : (vector<16xf32>, vector<16xf32>, vector<16xi1>) -> (vector<16xi1>, vector<16xf32>, vector<16xf32>)
      %rev3A = arith.constant 15 : i32
      %rev3A_34 = vector.broadcast %rev3A : i32 to vector<16xi32>
      %rev3A_35 = tpu.iota {dimensions = array<i32: 0>} : vector<16xi32>
      %rev3A_36 = arith.subi %rev3A_34, %rev3A_35 : vector<16xi32>
      %rev3A_37 = tpu.dynamic_gather %masked_sort3A_24[%rev3A_36] in [0] : vector<16xf32>, vector<16xi32> -> vector<16xf32>
      %max3A = arith.maximumf %masked_sort3A_20, %rev3A_37 : vector<16xf32>
      %rev3A_38 = arith.constant 15 : i32
      %rev3A_39 = vector.broadcast %rev3A_38 : i32 to vector<16xi32>
      %rev3A_40 = tpu.iota {dimensions = array<i32: 0>} : vector<16xi32>
      %rev3A_41 = arith.subi %rev3A_39, %rev3A_40 : vector<16xi32>
      %rev3A_42 = tpu.dynamic_gather %masked_sort3A_32[%rev3A_41] in [0] : vector<16xf32>, vector<16xi32> -> vector<16xf32>
      %max3A_43 = arith.maximumf %masked_sort3A_28, %rev3A_42 : vector<16xf32>
      %masked_sort3A_44 = arith.constant dense<true> : vector<16xi1>
      %masked_sort3A_45, %masked_sort3A_46, %masked_sort3A_47 = tpu.sort %max3A, %max3A masked %masked_sort3A_44 : (vector<16xf32>, vector<16xf32>, vector<16xi1>) -> (vector<16xi1>, vector<16xf32>, vector<16xf32>)
      %masked_sort3A_48 = arith.constant dense<true> : vector<16xi1>
      %masked_sort3A_49, %masked_sort3A_50, %masked_sort3A_51 = tpu.sort %max3A_43, %max3A_43 masked %masked_sort3A_48 : (vector<16xf32>, vector<16xf32>, vector<16xi1>) -> (vector<16xi1>, vector<16xf32>, vector<16xf32>)
      %rev3A_52 = arith.constant 15 : i32
      %rev3A_53 = vector.broadcast %rev3A_52 : i32 to vector<16xi32>
      %rev3A_54 = tpu.iota {dimensions = array<i32: 0>} : vector<16xi32>
      %rev3A_55 = arith.subi %rev3A_53, %rev3A_54 : vector<16xi32>
      %rev3A_56 = tpu.dynamic_gather %masked_sort3A_50[%rev3A_55] in [0] : vector<16xf32>, vector<16xi32> -> vector<16xf32>
      %max3A_57 = arith.maximumf %masked_sort3A_46, %rev3A_56 : vector<16xf32>
      %masked_sort3A_58 = arith.constant dense<true> : vector<16xi1>
      %masked_sort3A_59, %masked_sort3A_60, %masked_sort3A_61 = tpu.sort %max3A_57, %max3A_57 masked %masked_sort3A_58 : (vector<16xf32>, vector<16xf32>, vector<16xi1>) -> (vector<16xi1>, vector<16xf32>, vector<16xf32>)
      %ge3A = arith.constant 8 : i32
      %ge3A_62 = vector.broadcast %ge3A : i32 to vector<16xi32>
      %ge3A_63 = arith.cmpi sge, %iota3A, %ge3A_62 : vector<16xi32>
      %jit3A = arith.constant 0x7F800000 : f32
      %broadcast_in_dim3A = vector.broadcast %jit3A : f32 to vector<16xf32>
      %select_n3A = arith.select %ge3A_63, %masked_sort3A_60, %broadcast_in_dim3A : vector<16xi1>, vector<16xf32>
      %reduce_min3A = arith.constant true
      %reduce_min3A_64 = vector.broadcast %reduce_min3A : i1 to vector<16xi1>
      %reduce_min3A_65 = tpu.scan <min>, %select_n3A masked %reduce_min3A_64 : vector<16xf32>, vector<16xi1> -> vector<16xf32>
      %reduce_min3A_66 = vector.extract %reduce_min3A_65[15] : f32 from vector<16xf32>
      %broadcast_in_dim3A_67 = vector.broadcast %reduce_min3A_66 : f32 to vector<16xf32>
      %gt3A = arith.cmpf ogt, %get3A_9, %broadcast_in_dim3A_67 : vector<16xf32>
      %gt3A_68 = arith.cmpf ogt, %get3A_12, %broadcast_in_dim3A_67 : vector<16xf32>
      %gt3A_69 = arith.cmpf ogt, %get3A_15, %broadcast_in_dim3A_67 : vector<16xf32>
      %gt3A_70 = arith.cmpf ogt, %get3A_18, %broadcast_in_dim3A_67 : vector<16xf32>
      %all_reduce_population_count3A = tpu.all_reduce %gt3A {dim = 0 : i64, kind = #tpu.reduction_kind<sum>} : vector<16xi1> -> vector<16xi32>
      %all_reduce_population_count3A_71 = tpu.all_reduce %gt3A_68 {dim = 0 : i64, kind = #tpu.reduction_kind<sum>} : vector<16xi1> -> vector<16xi32>
      %add3A_72 = arith.addi %all_reduce_population_count3A, %all_reduce_population_count3A_71 : vector<16xi32>
      %all_reduce_population_count3A_73 = tpu.all_reduce %gt3A_69 {dim = 0 : i64, kind = #tpu.reduction_kind<sum>} : vector<16xi1> -> vector<16xi32>
      %add3A_74 = arith.addi %add3A_72, %all_reduce_population_count3A_73 : vector<16xi32>
      %all_reduce_population_count3A_75 = tpu.all_reduce %gt3A_70 {dim = 0 : i64, kind = #tpu.reduction_kind<sum>} : vector<16xi1> -> vector<16xi32>
      %add3A_76 = arith.addi %add3A_74, %all_reduce_population_count3A_75 : vector<16xi32>
      %sub3A = arith.constant 8 : i32
      %sub3A_77 = vector.broadcast %sub3A : i32 to vector<16xi32>
      %sub3A_78 = arith.subi %sub3A_77, %add3A_76 : vector<16xi32>
      %broadcast_in_dim3A_79 = arith.constant 0 : i32
      %broadcast_in_dim3A_80 = vector.broadcast %broadcast_in_dim3A_79 : i32 to vector<16xi32>
      %eq3A = arith.cmpf oeq, %get3A_9, %broadcast_in_dim3A_67 : vector<16xf32>
      %convert_element_type3A = arith.extui %eq3A : vector<16xi1> to vector<16xi32>
      %cumsum3A = arith.constant true
      %cumsum3A_81 = vector.broadcast %cumsum3A : i1 to vector<16xi1>
      %cumsum3A_82 = tpu.scan <sum>, %convert_element_type3A masked %cumsum3A_81 : vector<16xi32>, vector<16xi1> -> vector<16xi32>
      %add3A_83 = arith.addi %broadcast_in_dim3A_80, %cumsum3A_82 : vector<16xi32>
      %le3A = arith.cmpi sle, %add3A_83, %sub3A_78 : vector<16xi32>
      %and3A = arith.andi %eq3A, %le3A : vector<16xi1>
      %or3A = arith.ori %gt3A, %and3A : vector<16xi1>
      %jit3A_84 = arith.constant 0.000000e+00 : f32
      %broadcast_in_dim3A_85 = vector.broadcast %jit3A_84 : f32 to vector<16xf32>
      %select_n3A_86 = arith.select %or3A, %get3A_9, %broadcast_in_dim3A_85 : vector<16xi1>, vector<16xf32>
      %swap3A = arith.index_cast %scan3A_7 : i32 to index
      %swap3A_87 = arith.constant 0 : index
      %swap3A_88 = tpu.vector_load %arg6[%swap3A, %swap3A_87] {strides = array<i32>} : memref<64x64xf32, #tpu.memory_space<vmem>>, vector<16xf32>,
      tpu.vector_store %arg6[%swap3A, %swap3A_87], %select_n3A_86 {strides = array<i32>} : memref<64x64xf32, #tpu.memory_space<vmem>>, vector<16xf32>,
      %convert_element_type3A_89 = arith.extui %or3A : vector<16xi1> to vector<16xi32>
      %convert_element_type3A_90 = arith.sitofp %convert_element_type3A_89 : vector<16xi32> to vector<16xf32>
      %swap3A_91 = arith.index_cast %scan3A_7 : i32 to index
      %swap3A_92 = arith.constant 0 : index
      %swap3A_93 = tpu.vector_load %arg7[%swap3A_91, %swap3A_92] {strides = array<i32>} : memref<64x64xf32, #tpu.memory_space<vmem>>, vector<16xf32>,
      tpu.vector_store %arg7[%swap3A_91, %swap3A_92], %convert_element_type3A_90 {strides = array<i32>} : memref<64x64xf32, #tpu.memory_space<vmem>>, vector<16xf32>,
      %all_reduce_population_count3A_94 = tpu.all_reduce %eq3A {dim = 0 : i64, kind = #tpu.reduction_kind<sum>} : vector<16xi1> -> vector<16xi32>
      %add3A_95 = arith.addi %broadcast_in_dim3A_80, %all_reduce_population_count3A_94 : vector<16xi32>
      %eq3A_96 = arith.cmpf oeq, %get3A_12, %broadcast_in_dim3A_67 : vector<16xf32>
      %convert_element_type3A_97 = arith.extui %eq3A_96 : vector<16xi1> to vector<16xi32>
      %cumsum3A_98 = arith.constant true
      %cumsum3A_99 = vector.broadcast %cumsum3A_98 : i1 to vector<16xi1>
      %cumsum3A_100 = tpu.scan <sum>, %convert_element_type3A_97 masked %cumsum3A_99 : vector<16xi32>, vector<16xi1> -> vector<16xi32>
      %add3A_101 = arith.addi %add3A_95, %cumsum3A_100 : vector<16xi32>
      %le3A_102 = arith.cmpi sle, %add3A_101, %sub3A_78 : vector<16xi32>
      %and3A_103 = arith.andi %eq3A_96, %le3A_102 : vector<16xi1>
      %or3A_104 = arith.ori %gt3A_68, %and3A_103 : vector<16xi1>
      %jit3A_105 = arith.constant 0.000000e+00 : f32
      %broadcast_in_dim3A_106 = vector.broadcast %jit3A_105 : f32 to vector<16xf32>
      %select_n3A_107 = arith.select %or3A_104, %get3A_12, %broadcast_in_dim3A_106 : vector<16xi1>, vector<16xf32>
      %swap3A_108 = arith.index_cast %scan3A_7 : i32 to index
      %swap3A_109 = arith.constant 16 : index
      %swap3A_110 = tpu.vector_load %arg6[%swap3A_108, %swap3A_109] {strides = array<i32>} : memref<64x64xf32, #tpu.memory_space<vmem>>, vector<16xf32>,
      tpu.vector_store %arg6[%swap3A_108, %swap3A_109], %select_n3A_107 {strides = array<i32>} : memref<64x64xf32, #tpu.memory_space<vmem>>, vector<16xf32>,
      %convert_element_type3A_111 = arith.extui %or3A_104 : vector<16xi1> to vector<16xi32>
      %convert_element_type3A_112 = arith.sitofp %convert_element_type3A_111 : vector<16xi32> to vector<16xf32>
      %swap3A_113 = arith.index_cast %scan3A_7 : i32 to index
      %swap3A_114 = arith.constant 16 : index
      %swap3A_115 = tpu.vector_load %arg7[%swap3A_113, %swap3A_114] {strides = array<i32>} : memref<64x64xf32, #tpu.memory_space<vmem>>, vector<16xf32>,
      tpu.vector_store %arg7[%swap3A_113, %swap3A_114], %convert_element_type3A_112 {strides = array<i32>} : memref<64x64xf32, #tpu.memory_space<vmem>>, vector<16xf32>,
      %all_reduce_population_count3A_116 = tpu.all_reduce %eq3A_96 {dim = 0 : i64, kind = #tpu.reduction_kind<sum>} : vector<16xi1> -> vector<16xi32>
      %add3A_117 = arith.addi %add3A_95, %all_reduce_population_count3A_116 : vector<16xi32>
      %eq3A_118 = arith.cmpf oeq, %get3A_15, %broadcast_in_dim3A_67 : vector<16xf32>
      %convert_element_type3A_119 = arith.extui %eq3A_118 : vector<16xi1> to vector<16xi32>
      %cumsum3A_120 = arith.constant true
      %cumsum3A_121 = vector.broadcast %cumsum3A_120 : i1 to vector<16xi1>
      %cumsum3A_122 = tpu.scan <sum>, %convert_element_type3A_119 masked %cumsum3A_121 : vector<16xi32>, vector<16xi1> -> vector<16xi32>
      %add3A_123 = arith.addi %add3A_117, %cumsum3A_122 : vector<16xi32>
      %le3A_124 = arith.cmpi sle, %add3A_123, %sub3A_78 : vector<16xi32>
      %and3A_125 = arith.andi %eq3A_118, %le3A_124 : vector<16xi1>
      %or3A_126 = arith.ori %gt3A_69, %and3A_125 : vector<16xi1>
      %jit3A_127 = arith.constant 0.000000e+00 : f32
      %broadcast_in_dim3A_128 = vector.broadcast %jit3A_127 : f32 to vector<16xf32>
      %select_n3A_129 = arith.select %or3A_126, %get3A_15, %broadcast_in_dim3A_128 : vector<16xi1>, vector<16xf32>
      %swap3A_130 = arith.index_cast %scan3A_7 : i32 to index
      %swap3A_131 = arith.constant 32 : index
      %swap3A_132 = tpu.vector_load %arg6[%swap3A_130, %swap3A_131] {strides = array<i32>} : memref<64x64xf32, #tpu.memory_space<vmem>>, vector<16xf32>,
      tpu.vector_store %arg6[%swap3A_130, %swap3A_131], %select_n3A_129 {strides = array<i32>} : memref<64x64xf32, #tpu.memory_space<vmem>>, vector<16xf32>,
      %convert_element_type3A_133 = arith.extui %or3A_126 : vector<16xi1> to vector<16xi32>
      %convert_element_type3A_134 = arith.sitofp %convert_element_type3A_133 : vector<16xi32> to vector<16xf32>
      %swap3A_135 = arith.index_cast %scan3A_7 : i32 to index
      %swap3A_136 = arith.constant 32 : index
      %swap3A_137 = tpu.vector_load %arg7[%swap3A_135, %swap3A_136] {strides = array<i32>} : memref<64x64xf32, #tpu.memory_space<vmem>>, vector<16xf32>,
      tpu.vector_store %arg7[%swap3A_135, %swap3A_136], %convert_element_type3A_134 {strides = array<i32>} : memref<64x64xf32, #tpu.memory_space<vmem>>, vector<16xf32>,
      %all_reduce_population_count3A_138 = tpu.all_reduce %eq3A_118 {dim = 0 : i64, kind = #tpu.reduction_kind<sum>} : vector<16xi1> -> vector<16xi32>
      %add3A_139 = arith.addi %add3A_117, %all_reduce_population_count3A_138 : vector<16xi32>
      %eq3A_140 = arith.cmpf oeq, %get3A_18, %broadcast_in_dim3A_67 : vector<16xf32>
      %convert_element_type3A_141 = arith.extui %eq3A_140 : vector<16xi1> to vector<16xi32>
      %cumsum3A_142 = arith.constant true
      %cumsum3A_143 = vector.broadcast %cumsum3A_142 : i1 to vector<16xi1>
      %cumsum3A_144 = tpu.scan <sum>, %convert_element_type3A_141 masked %cumsum3A_143 : vector<16xi32>, vector<16xi1> -> vector<16xi32>
      %add3A_145 = arith.addi %add3A_139, %cumsum3A_144 : vector<16xi32>
      %le3A_146 = arith.cmpi sle, %add3A_145, %sub3A_78 : vector<16xi32>
      %and3A_147 = arith.andi %eq3A_140, %le3A_146 : vector<16xi1>
      %or3A_148 = arith.ori %gt3A_70, %and3A_147 : vector<16xi1>
      %jit3A_149 = arith.constant 0.000000e+00 : f32
      %broadcast_in_dim3A_150 = vector.broadcast %jit3A_149 : f32 to vector<16xf32>
      %select_n3A_151 = arith.select %or3A_148, %get3A_18, %broadcast_in_dim3A_150 : vector<16xi1>, vector<16xf32>
      %swap3A_152 = arith.index_cast %scan3A_7 : i32 to index
      %swap3A_153 = arith.constant 48 : index
      %swap3A_154 = tpu.vector_load %arg6[%swap3A_152, %swap3A_153] {strides = array<i32>} : memref<64x64xf32, #tpu.memory_space<vmem>>, vector<16xf32>,
      tpu.vector_store %arg6[%swap3A_152, %swap3A_153], %select_n3A_151 {strides = array<i32>} : memref<64x64xf32, #tpu.memory_space<vmem>>, vector<16xf32>,
      %convert_element_type3A_155 = arith.extui %or3A_148 : vector<16xi1> to vector<16xi32>
      %convert_element_type3A_156 = arith.sitofp %convert_element_type3A_155 : vector<16xi32> to vector<16xf32>
      %swap3A_157 = arith.index_cast %scan3A_7 : i32 to index
      %swap3A_158 = arith.constant 48 : index
      %swap3A_159 = tpu.vector_load %arg7[%swap3A_157, %swap3A_158] {strides = array<i32>} : memref<64x64xf32, #tpu.memory_space<vmem>>, vector<16xf32>,
      tpu.vector_store %arg7[%swap3A_157, %swap3A_158], %convert_element_type3A_156 {strides = array<i32>} : memref<64x64xf32, #tpu.memory_space<vmem>>, vector<16xf32>,
      %all_reduce_population_count3A_160 = tpu.all_reduce %eq3A_140 {dim = 0 : i64, kind = #tpu.reduction_kind<sum>} : vector<16xi1> -> vector<16xi32>
      %add3A_161 = arith.addi %add3A_139, %all_reduce_population_count3A_160 : vector<16xi32>
    }
    %scan3A_6 = arith.constant 64 : i32
    "tpu.region"() ({
      %run_scoped3A = tpu.sem_alloc : memref<!tpu.dma_semaphore, #tpu.memory_space<semaphore_mem>>
      %dma_start3A = arith.constant 0 : i32
      %dma_start3A_7 = tpu.memref_slice %arg3[%mul3A_2, %dma_start3A] : memref<2048x64xf32, #tpu.memory_space<hbm>> -> memref<64x64xf32, #tpu.memory_space<hbm>>
      %dma_start3A_8 = arith.constant 0 : i32
      %dma_start3A_9 = tpu.memref_slice %arg3[%mul3A_2, %dma_start3A_8] : memref<2048x64xf32, #tpu.memory_space<hbm>> -> memref<64x64xf32, #tpu.memory_space<hbm>>
      tpu.enqueue_dma source(%arg6 : memref<64x64xf32, #tpu.memory_space<vmem>>) target(%dma_start3A_9 : memref<64x64xf32, #tpu.memory_space<hbm>>) target_semaphore(%run_scoped3A : memref<!tpu.dma_semaphore, #tpu.memory_space<semaphore_mem>>)
      %dma_wait3A = arith.constant 0 : i32
      %dma_wait3A_10 = tpu.memref_slice %arg3[%mul3A_2, %dma_wait3A] : memref<2048x64xf32, #tpu.memory_space<hbm>> -> memref<64x64xf32, #tpu.memory_space<hbm>>
      %dma_wait3A_11 = arith.constant 0 : i32
      %dma_wait3A_12 = tpu.memref_slice %arg3[%mul3A_2, %dma_wait3A_11] : memref<2048x64xf32, #tpu.memory_space<hbm>> -> memref<64x64xf32, #tpu.memory_space<hbm>>
      tpu.wait_dma2 semaphore(%run_scoped3A : memref<!tpu.dma_semaphore, #tpu.memory_space<semaphore_mem>>) src(%arg6 : memref<64x64xf32, #tpu.memory_space<vmem>>) dst(%dma_wait3A_12 : memref<64x64xf32, #tpu.memory_space<hbm>>)
      tpu.yield
    }) : () -> ()
    "tpu.region"() ({
      %run_scoped3A = tpu.sem_alloc : memref<!tpu.dma_semaphore, #tpu.memory_space<semaphore_mem>>
      %dma_start3A = arith.constant 0 : i32
      %dma_start3A_7 = tpu.memref_slice %arg4[%mul3A_2, %dma_start3A] : memref<2048x64xf32, #tpu.memory_space<hbm>> -> memref<64x64xf32, #tpu.memory_space<hbm>>
      %dma_start3A_8 = arith.constant 0 : i32
      %dma_start3A_9 = tpu.memref_slice %arg4[%mul3A_2, %dma_start3A_8] : memref<2048x64xf32, #tpu.memory_space<hbm>> -> memref<64x64xf32, #tpu.memory_space<hbm>>
      tpu.enqueue_dma source(%arg7 : memref<64x64xf32, #tpu.memory_space<vmem>>) target(%dma_start3A_9 : memref<64x64xf32, #tpu.memory_space<hbm>>) target_semaphore(%run_scoped3A : memref<!tpu.dma_semaphore, #tpu.memory_space<semaphore_mem>>)
      %dma_wait3A = arith.constant 0 : i32
      %dma_wait3A_10 = tpu.memref_slice %arg4[%mul3A_2, %dma_wait3A] : memref<2048x64xf32, #tpu.memory_space<hbm>> -> memref<64x64xf32, #tpu.memory_space<hbm>>
      %dma_wait3A_11 = arith.constant 0 : i32
      %dma_wait3A_12 = tpu.memref_slice %arg4[%mul3A_2, %dma_wait3A_11] : memref<2048x64xf32, #tpu.memory_space<hbm>> -> memref<64x64xf32, #tpu.memory_space<hbm>>
      tpu.wait_dma2 semaphore(%run_scoped3A : memref<!tpu.dma_semaphore, #tpu.memory_space<semaphore_mem>>) src(%arg7 : memref<64x64xf32, #tpu.memory_space<vmem>>) dst(%dma_wait3A_12 : memref<64x64xf32, #tpu.memory_space<hbm>>)
      tpu.yield
    }) : () -> ()
    return
  }
}

#map = affine_map<(d0, d1) -> (0, 0)>
module attributes {stable_mosaic.version = 14 : i64} {
  func.func @_sc_topk_body(%arg0: i32, %arg1: i32, %arg2: memref<2048x64xf32, #tpu.memory_space<hbm>>, %arg3: memref<2048x64xf32, #tpu.memory_space<hbm>>, %arg4: memref<2048x64xf32, #tpu.memory_space<hbm>>, %arg5: memref<64x64xf32, #tpu.memory_space<vmem>>, %arg6: memref<64x64xf32, #tpu.memory_space<vmem>>, %arg7: memref<64x64xf32, #tpu.memory_space<vmem>>) attributes {dimension_semantics = [#tpu.dimension_semantics<core_parallel>, #tpu.dimension_semantics<subcore_parallel>], iteration_bounds = array<i64: 2, 16>, scalar_prefetch = 0 : i64, scratch_operands = 3 : i64, tpu.core_type = #tpu.core_type<sc_vector_subcore>, window_params = [{transform_indices = #map}, {transform_indices = #map}, {transform_indices = #map}]} {
    %mul3A = arith.constant 2 : i32
    %mul3A_0 = arith.muli %arg1, %mul3A : i32
    %add3A = arith.addi %mul3A_0, %arg0 : i32
    %mul3A_1 = arith.constant 64 : i32
    %mul3A_2 = arith.muli %add3A, %mul3A_1 : i32
    "tpu.region"() ({
      %run_scoped3A = tpu.sem_alloc : memref<!tpu.dma_semaphore, #tpu.memory_space<semaphore_mem>>
      %dma_start3A = arith.constant 0 : i32
      %dma_start3A_7 = tpu.memref_slice %arg2[%mul3A_2, %dma_start3A] : memref<2048x64xf32, #tpu.memory_space<hbm>> -> memref<64x64xf32, #tpu.memory_space<hbm>>
      %dma_start3A_8 = arith.constant 0 : i32
      %dma_start3A_9 = tpu.memref_slice %arg2[%mul3A_2, %dma_start3A_8] : memref<2048x64xf32, #tpu.memory_space<hbm>> -> memref<64x64xf32, #tpu.memory_space<hbm>>
      tpu.enqueue_dma source(%dma_start3A_9 : memref<64x64xf32, #tpu.memory_space<hbm>>) target(%arg5 : memref<64x64xf32, #tpu.memory_space<vmem>>) target_semaphore(%run_scoped3A : memref<!tpu.dma_semaphore, #tpu.memory_space<semaphore_mem>>)
      %dma_wait3A = arith.constant 0 : i32
      %dma_wait3A_10 = tpu.memref_slice %arg2[%mul3A_2, %dma_wait3A] : memref<2048x64xf32, #tpu.memory_space<hbm>> -> memref<64x64xf32, #tpu.memory_space<hbm>>
      %dma_wait3A_11 = arith.constant 0 : i32
      %dma_wait3A_12 = tpu.memref_slice %arg2[%mul3A_2, %dma_wait3A_11] : memref<2048x64xf32, #tpu.memory_space<hbm>> -> memref<64x64xf32, #tpu.memory_space<hbm>>
      tpu.wait_dma2 semaphore(%run_scoped3A : memref<!tpu.dma_semaphore, #tpu.memory_space<semaphore_mem>>) src(%dma_wait3A_12 : memref<64x64xf32, #tpu.memory_space<hbm>>) dst(%arg5 : memref<64x64xf32, #tpu.memory_space<vmem>>)
      tpu.yield
    }) : () -> ()
    %iota3A = tpu.iota {dimensions = array<i32: 0>} : vector<16xi32>
    %scan3A = arith.constant 0 : i32
    %scan3A_3 = arith.constant 64 : i32
    %scan3A_4 = arith.addi %scan3A, %scan3A_3 : i32
    %scan3A_5 = arith.constant 1 : i32
    scf.for %scan3A_7 = %scan3A to %scan3A_4 step %scan3A_5  : i32 {
      %get3A = arith.index_cast %scan3A_7 : i32 to index
      %get3A_8 = arith.constant 0 : index
      %get3A_9 = tpu.vector_load %arg5[%get3A, %get3A_8] {strides = array<i32>} : memref<64x64xf32, #tpu.memory_space<vmem>>, vector<16xf32>,
      %get3A_10 = arith.index_cast %scan3A_7 : i32 to index
      %get3A_11 = arith.constant 16 : index
      %get3A_12 = tpu.vector_load %arg5[%get3A_10, %get3A_11] {strides = array<i32>} : memref<64x64xf32, #tpu.memory_space<vmem>>, vector<16xf32>,
      %get3A_13 = arith.index_cast %scan3A_7 : i32 to index
      %get3A_14 = arith.constant 32 : index
      %get3A_15 = tpu.vector_load %arg5[%get3A_13, %get3A_14] {strides = array<i32>} : memref<64x64xf32, #tpu.memory_space<vmem>>, vector<16xf32>,
      %get3A_16 = arith.index_cast %scan3A_7 : i32 to index
      %get3A_17 = arith.constant 48 : index
      %get3A_18 = tpu.vector_load %arg5[%get3A_16, %get3A_17] {strides = array<i32>} : memref<64x64xf32, #tpu.memory_space<vmem>>, vector<16xf32>,
      %masked_sort3A = arith.constant dense<true> : vector<16xi1>
      %masked_sort3A_19, %masked_sort3A_20, %masked_sort3A_21 = tpu.sort %get3A_9, %get3A_9 masked %masked_sort3A : (vector<16xf32>, vector<16xf32>, vector<16xi1>) -> (vector<16xi1>, vector<16xf32>, vector<16xf32>)
      %masked_sort3A_22 = arith.constant dense<true> : vector<16xi1>
      %masked_sort3A_23, %masked_sort3A_24, %masked_sort3A_25 = tpu.sort %get3A_12, %get3A_12 masked %masked_sort3A_22 : (vector<16xf32>, vector<16xf32>, vector<16xi1>) -> (vector<16xi1>, vector<16xf32>, vector<16xf32>)
      %masked_sort3A_26 = arith.constant dense<true> : vector<16xi1>
      %masked_sort3A_27, %masked_sort3A_28, %masked_sort3A_29 = tpu.sort %get3A_15, %get3A_15 masked %masked_sort3A_26 : (vector<16xf32>, vector<16xf32>, vector<16xi1>) -> (vector<16xi1>, vector<16xf32>, vector<16xf32>)
      %masked_sort3A_30 = arith.constant dense<true> : vector<16xi1>
      %masked_sort3A_31, %masked_sort3A_32, %masked_sort3A_33 = tpu.sort %get3A_18, %get3A_18 masked %masked_sort3A_30 : (vector<16xf32>, vector<16xf32>, vector<16xi1>) -> (vector<16xi1>, vector<16xf32>, vector<16xf32>)
      %rev3A = arith.constant 15 : i32
      %rev3A_34 = vector.broadcast %rev3A : i32 to vector<16xi32>
      %rev3A_35 = tpu.iota {dimensions = array<i32: 0>} : vector<16xi32>
      %rev3A_36 = arith.subi %rev3A_34, %rev3A_35 : vector<16xi32>
      %rev3A_37 = tpu.dynamic_gather %masked_sort3A_24[%rev3A_36] in [0] : vector<16xf32>, vector<16xi32> -> vector<16xf32>
      %max3A = arith.maximumf %masked_sort3A_20, %rev3A_37 : vector<16xf32>
      %rev3A_38 = arith.constant 15 : i32
      %rev3A_39 = vector.broadcast %rev3A_38 : i32 to vector<16xi32>
      %rev3A_40 = tpu.iota {dimensions = array<i32: 0>} : vector<16xi32>
      %rev3A_41 = arith.subi %rev3A_39, %rev3A_40 : vector<16xi32>
      %rev3A_42 = tpu.dynamic_gather %masked_sort3A_32[%rev3A_41] in [0] : vector<16xf32>, vector<16xi32> -> vector<16xf32>
      %max3A_43 = arith.maximumf %masked_sort3A_28, %rev3A_42 : vector<16xf32>
      %masked_sort3A_44 = arith.constant dense<true> : vector<16xi1>
      %masked_sort3A_45, %masked_sort3A_46, %masked_sort3A_47 = tpu.sort %max3A, %max3A masked %masked_sort3A_44 : (vector<16xf32>, vector<16xf32>, vector<16xi1>) -> (vector<16xi1>, vector<16xf32>, vector<16xf32>)
      %masked_sort3A_48 = arith.constant dense<true> : vector<16xi1>
      %masked_sort3A_49, %masked_sort3A_50, %masked_sort3A_51 = tpu.sort %max3A_43, %max3A_43 masked %masked_sort3A_48 : (vector<16xf32>, vector<16xf32>, vector<16xi1>) -> (vector<16xi1>, vector<16xf32>, vector<16xf32>)
      %rev3A_52 = arith.constant 15 : i32
      %rev3A_53 = vector.broadcast %rev3A_52 : i32 to vector<16xi32>
      %rev3A_54 = tpu.iota {dimensions = array<i32: 0>} : vector<16xi32>
      %rev3A_55 = arith.subi %rev3A_53, %rev3A_54 : vector<16xi32>
      %rev3A_56 = tpu.dynamic_gather %masked_sort3A_50[%rev3A_55] in [0] : vector<16xf32>, vector<16xi32> -> vector<16xf32>
      %max3A_57 = arith.maximumf %masked_sort3A_46, %rev3A_56 : vector<16xf32>
      %masked_sort3A_58 = arith.constant dense<true> : vector<16xi1>
      %masked_sort3A_59, %masked_sort3A_60, %masked_sort3A_61 = tpu.sort %max3A_57, %max3A_57 masked %masked_sort3A_58 : (vector<16xf32>, vector<16xf32>, vector<16xi1>) -> (vector<16xi1>, vector<16xf32>, vector<16xf32>)
      %ge3A = arith.constant 8 : i32
      %ge3A_62 = vector.broadcast %ge3A : i32 to vector<16xi32>
      %ge3A_63 = arith.cmpi sge, %iota3A, %ge3A_62 : vector<16xi32>
      %jit3A = arith.constant 0x7F800000 : f32
      %broadcast_in_dim3A = vector.broadcast %jit3A : f32 to vector<16xf32>
      %select_n3A = arith.select %ge3A_63, %masked_sort3A_60, %broadcast_in_dim3A : vector<16xi1>, vector<16xf32>
      %reduce_min3A = arith.constant true
      %reduce_min3A_64 = vector.broadcast %reduce_min3A : i1 to vector<16xi1>
      %reduce_min3A_65 = tpu.scan <min>, %select_n3A masked %reduce_min3A_64 : vector<16xf32>, vector<16xi1> -> vector<16xf32>
      %reduce_min3A_66 = vector.extract %reduce_min3A_65[15] : f32 from vector<16xf32>
      %broadcast_in_dim3A_67 = vector.broadcast %reduce_min3A_66 : f32 to vector<16xf32>
      %gt3A = arith.cmpf ogt, %get3A_9, %broadcast_in_dim3A_67 : vector<16xf32>
      %gt3A_68 = arith.cmpf ogt, %get3A_12, %broadcast_in_dim3A_67 : vector<16xf32>
      %gt3A_69 = arith.cmpf ogt, %get3A_15, %broadcast_in_dim3A_67 : vector<16xf32>
      %gt3A_70 = arith.cmpf ogt, %get3A_18, %broadcast_in_dim3A_67 : vector<16xf32>
      %all_reduce_population_count3A = tpu.all_reduce %gt3A {dim = 0 : i64, kind = #tpu.reduction_kind<sum>} : vector<16xi1> -> vector<16xi32>
      %all_reduce_population_count3A_71 = tpu.all_reduce %gt3A_68 {dim = 0 : i64, kind = #tpu.reduction_kind<sum>} : vector<16xi1> -> vector<16xi32>
      %add3A_72 = arith.addi %all_reduce_population_count3A, %all_reduce_population_count3A_71 : vector<16xi32>
      %all_reduce_population_count3A_73 = tpu.all_reduce %gt3A_69 {dim = 0 : i64, kind = #tpu.reduction_kind<sum>} : vector<16xi1> -> vector<16xi32>
      %add3A_74 = arith.addi %add3A_72, %all_reduce_population_count3A_73 : vector<16xi32>
      %all_reduce_population_count3A_75 = tpu.all_reduce %gt3A_70 {dim = 0 : i64, kind = #tpu.reduction_kind<sum>} : vector<16xi1> -> vector<16xi32>
      %add3A_76 = arith.addi %add3A_74, %all_reduce_population_count3A_75 : vector<16xi32>
      %sub3A = arith.constant 8 : i32
      %sub3A_77 = vector.broadcast %sub3A : i32 to vector<16xi32>
      %sub3A_78 = arith.subi %sub3A_77, %add3A_76 : vector<16xi32>
      %broadcast_in_dim3A_79 = arith.constant 0 : i32
      %broadcast_in_dim3A_80 = vector.broadcast %broadcast_in_dim3A_79 : i32 to vector<16xi32>
      %eq3A = arith.cmpf oeq, %get3A_9, %broadcast_in_dim3A_67 : vector<16xf32>
      %convert_element_type3A = arith.extui %eq3A : vector<16xi1> to vector<16xi32>
      %cumsum3A = arith.constant true
      %cumsum3A_81 = vector.broadcast %cumsum3A : i1 to vector<16xi1>
      %cumsum3A_82 = tpu.scan <sum>, %convert_element_type3A masked %cumsum3A_81 : vector<16xi32>, vector<16xi1> -> vector<16xi32>
      %add3A_83 = arith.addi %broadcast_in_dim3A_80, %cumsum3A_82 : vector<16xi32>
      %le3A = arith.cmpi sle, %add3A_83, %sub3A_78 : vector<16xi32>
      %and3A = arith.andi %eq3A, %le3A : vector<16xi1>
      %or3A = arith.ori %gt3A, %and3A : vector<16xi1>
      %jit3A_84 = arith.constant 0.000000e+00 : f32
      %broadcast_in_dim3A_85 = vector.broadcast %jit3A_84 : f32 to vector<16xf32>
      %select_n3A_86 = arith.select %or3A, %get3A_9, %broadcast_in_dim3A_85 : vector<16xi1>, vector<16xf32>
      %swap3A = arith.index_cast %scan3A_7 : i32 to index
      %swap3A_87 = arith.constant 0 : index
      %swap3A_88 = tpu.vector_load %arg6[%swap3A, %swap3A_87] {strides = array<i32>} : memref<64x64xf32, #tpu.memory_space<vmem>>, vector<16xf32>,
      tpu.vector_store %arg6[%swap3A, %swap3A_87], %select_n3A_86 {strides = array<i32>} : memref<64x64xf32, #tpu.memory_space<vmem>>, vector<16xf32>,
      %convert_element_type3A_89 = arith.extui %or3A : vector<16xi1> to vector<16xi32>
      %convert_element_type3A_90 = arith.sitofp %convert_element_type3A_89 : vector<16xi32> to vector<16xf32>
      %swap3A_91 = arith.index_cast %scan3A_7 : i32 to index
      %swap3A_92 = arith.constant 0 : index
      %swap3A_93 = tpu.vector_load %arg7[%swap3A_91, %swap3A_92] {strides = array<i32>} : memref<64x64xf32, #tpu.memory_space<vmem>>, vector<16xf32>,
      tpu.vector_store %arg7[%swap3A_91, %swap3A_92], %convert_element_type3A_90 {strides = array<i32>} : memref<64x64xf32, #tpu.memory_space<vmem>>, vector<16xf32>,
      %all_reduce_population_count3A_94 = tpu.all_reduce %eq3A {dim = 0 : i64, kind = #tpu.reduction_kind<sum>} : vector<16xi1> -> vector<16xi32>
      %add3A_95 = arith.addi %broadcast_in_dim3A_80, %all_reduce_population_count3A_94 : vector<16xi32>
      %eq3A_96 = arith.cmpf oeq, %get3A_12, %broadcast_in_dim3A_67 : vector<16xf32>
      %convert_element_type3A_97 = arith.extui %eq3A_96 : vector<16xi1> to vector<16xi32>
      %cumsum3A_98 = arith.constant true
      %cumsum3A_99 = vector.broadcast %cumsum3A_98 : i1 to vector<16xi1>
      %cumsum3A_100 = tpu.scan <sum>, %convert_element_type3A_97 masked %cumsum3A_99 : vector<16xi32>, vector<16xi1> -> vector<16xi32>
      %add3A_101 = arith.addi %add3A_95, %cumsum3A_100 : vector<16xi32>
      %le3A_102 = arith.cmpi sle, %add3A_101, %sub3A_78 : vector<16xi32>
      %and3A_103 = arith.andi %eq3A_96, %le3A_102 : vector<16xi1>
      %or3A_104 = arith.ori %gt3A_68, %and3A_103 : vector<16xi1>
      %jit3A_105 = arith.constant 0.000000e+00 : f32
      %broadcast_in_dim3A_106 = vector.broadcast %jit3A_105 : f32 to vector<16xf32>
      %select_n3A_107 = arith.select %or3A_104, %get3A_12, %broadcast_in_dim3A_106 : vector<16xi1>, vector<16xf32>
      %swap3A_108 = arith.index_cast %scan3A_7 : i32 to index
      %swap3A_109 = arith.constant 16 : index
      %swap3A_110 = tpu.vector_load %arg6[%swap3A_108, %swap3A_109] {strides = array<i32>} : memref<64x64xf32, #tpu.memory_space<vmem>>, vector<16xf32>,
      tpu.vector_store %arg6[%swap3A_108, %swap3A_109], %select_n3A_107 {strides = array<i32>} : memref<64x64xf32, #tpu.memory_space<vmem>>, vector<16xf32>,
      %convert_element_type3A_111 = arith.extui %or3A_104 : vector<16xi1> to vector<16xi32>
      %convert_element_type3A_112 = arith.sitofp %convert_element_type3A_111 : vector<16xi32> to vector<16xf32>
      %swap3A_113 = arith.index_cast %scan3A_7 : i32 to index
      %swap3A_114 = arith.constant 16 : index
      %swap3A_115 = tpu.vector_load %arg7[%swap3A_113, %swap3A_114] {strides = array<i32>} : memref<64x64xf32, #tpu.memory_space<vmem>>, vector<16xf32>,
      tpu.vector_store %arg7[%swap3A_113, %swap3A_114], %convert_element_type3A_112 {strides = array<i32>} : memref<64x64xf32, #tpu.memory_space<vmem>>, vector<16xf32>,
      %all_reduce_population_count3A_116 = tpu.all_reduce %eq3A_96 {dim = 0 : i64, kind = #tpu.reduction_kind<sum>} : vector<16xi1> -> vector<16xi32>
      %add3A_117 = arith.addi %add3A_95, %all_reduce_population_count3A_116 : vector<16xi32>
      %eq3A_118 = arith.cmpf oeq, %get3A_15, %broadcast_in_dim3A_67 : vector<16xf32>
      %convert_element_type3A_119 = arith.extui %eq3A_118 : vector<16xi1> to vector<16xi32>
      %cumsum3A_120 = arith.constant true
      %cumsum3A_121 = vector.broadcast %cumsum3A_120 : i1 to vector<16xi1>
      %cumsum3A_122 = tpu.scan <sum>, %convert_element_type3A_119 masked %cumsum3A_121 : vector<16xi32>, vector<16xi1> -> vector<16xi32>
      %add3A_123 = arith.addi %add3A_117, %cumsum3A_122 : vector<16xi32>
      %le3A_124 = arith.cmpi sle, %add3A_123, %sub3A_78 : vector<16xi32>
      %and3A_125 = arith.andi %eq3A_118, %le3A_124 : vector<16xi1>
      %or3A_126 = arith.ori %gt3A_69, %and3A_125 : vector<16xi1>
      %jit3A_127 = arith.constant 0.000000e+00 : f32
      %broadcast_in_dim3A_128 = vector.broadcast %jit3A_127 : f32 to vector<16xf32>
      %select_n3A_129 = arith.select %or3A_126, %get3A_15, %broadcast_in_dim3A_128 : vector<16xi1>, vector<16xf32>
      %swap3A_130 = arith.index_cast %scan3A_7 : i32 to index
      %swap3A_131 = arith.constant 32 : index
      %swap3A_132 = tpu.vector_load %arg6[%swap3A_130, %swap3A_131] {strides = array<i32>} : memref<64x64xf32, #tpu.memory_space<vmem>>, vector<16xf32>,
      tpu.vector_store %arg6[%swap3A_130, %swap3A_131], %select_n3A_129 {strides = array<i32>} : memref<64x64xf32, #tpu.memory_space<vmem>>, vector<16xf32>,
      %convert_element_type3A_133 = arith.extui %or3A_126 : vector<16xi1> to vector<16xi32>
      %convert_element_type3A_134 = arith.sitofp %convert_element_type3A_133 : vector<16xi32> to vector<16xf32>
      %swap3A_135 = arith.index_cast %scan3A_7 : i32 to index
      %swap3A_136 = arith.constant 32 : index
      %swap3A_137 = tpu.vector_load %arg7[%swap3A_135, %swap3A_136] {strides = array<i32>} : memref<64x64xf32, #tpu.memory_space<vmem>>, vector<16xf32>,
      tpu.vector_store %arg7[%swap3A_135, %swap3A_136], %convert_element_type3A_134 {strides = array<i32>} : memref<64x64xf32, #tpu.memory_space<vmem>>, vector<16xf32>,
      %all_reduce_population_count3A_138 = tpu.all_reduce %eq3A_118 {dim = 0 : i64, kind = #tpu.reduction_kind<sum>} : vector<16xi1> -> vector<16xi32>
      %add3A_139 = arith.addi %add3A_117, %all_reduce_population_count3A_138 : vector<16xi32>
      %eq3A_140 = arith.cmpf oeq, %get3A_18, %broadcast_in_dim3A_67 : vector<16xf32>
      %convert_element_type3A_141 = arith.extui %eq3A_140 : vector<16xi1> to vector<16xi32>
      %cumsum3A_142 = arith.constant true
      %cumsum3A_143 = vector.broadcast %cumsum3A_142 : i1 to vector<16xi1>
      %cumsum3A_144 = tpu.scan <sum>, %convert_element_type3A_141 masked %cumsum3A_143 : vector<16xi32>, vector<16xi1> -> vector<16xi32>
      %add3A_145 = arith.addi %add3A_139, %cumsum3A_144 : vector<16xi32>
      %le3A_146 = arith.cmpi sle, %add3A_145, %sub3A_78 : vector<16xi32>
      %and3A_147 = arith.andi %eq3A_140, %le3A_146 : vector<16xi1>
      %or3A_148 = arith.ori %gt3A_70, %and3A_147 : vector<16xi1>
      %jit3A_149 = arith.constant 0.000000e+00 : f32
      %broadcast_in_dim3A_150 = vector.broadcast %jit3A_149 : f32 to vector<16xf32>
      %select_n3A_151 = arith.select %or3A_148, %get3A_18, %broadcast_in_dim3A_150 : vector<16xi1>, vector<16xf32>
      %swap3A_152 = arith.index_cast %scan3A_7 : i32 to index
      %swap3A_153 = arith.constant 48 : index
      %swap3A_154 = tpu.vector_load %arg6[%swap3A_152, %swap3A_153] {strides = array<i32>} : memref<64x64xf32, #tpu.memory_space<vmem>>, vector<16xf32>,
      tpu.vector_store %arg6[%swap3A_152, %swap3A_153], %select_n3A_151 {strides = array<i32>} : memref<64x64xf32, #tpu.memory_space<vmem>>, vector<16xf32>,
      %convert_element_type3A_155 = arith.extui %or3A_148 : vector<16xi1> to vector<16xi32>
      %convert_element_type3A_156 = arith.sitofp %convert_element_type3A_155 : vector<16xi32> to vector<16xf32>
      %swap3A_157 = arith.index_cast %scan3A_7 : i32 to index
      %swap3A_158 = arith.constant 48 : index
      %swap3A_159 = tpu.vector_load %arg7[%swap3A_157, %swap3A_158] {strides = array<i32>} : memref<64x64xf32, #tpu.memory_space<vmem>>, vector<16xf32>,
      tpu.vector_store %arg7[%swap3A_157, %swap3A_158], %convert_element_type3A_156 {strides = array<i32>} : memref<64x64xf32, #tpu.memory_space<vmem>>, vector<16xf32>,
      %all_reduce_population_count3A_160 = tpu.all_reduce %eq3A_140 {dim = 0 : i64, kind = #tpu.reduction_kind<sum>} : vector<16xi1> -> vector<16xi32>
      %add3A_161 = arith.addi %add3A_139, %all_reduce_population_count3A_160 : vector<16xi32>
    }
    %scan3A_6 = arith.constant 64 : i32
    "tpu.region"() ({
      %run_scoped3A = tpu.sem_alloc : memref<!tpu.dma_semaphore, #tpu.memory_space<semaphore_mem>>
      %dma_start3A = arith.constant 0 : i32
      %dma_start3A_7 = tpu.memref_slice %arg3[%mul3A_2, %dma_start3A] : memref<2048x64xf32, #tpu.memory_space<hbm>> -> memref<64x64xf32, #tpu.memory_space<hbm>>
      %dma_start3A_8 = arith.constant 0 : i32
      %dma_start3A_9 = tpu.memref_slice %arg3[%mul3A_2, %dma_start3A_8] : memref<2048x64xf32, #tpu.memory_space<hbm>> -> memref<64x64xf32, #tpu.memory_space<hbm>>
      tpu.enqueue_dma source(%arg6 : memref<64x64xf32, #tpu.memory_space<vmem>>) target(%dma_start3A_9 : memref<64x64xf32, #tpu.memory_space<hbm>>) target_semaphore(%run_scoped3A : memref<!tpu.dma_semaphore, #tpu.memory_space<semaphore_mem>>)
      %dma_wait3A = arith.constant 0 : i32
      %dma_wait3A_10 = tpu.memref_slice %arg3[%mul3A_2, %dma_wait3A] : memref<2048x64xf32, #tpu.memory_space<hbm>> -> memref<64x64xf32, #tpu.memory_space<hbm>>
      %dma_wait3A_11 = arith.constant 0 : i32
      %dma_wait3A_12 = tpu.memref_slice %arg3[%mul3A_2, %dma_wait3A_11] : memref<2048x64xf32, #tpu.memory_space<hbm>> -> memref<64x64xf32, #tpu.memory_space<hbm>>
      tpu.wait_dma2 semaphore(%run_scoped3A : memref<!tpu.dma_semaphore, #tpu.memory_space<semaphore_mem>>) src(%arg6 : memref<64x64xf32, #tpu.memory_space<vmem>>) dst(%dma_wait3A_12 : memref<64x64xf32, #tpu.memory_space<hbm>>)
      tpu.yield
    }) : () -> ()
    "tpu.region"() ({
      %run_scoped3A = tpu.sem_alloc : memref<!tpu.dma_semaphore, #tpu.memory_space<semaphore_mem>>
      %dma_start3A = arith.constant 0 : i32
      %dma_start3A_7 = tpu.memref_slice %arg4[%mul3A_2, %dma_start3A] : memref<2048x64xf32, #tpu.memory_space<hbm>> -> memref<64x64xf32, #tpu.memory_space<hbm>>
      %dma_start3A_8 = arith.constant 0 : i32
      %dma_start3A_9 = tpu.memref_slice %arg4[%mul3A_2, %dma_start3A_8] : memref<2048x64xf32, #tpu.memory_space<hbm>> -> memref<64x64xf32, #tpu.memory_space<hbm>>
      tpu.enqueue_dma source(%arg7 : memref<64x64xf32, #tpu.memory_space<vmem>>) target(%dma_start3A_9 : memref<64x64xf32, #tpu.memory_space<hbm>>) target_semaphore(%run_scoped3A : memref<!tpu.dma_semaphore, #tpu.memory_space<semaphore_mem>>)
      %dma_wait3A = arith.constant 0 : i32
      %dma_wait3A_10 = tpu.memref_slice %arg4[%mul3A_2, %dma_wait3A] : memref<2048x64xf32, #tpu.memory_space<hbm>> -> memref<64x64xf32, #tpu.memory_space<hbm>>
      %dma_wait3A_11 = arith.constant 0 : i32
      %dma_wait3A_12 = tpu.memref_slice %arg4[%mul3A_2, %dma_wait3A_11] : memref<2048x64xf32, #tpu.memory_space<hbm>> -> memref<64x64xf32, #tpu.memory_space<hbm>>
      tpu.wait_dma2 semaphore(%run_scoped3A : memref<!tpu.dma_semaphore, #tpu.memory_space<semaphore_mem>>) src(%arg7 : memref<64x64xf32, #tpu.memory_space<vmem>>) dst(%dma_wait3A_12 : memref<64x64xf32, #tpu.memory_space<hbm>>)
      tpu.yield
    }) : () -> ()
    return
  }
}

#map = affine_map<(d0, d1) -> (0, 0)>
module attributes {stable_mosaic.version = 14 : i64} {
  func.func @_sc_topk_body(%arg0: i32, %arg1: i32, %arg2: memref<2048x64xf32, #tpu.memory_space<hbm>>, %arg3: memref<2048x64xf32, #tpu.memory_space<hbm>>, %arg4: memref<2048x64xf32, #tpu.memory_space<hbm>>, %arg5: memref<64x64xf32, #tpu.memory_space<vmem>>, %arg6: memref<64x64xf32, #tpu.memory_space<vmem>>, %arg7: memref<64x64xf32, #tpu.memory_space<vmem>>) attributes {dimension_semantics = [#tpu.dimension_semantics<core_parallel>, #tpu.dimension_semantics<subcore_parallel>], iteration_bounds = array<i64: 2, 16>, scalar_prefetch = 0 : i64, scratch_operands = 3 : i64, tpu.core_type = #tpu.core_type<sc_vector_subcore>, window_params = [{transform_indices = #map}, {transform_indices = #map}, {transform_indices = #map}]} {
    %mul3A = arith.constant 2 : i32
    %mul3A_0 = arith.muli %arg1, %mul3A : i32
    %add3A = arith.addi %mul3A_0, %arg0 : i32
    %mul3A_1 = arith.constant 64 : i32
    %mul3A_2 = arith.muli %add3A, %mul3A_1 : i32
    "tpu.region"() ({
      %run_scoped3A = tpu.sem_alloc : memref<!tpu.dma_semaphore, #tpu.memory_space<semaphore_mem>>
      %dma_start3A = arith.constant 0 : i32
      %dma_start3A_7 = tpu.memref_slice %arg2[%mul3A_2, %dma_start3A] : memref<2048x64xf32, #tpu.memory_space<hbm>> -> memref<64x64xf32, #tpu.memory_space<hbm>>
      %dma_start3A_8 = arith.constant 0 : i32
      %dma_start3A_9 = tpu.memref_slice %arg2[%mul3A_2, %dma_start3A_8] : memref<2048x64xf32, #tpu.memory_space<hbm>> -> memref<64x64xf32, #tpu.memory_space<hbm>>
      tpu.enqueue_dma source(%dma_start3A_9 : memref<64x64xf32, #tpu.memory_space<hbm>>) target(%arg5 : memref<64x64xf32, #tpu.memory_space<vmem>>) target_semaphore(%run_scoped3A : memref<!tpu.dma_semaphore, #tpu.memory_space<semaphore_mem>>)
      %dma_wait3A = arith.constant 0 : i32
      %dma_wait3A_10 = tpu.memref_slice %arg2[%mul3A_2, %dma_wait3A] : memref<2048x64xf32, #tpu.memory_space<hbm>> -> memref<64x64xf32, #tpu.memory_space<hbm>>
      %dma_wait3A_11 = arith.constant 0 : i32
      %dma_wait3A_12 = tpu.memref_slice %arg2[%mul3A_2, %dma_wait3A_11] : memref<2048x64xf32, #tpu.memory_space<hbm>> -> memref<64x64xf32, #tpu.memory_space<hbm>>
      tpu.wait_dma2 semaphore(%run_scoped3A : memref<!tpu.dma_semaphore, #tpu.memory_space<semaphore_mem>>) src(%dma_wait3A_12 : memref<64x64xf32, #tpu.memory_space<hbm>>) dst(%arg5 : memref<64x64xf32, #tpu.memory_space<vmem>>)
      tpu.yield
    }) : () -> ()
    %iota3A = tpu.iota {dimensions = array<i32: 0>} : vector<16xi32>
    %scan3A = arith.constant 0 : i32
    %scan3A_3 = arith.constant 64 : i32
    %scan3A_4 = arith.addi %scan3A, %scan3A_3 : i32
    %scan3A_5 = arith.constant 1 : i32
    scf.for %scan3A_7 = %scan3A to %scan3A_4 step %scan3A_5  : i32 {
      %get3A = arith.index_cast %scan3A_7 : i32 to index
      %get3A_8 = arith.constant 0 : index
      %get3A_9 = tpu.vector_load %arg5[%get3A, %get3A_8] {strides = array<i32>} : memref<64x64xf32, #tpu.memory_space<vmem>>, vector<16xf32>,
      %get3A_10 = arith.index_cast %scan3A_7 : i32 to index
      %get3A_11 = arith.constant 16 : index
      %get3A_12 = tpu.vector_load %arg5[%get3A_10, %get3A_11] {strides = array<i32>} : memref<64x64xf32, #tpu.memory_space<vmem>>, vector<16xf32>,
      %get3A_13 = arith.index_cast %scan3A_7 : i32 to index
      %get3A_14 = arith.constant 32 : index
      %get3A_15 = tpu.vector_load %arg5[%get3A_13, %get3A_14] {strides = array<i32>} : memref<64x64xf32, #tpu.memory_space<vmem>>, vector<16xf32>,
      %get3A_16 = arith.index_cast %scan3A_7 : i32 to index
      %get3A_17 = arith.constant 48 : index
      %get3A_18 = tpu.vector_load %arg5[%get3A_16, %get3A_17] {strides = array<i32>} : memref<64x64xf32, #tpu.memory_space<vmem>>, vector<16xf32>,
      %masked_sort3A = arith.constant dense<true> : vector<16xi1>
      %masked_sort3A_19, %masked_sort3A_20, %masked_sort3A_21 = tpu.sort %get3A_9, %get3A_9 masked %masked_sort3A : (vector<16xf32>, vector<16xf32>, vector<16xi1>) -> (vector<16xi1>, vector<16xf32>, vector<16xf32>)
      %masked_sort3A_22 = arith.constant dense<true> : vector<16xi1>
      %masked_sort3A_23, %masked_sort3A_24, %masked_sort3A_25 = tpu.sort %get3A_12, %get3A_12 masked %masked_sort3A_22 : (vector<16xf32>, vector<16xf32>, vector<16xi1>) -> (vector<16xi1>, vector<16xf32>, vector<16xf32>)
      %masked_sort3A_26 = arith.constant dense<true> : vector<16xi1>
      %masked_sort3A_27, %masked_sort3A_28, %masked_sort3A_29 = tpu.sort %get3A_15, %get3A_15 masked %masked_sort3A_26 : (vector<16xf32>, vector<16xf32>, vector<16xi1>) -> (vector<16xi1>, vector<16xf32>, vector<16xf32>)
      %masked_sort3A_30 = arith.constant dense<true> : vector<16xi1>
      %masked_sort3A_31, %masked_sort3A_32, %masked_sort3A_33 = tpu.sort %get3A_18, %get3A_18 masked %masked_sort3A_30 : (vector<16xf32>, vector<16xf32>, vector<16xi1>) -> (vector<16xi1>, vector<16xf32>, vector<16xf32>)
      %rev3A = arith.constant 15 : i32
      %rev3A_34 = vector.broadcast %rev3A : i32 to vector<16xi32>
      %rev3A_35 = tpu.iota {dimensions = array<i32: 0>} : vector<16xi32>
      %rev3A_36 = arith.subi %rev3A_34, %rev3A_35 : vector<16xi32>
      %rev3A_37 = tpu.dynamic_gather %masked_sort3A_24[%rev3A_36] in [0] : vector<16xf32>, vector<16xi32> -> vector<16xf32>
      %max3A = arith.maximumf %masked_sort3A_20, %rev3A_37 : vector<16xf32>
      %rev3A_38 = arith.constant 15 : i32
      %rev3A_39 = vector.broadcast %rev3A_38 : i32 to vector<16xi32>
      %rev3A_40 = tpu.iota {dimensions = array<i32: 0>} : vector<16xi32>
      %rev3A_41 = arith.subi %rev3A_39, %rev3A_40 : vector<16xi32>
      %rev3A_42 = tpu.dynamic_gather %masked_sort3A_32[%rev3A_41] in [0] : vector<16xf32>, vector<16xi32> -> vector<16xf32>
      %max3A_43 = arith.maximumf %masked_sort3A_28, %rev3A_42 : vector<16xf32>
      %masked_sort3A_44 = arith.constant dense<true> : vector<16xi1>
      %masked_sort3A_45, %masked_sort3A_46, %masked_sort3A_47 = tpu.sort %max3A, %max3A masked %masked_sort3A_44 : (vector<16xf32>, vector<16xf32>, vector<16xi1>) -> (vector<16xi1>, vector<16xf32>, vector<16xf32>)
      %masked_sort3A_48 = arith.constant dense<true> : vector<16xi1>
      %masked_sort3A_49, %masked_sort3A_50, %masked_sort3A_51 = tpu.sort %max3A_43, %max3A_43 masked %masked_sort3A_48 : (vector<16xf32>, vector<16xf32>, vector<16xi1>) -> (vector<16xi1>, vector<16xf32>, vector<16xf32>)
      %rev3A_52 = arith.constant 15 : i32
      %rev3A_53 = vector.broadcast %rev3A_52 : i32 to vector<16xi32>
      %rev3A_54 = tpu.iota {dimensions = array<i32: 0>} : vector<16xi32>
      %rev3A_55 = arith.subi %rev3A_53, %rev3A_54 : vector<16xi32>
      %rev3A_56 = tpu.dynamic_gather %masked_sort3A_50[%rev3A_55] in [0] : vector<16xf32>, vector<16xi32> -> vector<16xf32>
      %max3A_57 = arith.maximumf %masked_sort3A_46, %rev3A_56 : vector<16xf32>
      %masked_sort3A_58 = arith.constant dense<true> : vector<16xi1>
      %masked_sort3A_59, %masked_sort3A_60, %masked_sort3A_61 = tpu.sort %max3A_57, %max3A_57 masked %masked_sort3A_58 : (vector<16xf32>, vector<16xf32>, vector<16xi1>) -> (vector<16xi1>, vector<16xf32>, vector<16xf32>)
      %ge3A = arith.constant 8 : i32
      %ge3A_62 = vector.broadcast %ge3A : i32 to vector<16xi32>
      %ge3A_63 = arith.cmpi sge, %iota3A, %ge3A_62 : vector<16xi32>
      %jit3A = arith.constant 0x7F800000 : f32
      %broadcast_in_dim3A = vector.broadcast %jit3A : f32 to vector<16xf32>
      %select_n3A = arith.select %ge3A_63, %masked_sort3A_60, %broadcast_in_dim3A : vector<16xi1>, vector<16xf32>
      %reduce_min3A = arith.constant true
      %reduce_min3A_64 = vector.broadcast %reduce_min3A : i1 to vector<16xi1>
      %reduce_min3A_65 = tpu.scan <min>, %select_n3A masked %reduce_min3A_64 : vector<16xf32>, vector<16xi1> -> vector<16xf32>
      %reduce_min3A_66 = vector.extract %reduce_min3A_65[15] : f32 from vector<16xf32>
      %broadcast_in_dim3A_67 = vector.broadcast %reduce_min3A_66 : f32 to vector<16xf32>
      %gt3A = arith.cmpf ogt, %get3A_9, %broadcast_in_dim3A_67 : vector<16xf32>
      %gt3A_68 = arith.cmpf ogt, %get3A_12, %broadcast_in_dim3A_67 : vector<16xf32>
      %gt3A_69 = arith.cmpf ogt, %get3A_15, %broadcast_in_dim3A_67 : vector<16xf32>
      %gt3A_70 = arith.cmpf ogt, %get3A_18, %broadcast_in_dim3A_67 : vector<16xf32>
      %all_reduce_population_count3A = tpu.all_reduce %gt3A {dim = 0 : i64, kind = #tpu.reduction_kind<sum>} : vector<16xi1> -> vector<16xi32>
      %all_reduce_population_count3A_71 = tpu.all_reduce %gt3A_68 {dim = 0 : i64, kind = #tpu.reduction_kind<sum>} : vector<16xi1> -> vector<16xi32>
      %add3A_72 = arith.addi %all_reduce_population_count3A, %all_reduce_population_count3A_71 : vector<16xi32>
      %all_reduce_population_count3A_73 = tpu.all_reduce %gt3A_69 {dim = 0 : i64, kind = #tpu.reduction_kind<sum>} : vector<16xi1> -> vector<16xi32>
      %add3A_74 = arith.addi %add3A_72, %all_reduce_population_count3A_73 : vector<16xi32>
      %all_reduce_population_count3A_75 = tpu.all_reduce %gt3A_70 {dim = 0 : i64, kind = #tpu.reduction_kind<sum>} : vector<16xi1> -> vector<16xi32>
      %add3A_76 = arith.addi %add3A_74, %all_reduce_population_count3A_75 : vector<16xi32>
      %sub3A = arith.constant 8 : i32
      %sub3A_77 = vector.broadcast %sub3A : i32 to vector<16xi32>
      %sub3A_78 = arith.subi %sub3A_77, %add3A_76 : vector<16xi32>
      %broadcast_in_dim3A_79 = arith.constant 0 : i32
      %broadcast_in_dim3A_80 = vector.broadcast %broadcast_in_dim3A_79 : i32 to vector<16xi32>
      %eq3A = arith.cmpf oeq, %get3A_9, %broadcast_in_dim3A_67 : vector<16xf32>
      %convert_element_type3A = arith.extui %eq3A : vector<16xi1> to vector<16xi32>
      %cumsum3A = arith.constant true
      %cumsum3A_81 = vector.broadcast %cumsum3A : i1 to vector<16xi1>
      %cumsum3A_82 = tpu.scan <sum>, %convert_element_type3A masked %cumsum3A_81 : vector<16xi32>, vector<16xi1> -> vector<16xi32>
      %add3A_83 = arith.addi %broadcast_in_dim3A_80, %cumsum3A_82 : vector<16xi32>
      %le3A = arith.cmpi sle, %add3A_83, %sub3A_78 : vector<16xi32>
      %and3A = arith.andi %eq3A, %le3A : vector<16xi1>
      %or3A = arith.ori %gt3A, %and3A : vector<16xi1>
      %jit3A_84 = arith.constant 0.000000e+00 : f32
      %broadcast_in_dim3A_85 = vector.broadcast %jit3A_84 : f32 to vector<16xf32>
      %select_n3A_86 = arith.select %or3A, %get3A_9, %broadcast_in_dim3A_85 : vector<16xi1>, vector<16xf32>
      %swap3A = arith.index_cast %scan3A_7 : i32 to index
      %swap3A_87 = arith.constant 0 : index
      %swap3A_88 = tpu.vector_load %arg6[%swap3A, %swap3A_87] {strides = array<i32>} : memref<64x64xf32, #tpu.memory_space<vmem>>, vector<16xf32>,
      tpu.vector_store %arg6[%swap3A, %swap3A_87], %select_n3A_86 {strides = array<i32>} : memref<64x64xf32, #tpu.memory_space<vmem>>, vector<16xf32>,
      %convert_element_type3A_89 = arith.extui %or3A : vector<16xi1> to vector<16xi32>
      %convert_element_type3A_90 = arith.sitofp %convert_element_type3A_89 : vector<16xi32> to vector<16xf32>
      %swap3A_91 = arith.index_cast %scan3A_7 : i32 to index
      %swap3A_92 = arith.constant 0 : index
      %swap3A_93 = tpu.vector_load %arg7[%swap3A_91, %swap3A_92] {strides = array<i32>} : memref<64x64xf32, #tpu.memory_space<vmem>>, vector<16xf32>,
      tpu.vector_store %arg7[%swap3A_91, %swap3A_92], %convert_element_type3A_90 {strides = array<i32>} : memref<64x64xf32, #tpu.memory_space<vmem>>, vector<16xf32>,
      %all_reduce_population_count3A_94 = tpu.all_reduce %eq3A {dim = 0 : i64, kind = #tpu.reduction_kind<sum>} : vector<16xi1> -> vector<16xi32>
      %add3A_95 = arith.addi %broadcast_in_dim3A_80, %all_reduce_population_count3A_94 : vector<16xi32>
      %eq3A_96 = arith.cmpf oeq, %get3A_12, %broadcast_in_dim3A_67 : vector<16xf32>
      %convert_element_type3A_97 = arith.extui %eq3A_96 : vector<16xi1> to vector<16xi32>
      %cumsum3A_98 = arith.constant true
      %cumsum3A_99 = vector.broadcast %cumsum3A_98 : i1 to vector<16xi1>
      %cumsum3A_100 = tpu.scan <sum>, %convert_element_type3A_97 masked %cumsum3A_99 : vector<16xi32>, vector<16xi1> -> vector<16xi32>
      %add3A_101 = arith.addi %add3A_95, %cumsum3A_100 : vector<16xi32>
      %le3A_102 = arith.cmpi sle, %add3A_101, %sub3A_78 : vector<16xi32>
      %and3A_103 = arith.andi %eq3A_96, %le3A_102 : vector<16xi1>
      %or3A_104 = arith.ori %gt3A_68, %and3A_103 : vector<16xi1>
      %jit3A_105 = arith.constant 0.000000e+00 : f32
      %broadcast_in_dim3A_106 = vector.broadcast %jit3A_105 : f32 to vector<16xf32>
      %select_n3A_107 = arith.select %or3A_104, %get3A_12, %broadcast_in_dim3A_106 : vector<16xi1>, vector<16xf32>
      %swap3A_108 = arith.index_cast %scan3A_7 : i32 to index
      %swap3A_109 = arith.constant 16 : index
      %swap3A_110 = tpu.vector_load %arg6[%swap3A_108, %swap3A_109] {strides = array<i32>} : memref<64x64xf32, #tpu.memory_space<vmem>>, vector<16xf32>,
      tpu.vector_store %arg6[%swap3A_108, %swap3A_109], %select_n3A_107 {strides = array<i32>} : memref<64x64xf32, #tpu.memory_space<vmem>>, vector<16xf32>,
      %convert_element_type3A_111 = arith.extui %or3A_104 : vector<16xi1> to vector<16xi32>
      %convert_element_type3A_112 = arith.sitofp %convert_element_type3A_111 : vector<16xi32> to vector<16xf32>
      %swap3A_113 = arith.index_cast %scan3A_7 : i32 to index
      %swap3A_114 = arith.constant 16 : index
      %swap3A_115 = tpu.vector_load %arg7[%swap3A_113, %swap3A_114] {strides = array<i32>} : memref<64x64xf32, #tpu.memory_space<vmem>>, vector<16xf32>,
      tpu.vector_store %arg7[%swap3A_113, %swap3A_114], %convert_element_type3A_112 {strides = array<i32>} : memref<64x64xf32, #tpu.memory_space<vmem>>, vector<16xf32>,
      %all_reduce_population_count3A_116 = tpu.all_reduce %eq3A_96 {dim = 0 : i64, kind = #tpu.reduction_kind<sum>} : vector<16xi1> -> vector<16xi32>
      %add3A_117 = arith.addi %add3A_95, %all_reduce_population_count3A_116 : vector<16xi32>
      %eq3A_118 = arith.cmpf oeq, %get3A_15, %broadcast_in_dim3A_67 : vector<16xf32>
      %convert_element_type3A_119 = arith.extui %eq3A_118 : vector<16xi1> to vector<16xi32>
      %cumsum3A_120 = arith.constant true
      %cumsum3A_121 = vector.broadcast %cumsum3A_120 : i1 to vector<16xi1>
      %cumsum3A_122 = tpu.scan <sum>, %convert_element_type3A_119 masked %cumsum3A_121 : vector<16xi32>, vector<16xi1> -> vector<16xi32>
      %add3A_123 = arith.addi %add3A_117, %cumsum3A_122 : vector<16xi32>
      %le3A_124 = arith.cmpi sle, %add3A_123, %sub3A_78 : vector<16xi32>
      %and3A_125 = arith.andi %eq3A_118, %le3A_124 : vector<16xi1>
      %or3A_126 = arith.ori %gt3A_69, %and3A_125 : vector<16xi1>
      %jit3A_127 = arith.constant 0.000000e+00 : f32
      %broadcast_in_dim3A_128 = vector.broadcast %jit3A_127 : f32 to vector<16xf32>
      %select_n3A_129 = arith.select %or3A_126, %get3A_15, %broadcast_in_dim3A_128 : vector<16xi1>, vector<16xf32>
      %swap3A_130 = arith.index_cast %scan3A_7 : i32 to index
      %swap3A_131 = arith.constant 32 : index
      %swap3A_132 = tpu.vector_load %arg6[%swap3A_130, %swap3A_131] {strides = array<i32>} : memref<64x64xf32, #tpu.memory_space<vmem>>, vector<16xf32>,
      tpu.vector_store %arg6[%swap3A_130, %swap3A_131], %select_n3A_129 {strides = array<i32>} : memref<64x64xf32, #tpu.memory_space<vmem>>, vector<16xf32>,
      %convert_element_type3A_133 = arith.extui %or3A_126 : vector<16xi1> to vector<16xi32>
      %convert_element_type3A_134 = arith.sitofp %convert_element_type3A_133 : vector<16xi32> to vector<16xf32>
      %swap3A_135 = arith.index_cast %scan3A_7 : i32 to index
      %swap3A_136 = arith.constant 32 : index
      %swap3A_137 = tpu.vector_load %arg7[%swap3A_135, %swap3A_136] {strides = array<i32>} : memref<64x64xf32, #tpu.memory_space<vmem>>, vector<16xf32>,
      tpu.vector_store %arg7[%swap3A_135, %swap3A_136], %convert_element_type3A_134 {strides = array<i32>} : memref<64x64xf32, #tpu.memory_space<vmem>>, vector<16xf32>,
      %all_reduce_population_count3A_138 = tpu.all_reduce %eq3A_118 {dim = 0 : i64, kind = #tpu.reduction_kind<sum>} : vector<16xi1> -> vector<16xi32>
      %add3A_139 = arith.addi %add3A_117, %all_reduce_population_count3A_138 : vector<16xi32>
      %eq3A_140 = arith.cmpf oeq, %get3A_18, %broadcast_in_dim3A_67 : vector<16xf32>
      %convert_element_type3A_141 = arith.extui %eq3A_140 : vector<16xi1> to vector<16xi32>
      %cumsum3A_142 = arith.constant true
      %cumsum3A_143 = vector.broadcast %cumsum3A_142 : i1 to vector<16xi1>
      %cumsum3A_144 = tpu.scan <sum>, %convert_element_type3A_141 masked %cumsum3A_143 : vector<16xi32>, vector<16xi1> -> vector<16xi32>
      %add3A_145 = arith.addi %add3A_139, %cumsum3A_144 : vector<16xi32>
      %le3A_146 = arith.cmpi sle, %add3A_145, %sub3A_78 : vector<16xi32>
      %and3A_147 = arith.andi %eq3A_140, %le3A_146 : vector<16xi1>
      %or3A_148 = arith.ori %gt3A_70, %and3A_147 : vector<16xi1>
      %jit3A_149 = arith.constant 0.000000e+00 : f32
      %broadcast_in_dim3A_150 = vector.broadcast %jit3A_149 : f32 to vector<16xf32>
      %select_n3A_151 = arith.select %or3A_148, %get3A_18, %broadcast_in_dim3A_150 : vector<16xi1>, vector<16xf32>
      %swap3A_152 = arith.index_cast %scan3A_7 : i32 to index
      %swap3A_153 = arith.constant 48 : index
      %swap3A_154 = tpu.vector_load %arg6[%swap3A_152, %swap3A_153] {strides = array<i32>} : memref<64x64xf32, #tpu.memory_space<vmem>>, vector<16xf32>,
      tpu.vector_store %arg6[%swap3A_152, %swap3A_153], %select_n3A_151 {strides = array<i32>} : memref<64x64xf32, #tpu.memory_space<vmem>>, vector<16xf32>,
      %convert_element_type3A_155 = arith.extui %or3A_148 : vector<16xi1> to vector<16xi32>
      %convert_element_type3A_156 = arith.sitofp %convert_element_type3A_155 : vector<16xi32> to vector<16xf32>
      %swap3A_157 = arith.index_cast %scan3A_7 : i32 to index
      %swap3A_158 = arith.constant 48 : index
      %swap3A_159 = tpu.vector_load %arg7[%swap3A_157, %swap3A_158] {strides = array<i32>} : memref<64x64xf32, #tpu.memory_space<vmem>>, vector<16xf32>,
      tpu.vector_store %arg7[%swap3A_157, %swap3A_158], %convert_element_type3A_156 {strides = array<i32>} : memref<64x64xf32, #tpu.memory_space<vmem>>, vector<16xf32>,
      %all_reduce_population_count3A_160 = tpu.all_reduce %eq3A_140 {dim = 0 : i64, kind = #tpu.reduction_kind<sum>} : vector<16xi1> -> vector<16xi32>
      %add3A_161 = arith.addi %add3A_139, %all_reduce_population_count3A_160 : vector<16xi32>
    }
    %scan3A_6 = arith.constant 64 : i32
    "tpu.region"() ({
      %run_scoped3A = tpu.sem_alloc : memref<!tpu.dma_semaphore, #tpu.memory_space<semaphore_mem>>
      %dma_start3A = arith.constant 0 : i32
      %dma_start3A_7 = tpu.memref_slice %arg3[%mul3A_2, %dma_start3A] : memref<2048x64xf32, #tpu.memory_space<hbm>> -> memref<64x64xf32, #tpu.memory_space<hbm>>
      %dma_start3A_8 = arith.constant 0 : i32
      %dma_start3A_9 = tpu.memref_slice %arg3[%mul3A_2, %dma_start3A_8] : memref<2048x64xf32, #tpu.memory_space<hbm>> -> memref<64x64xf32, #tpu.memory_space<hbm>>
      tpu.enqueue_dma source(%arg6 : memref<64x64xf32, #tpu.memory_space<vmem>>) target(%dma_start3A_9 : memref<64x64xf32, #tpu.memory_space<hbm>>) target_semaphore(%run_scoped3A : memref<!tpu.dma_semaphore, #tpu.memory_space<semaphore_mem>>)
      %dma_wait3A = arith.constant 0 : i32
      %dma_wait3A_10 = tpu.memref_slice %arg3[%mul3A_2, %dma_wait3A] : memref<2048x64xf32, #tpu.memory_space<hbm>> -> memref<64x64xf32, #tpu.memory_space<hbm>>
      %dma_wait3A_11 = arith.constant 0 : i32
      %dma_wait3A_12 = tpu.memref_slice %arg3[%mul3A_2, %dma_wait3A_11] : memref<2048x64xf32, #tpu.memory_space<hbm>> -> memref<64x64xf32, #tpu.memory_space<hbm>>
      tpu.wait_dma2 semaphore(%run_scoped3A : memref<!tpu.dma_semaphore, #tpu.memory_space<semaphore_mem>>) src(%arg6 : memref<64x64xf32, #tpu.memory_space<vmem>>) dst(%dma_wait3A_12 : memref<64x64xf32, #tpu.memory_space<hbm>>)
      tpu.yield
    }) : () -> ()
    "tpu.region"() ({
      %run_scoped3A = tpu.sem_alloc : memref<!tpu.dma_semaphore, #tpu.memory_space<semaphore_mem>>
      %dma_start3A = arith.constant 0 : i32
      %dma_start3A_7 = tpu.memref_slice %arg4[%mul3A_2, %dma_start3A] : memref<2048x64xf32, #tpu.memory_space<hbm>> -> memref<64x64xf32, #tpu.memory_space<hbm>>
      %dma_start3A_8 = arith.constant 0 : i32
      %dma_start3A_9 = tpu.memref_slice %arg4[%mul3A_2, %dma_start3A_8] : memref<2048x64xf32, #tpu.memory_space<hbm>> -> memref<64x64xf32, #tpu.memory_space<hbm>>
      tpu.enqueue_dma source(%arg7 : memref<64x64xf32, #tpu.memory_space<vmem>>) target(%dma_start3A_9 : memref<64x64xf32, #tpu.memory_space<hbm>>) target_semaphore(%run_scoped3A : memref<!tpu.dma_semaphore, #tpu.memory_space<semaphore_mem>>)
      %dma_wait3A = arith.constant 0 : i32
      %dma_wait3A_10 = tpu.memref_slice %arg4[%mul3A_2, %dma_wait3A] : memref<2048x64xf32, #tpu.memory_space<hbm>> -> memref<64x64xf32, #tpu.memory_space<hbm>>
      %dma_wait3A_11 = arith.constant 0 : i32
      %dma_wait3A_12 = tpu.memref_slice %arg4[%mul3A_2, %dma_wait3A_11] : memref<2048x64xf32, #tpu.memory_space<hbm>> -> memref<64x64xf32, #tpu.memory_space<hbm>>
      tpu.wait_dma2 semaphore(%run_scoped3A : memref<!tpu.dma_semaphore, #tpu.memory_space<semaphore_mem>>) src(%arg7 : memref<64x64xf32, #tpu.memory_space<vmem>>) dst(%dma_wait3A_12 : memref<64x64xf32, #tpu.memory_space<hbm>>)
      tpu.yield
    }) : () -> ()
    return
  }
}

module attributes {stable_mosaic.version = 14 : i64} {
  func.func @_softmax_kernel(%arg0: i32, %arg1: memref<512x4096xf32, #tpu.memory_space<vmem>>, %arg2: memref<64x4096xf32, #tpu.memory_space<vmem>>, %arg3: memref<512x64xf32, #tpu.memory_space<vmem>>) attributes {dimension_semantics = [#tpu.dimension_semantics<arbitrary>], iteration_bounds = array<i64: 4>, scalar_prefetch = 0 : i64, scratch_operands = 0 : i64, tpu.core_type = #tpu.core_type<tc>, window_params = [{transform_indices = @transform_0, window_bounds = array<i64: 512, 4096>}, {pipeline_mode = #tpu.pipeline_mode<synchronous>, transform_indices = @transform_1, window_bounds = array<i64: 64, 4096>}, {transform_indices = @transform_2, window_bounds = array<i64: 512, 64>}]} {
    %get3A = arith.constant 0 : index
    %get3A_0 = arith.constant 0 : index
    %get3A_1 = vector.load %arg2[%get3A, %get3A_0] : memref<64x4096xf32, #tpu.memory_space<vmem>>, vector<64x4096xf32>
    %get3A_2 = arith.constant 0 : index
    %get3A_3 = arith.constant 0 : index
    %get3A_4 = vector.load %arg1[%get3A_2, %get3A_3] : memref<512x4096xf32, #tpu.memory_space<vmem>>, vector<512x4096xf32>
    %dot_general3A = arith.constant dense<0.000000e+00> : vector<64x512xf32>
    %dot_general3A_5 = tpu.matmul %get3A_1, %get3A_4, %dot_general3A {dimension_numbers = #tpu.dot_dimension_numbers<[1], [1], [0], [0], [0, 0, 1, 0], [], []>, transpose_lhs_hint = false} : vector<64x4096xf32>, vector<512x4096xf32>, vector<64x512xf32> -> vector<64x512xf32>
    %reduce_max3A = arith.constant dense<0xFF800000> : vector<512xf32>
    %reduce_max3A_6 = vector.multi_reduction <maximumf>, %dot_general3A_5, %reduce_max3A [0] : vector<64x512xf32> to vector<512xf32>
    %broadcast_in_dim3A = vector.shape_cast %reduce_max3A_6 : vector<512xf32> to vector<1x512xf32>
    %sub3A = vector.broadcast %broadcast_in_dim3A : vector<1x512xf32> to vector<64x512xf32>
    %sub3A_7 = arith.subf %dot_general3A_5, %sub3A : vector<64x512xf32>
    %exp3A = math.exp %sub3A_7 : vector<64x512xf32>
    %reduce_sum3A = arith.constant dense<0.000000e+00> : vector<512xf32>
    %reduce_sum3A_8 = vector.multi_reduction <add>, %exp3A, %reduce_sum3A [0] : vector<64x512xf32> to vector<512xf32>
    %broadcast_in_dim3A_9 = vector.shape_cast %reduce_sum3A_8 : vector<512xf32> to vector<1x512xf32>
    %div3A = vector.broadcast %broadcast_in_dim3A_9 : vector<1x512xf32> to vector<64x512xf32>
    %div3A_10 = arith.divf %exp3A, %div3A : vector<64x512xf32>
    %transpose3A = tpu.transpose %div3A_10, [1, 0] : vector<64x512xf32> -> vector<512x64xf32>
    %swap3A = arith.constant 0 : index
    %swap3A_11 = arith.constant 0 : index
    %swap3A_12 = vector.load %arg3[%swap3A, %swap3A_11] : memref<512x64xf32, #tpu.memory_space<vmem>>, vector<512x64xf32>
    tpu.vector_store %arg3[%swap3A, %swap3A_11], %transpose3A {strides = array<i32>} : memref<512x64xf32, #tpu.memory_space<vmem>>, vector<512x64xf32>,
    return
  }
  func.func @transform_0(%arg0: i32) -> (i32, i32) {
    %c0_i32 = arith.constant 0 : i32
    %c0_i32_0 = arith.constant 0 : i32
    return %arg0, %c0_i32 : i32, i32
  }
  func.func @transform_1(%arg0: i32) -> (i32, i32) {
    %c0_i32 = arith.constant 0 : i32
    %c0_i32_0 = arith.constant 0 : i32
    %c0_i32_1 = arith.constant 0 : i32
    return %c0_i32, %c0_i32_0 : i32, i32
  }
  func.func @transform_2(%arg0: i32) -> (i32, i32) {
    %c0_i32 = arith.constant 0 : i32
    %c0_i32_0 = arith.constant 0 : i32
    return %arg0, %c0_i32 : i32, i32
  }
}

</mosaic_0001>

<sc_bundles>
// kernel: kernel.10.cloned.1.call-start
scs
__scs_entry_jumppad:
0x0: {  	(pc) =	sbr.rel $0x88, $3  }
0x1: {  	(tag) =	ssettag $0x0;
	lr =	simm.s32 $0x1  }
0x2: {  	[smem:$0x3F9F] =	sst lr;
	_ =	strace $0xD0000000  }
0x3: {  	_ = 	snop  }
0x4: {  	_ = 	snop  }
0x5: {  	_ = 	snop  }
0x6: {  	_ = 	snop  }
0x7: {  	_ = 	snop  }
__scs_overlays_trampoline_lowered:
0x8: {  	[smem:$0x3FAE] =	sst s0  }
0x9: {  	[smem:$0x3FAF] =	sst s1  }
0xa: {  	[smem:$0x3FB0] =	sst s2  }
0xb: {  	[smem:$0x3FB1] =	sst s3  }
0xc: {  	[smem:$0x3FB2] =	sst s4  }
0xd: {  	[smem:$0x3FB3] =	sst s5  }
0xe: {  	[smem:$0x3FB4] =	sst s6  }
0xf: {  	[smem:$0x3FB5] =	sst s7  }
0x10: {  	[smem:$0x3FB6] =	sst s8  }
0x11: {  	[smem:$0x3FB7] =	sst s9;
	s0 =	simm.s32 @!p0 $0x0  }
0x12: {  	s1 =	sld [smem:$0x3F9D];
	s0 =	simm.s32 @p0 $0x1  }
0x13: {  	[smem:$0x3FB8] =	sst s0;
	s0 =	simm.s32 @!p1 $0x0  }
0x14: {  	s2 =	sld [smem:$0x3F9C];
	s0 =	simm.s32 @p1 $0x1  }
0x15: {  	[smem:$0x3FB9] =	sst s0;
	s0 =	simm.s32 @!p2 $0x0  }
0x16: {  	s3 =	sld [smem:$0x3FDB];
	s0 =	simm.s32 @p2 $0x1  }
0x17: {  	s4 =	simm.s32 $0x1BF5;
	[smem:$0x3FBB] =	sst s0  }
0x18: {  	s0 =	sld [smem:$0x3F9E];
	_ =	swait.ge [sflag:s4], $0x0  }
0x19: {  	s7 =	sld [smem:$0x3F9F]  }
0x1a: {  	s8 =	sadd.s32 $0xFFFFE003, lr  }
0x1b: {  	s9 =	sadd.s32 $0xFFFFFEF7, lr;
	s5 =	simm.s32 $0xFFFFFFFF;
	p2 =	slt.u32 s8, $0xFFFFF086  }
0x1c: {  	p1 =	slt.u32 s9, $0xF7A;
	s5 =	simm.s32 @!p2 $0x0  }
0x1d: {  	s5 =	simm.s32 @p1 $0x1;
	p0 =	seq.s32 s7, s2  }
0x1e: {  	s7 =	smul.u32 @!p0 $0xF7A, s2;
	p2 =	seq.s32 @!p0 s5, $0x0  }
0x1f: {  	s9 =	smul.u32 $0xF7A, s1;
	s8 =	simm.s32 @!p0 $0x1BF5;
	p2 =	por !p2, p0  }
0x20: {  	[sflag:s8] =	ssyncset.s32 @!p0 $0xFFFFF086;
	s6 =	sadd.s32 @!p0 s3, s7;
	s7 =	simm.s32 @!p0 $0x108  }
0x21: {  	s3 =	sadd.s32 s3, s9;
	s6 =	sadd.s32 @!p0 $0x88, s6;
	s7 =	simm.s32 @p2 $0x1082  }
0x22: {  	[simem:s7], [sflag:s8] =	dma.local @!p0 [hbm:s6], $0xF7A  }
0x23: {  	s9 =	sor.u32 $0xD0000000, s2;
	s6 =	simm.s32 $0x108;
	_ =	swait.ge @!p0 [sflag:s8], $0x0  }
0x24: {  	s3 =	sadd.s32 $0x88, s3;
	s6 =	simm.s32 @!p1 $0x1082;
	[sflag:s4] =	ssyncset.s32 $0xFFFFF086  }
0x25: {  	[simem:s6], [sflag:s4] =	dma.local [hbm:s3], $0xF7A  }
0x26: {  	[smem:$0x3F9F] =	sst s1;
	(tag) =	ssettag s2;
	_ =	strace s9  }
0x27: {  	s1 =	sld [smem:$0x3FAF]  }
0x28: {  	s2 =	sld [smem:$0x3FB0]  }
0x29: {  	s4 =	sld [smem:$0x3FB2]  }
0x2a: {  	p0 =	seq.s32 s5, $0x0;
	s5 =	sld [smem:$0x3FB3]  }
0x2b: {  	s6 =	sld [smem:$0x3FB4]  }
0x2c: {  	s7 =	sld [smem:$0x3FB5]  }
0x2d: {  	s3 =	simm.s32 $0x108;
	s8 =	sld [smem:$0x3FB6]  }
0x2e: {  	s3 =	simm.s32 @!p0 $0x1082;
	s9 =	sld [smem:$0x3FB7]  }
0x2f: {  	lr =	sadd.s32 s0, s3;
	s0 =	sld [smem:$0x3FAE]  }
0x30: {  	s3 =	sld [smem:$0x3FB1]  }
0x31: {  	[smem:$0x3FBA] =	sst s10  }
0x32: {  	s10 =	sld [smem:$0x3FB8];
	_ =	sdelay $0x3  }
0x33: {  	p0 =	seq.s32 s10, $0x1;
	s10 =	sld [smem:$0x3FBA];
	_ =	sdelay $0x3  }
0x34: {  	[smem:$0x3FBA] =	sst s10  }
0x35: {  	s10 =	sld [smem:$0x3FB9];
	_ =	sdelay $0x3  }
0x36: {  	p1 =	seq.s32 s10, $0x1;
	s10 =	sld [smem:$0x3FBA];
	_ =	sdelay $0x3  }
0x37: {  	[smem:$0x3FBA] =	sst s10  }
0x38: {  	s10 =	sld [smem:$0x3FBB]  }
0x39: {  	_ = 	snop;
	(pc) =	sbr.ind lr, $3  }
0x3a: {  	_ = 	snop  }
0x3b: {  	_ = 	snop  }
0x3c: {  	p2 =	seq.s32 s10, $0x1;
	s10 =	sld [smem:$0x3FBA]  }
0x3d: {  	_ =	shalt  }
0x3e: {  	_ =	shalt  }
0x3f: {  	_ =	shalt  }
0x40: {  	_ =	shalt  }
0x41: {  	_ =	shalt  }
0x42: {  	_ =	shalt  }
0x43: {  	_ =	shalt  }
0x44: {  	_ =	shalt  }
0x45: {  	_ =	shalt  }
0x46: {  	_ =	shalt  }
0x47: {  	_ =	shalt  }
0x48: {  	_ =	shalt  }
0x49: {  	_ =	shalt  }
0x4a: {  	_ =	shalt  }
0x4b: {  	_ =	shalt  }
0x4c: {  	_ =	shalt  }
0x4d: {  	_ =	shalt  }
0x4e: {  	_ =	shalt  }
0x4f: {  	_ =	shalt  }
0x50: {  	_ =	shalt  }
0x51: {  	_ =	shalt  }
0x52: {  	_ =	shalt  }
0x53: {  	_ =	shalt  }
0x54: {  	_ =	shalt  }
0x55: {  	_ =	shalt  }
0x56: {  	_ =	shalt  }
0x57: {  	_ =	shalt  }
0x58: {  	_ =	shalt  }
0x59: {  	_ =	shalt  }
0x5a: {  	_ =	shalt  }
0x5b: {  	_ =	shalt  }
0x5c: {  	_ =	shalt  }
0x5d: {  	_ =	shalt  }
0x5e: {  	_ =	shalt  }
0x5f: {  	_ =	shalt  }
0x60: {  	_ =	shalt  }
0x61: {  	_ =	shalt  }
0x62: {  	_ =	shalt  }
0x63: {  	_ =	shalt  }
0x64: {  	_ =	shalt  }
0x65: {  	_ =	shalt  }
0x66: {  	_ =	shalt  }
0x67: {  	_ =	shalt  }
0x68: {  	_ =	shalt  }
0x69: {  	_ =	shalt  }
0x6a: {  	_ =	shalt  }
0x6b: {  	_ =	shalt  }
0x6c: {  	_ =	shalt  }
0x6d: {  	_ =	shalt  }
0x6e: {  	_ =	shalt  }
0x6f: {  	_ =	shalt  }
0x70: {  	_ =	shalt  }
0x71: {  	_ =	shalt  }
0x72: {  	_ =	shalt  }
0x73: {  	_ =	shalt  }
0x74: {  	_ =	shalt  }
0x75: {  	_ =	shalt  }
0x76: {  	_ =	shalt  }
0x77: {  	_ =	shalt  }
0x78: {  	_ =	shalt  }
0x79: {  	_ =	shalt  }
0x7a: {  	_ =	shalt  }
0x7b: {  	_ =	shalt  }
0x7c: {  	_ =	shalt  }
0x7d: {  	_ =	shalt  }
0x7e: {  	_ =	shalt  }
0x7f: {  	_ =	shalt  }
0x80: {  	_ =	shalt  }
0x81: {  	_ =	shalt  }
0x82: {  	_ =	shalt  }
0x83: {  	_ =	shalt  }
0x84: {  	_ =	shalt  }
0x85: {  	_ =	shalt  }
0x86: {  	_ =	shalt  }
0x87: {  	_ =	shalt  }
.Lfunc_end0:
.L_simem_size_0:
called_computation_lowered:
.L_overlay_start_0:
0x88: {  	s2 =	sld [smem:$0x3FD9]  }
0x89: {  	s3 =	sld [smem:$0x3FFE];
	_ =	sdelay $0x1  }
0x8a: {  	s1 =	srdreg.scid  }
0x8b: {  	s0 =	sand.u32 $0x1, s1  }
0x8c: {  	s17 =	sshll.u32 s0, $0xA;
	s2 =	sadd.s32 s3, s2  }
0x8d: {  	s2 =	sadd.s32 s2, s17  }
0x8e: {  	[smem:$0x3FC6] =	sst s2  }
0x8f: {  	_ = 	snop  }
0x90: {  	(tm) =	ssettm $0x1  }
0x91: {  	s18 =	sld [smem:$0x3FFB];
	_ =	sdelay $0x3  }
0x92: {  	_ =	strace s18  }
0x93: {  	s2 =	sld [smem:$0x3FFC];
	_ =	sdelay $0x3  }
0x94: {  	_ =	strace s2  }
0x95: {  	s2 =	sld [smem:$0x3FFD];
	_ =	sdelay $0x3  }
0x96: {  	_ =	strace s2  }
0x97: {  	_ =	strace $0x8FFFFFFF  }
0x98: {  	s19 =	sld [smem:$0x3FDB];
	_ =	sdelay $0x1  }
0x99: {  	s20 =	simm.s32 $_scs_section_size  }
0x9a: {  	s4 =	simm.s32 $_size__tile_overlayer_lowered;
	s5 =	simm.s32 $_tile_overlayer_lowered  }
0x9b: {  	s6 =	simm.s32 $0x1BFF;
	s21 =	sshll.u32 s5, $0x1;
	s3 =	sadd.s32 s20, s19  }
0x9c: {  	s22 =	simm.s32 $0x0;
	s4 =	sshll.u32 s4, $0x1;
	s5 =	sadd.s32 s21, s3  }
0x9d: {  	[timem:s22], [sflag:s6] =	dma.local [hbm:s5], s4  }
0x9e: {  	_ =	swait.ge [sflag:s6], s4  }
0x9f: {  	s4 =	ssub.s32 $0x0, s4;
	[sflag:s6] =	ssyncset.done $0x0  }
0xa0: {  	[sflag:s6] =	ssyncadd.s32 s4;
	_ =	sdelay $0x1  }
0xa1: {  	s23 =	simm.s32 $0x1B8B  }
0xa2: {  	_ =	swait.ge [sflag:s23], $0x1  }
0xa3: {  	[sflag:s23] =	ssyncset.done $0x0  }
0xa4: {  	[sflag:s23] =	ssyncadd.s32 $0xFFFFFFFF  }
0xa5: {  	s4 =	sld [smem:$0x0]  }
0xa6: {  	s5 =	sand.u32 $0xFFFFFFFE, s1  }
0xa7: {  	p0 =	sne.s32 s1, s5  }
0xa8: {  	s5 =	sshll.u32 @p0 s5, $0xE  }
0xa9: {  	s5 =	sadd.s32 @p0 $0x11B8D, s5;
	s6 =	sshll.u32 @p0 s4, $0x11  }
0xaa: {  	s5 =	sor.u32 @p0 s6, s5  }
0xab: {  	[sflag:s5] =	ssyncadd.remote.s32 @p0 $0x1;
	_ =	sdelay $0x1  }
0xac: {  	s5 =	simm.s32 @p0 $0x1B8D  }
0xad: {  	_ =	swait.eq @p0 [sflag:s5], $0x1  }
0xae: {  	[sflag:s5] =	ssyncadd.s32 @p0 $0xFFFFFFFF  }
0xaf: {  	s6 =	sshll.u32 @!p0 s1, $0xE  }
0xb0: {  	s6 =	sor.u32 @!p0 $0x4000, s6;
	s5 =	simm.s32 @!p0 $0x1B8D  }
0xb1: {  	s4 =	sshll.u32 @!p0 s4, $0x11;
	s6 =	sadd.s32 @!p0 $0x11B8D, s6;
	_ =	swait.eq @!p0 [sflag:s5], $0x1  }
0xb2: {  	s4 =	sor.u32 @!p0 s4, s6;
	[sflag:s5] =	ssyncadd.s32 @!p0 $0xFFFFFFFF  }
0xb3: {  	s25 =	simm.s32 $0x1B8E;
	s24 =	sld [smem:$0x3FFE];
	[sflag:s4] =	ssyncadd.remote.s32 @!p0 $0x1  }
0xb4: {  	s26 =	simm.s32 $execute0_lowered;
	[smem:$0x3FD2] =	sst s25  }
0xb5: {  	s5 =	sshll.u32 s26, $0x1;
	_ =	strace $0x8000004F;
	[dreg:$0x1] =	wrdreg $0xFFFFFFFF  }
0xb6: {  	s28 =	simm.s32 $_size_execute0_lowered;
	s3 =	sadd.s32 s3, s5;
	[dreg:$0x0] =	wrdreg $0x0  }
0xb7: {  	s5 =	sshll.u32 s28, $0x1;
	[dreg:$0x2] =	wrdreg s3  }
0xb8: {  	[dreg:$0x3] =	wrdreg s5  }
0xb9: {  	[dreg:$0x4] =	wrdreg $0xC0  }
0xba: {  	_ =	task [dreg:s22], $0x5FFFF  }
0xbb: {  	[dreg:$0x1] =	wrdreg $0xFFFFFFFF  }
0xbc: {  	[dreg:$0x0] =	wrdreg $0x60  }
0xbd: {  	[dreg:$0x2] =	wrdreg s24  }
0xbe: {  	[dreg:$0x3] =	wrdreg $0x9  }
0xbf: {  	_ =	task.clear_ibuf [dreg:s22], $0x4FFFF;
	_ =	strace $0x9000004F  }
0xc0: {  	s29 =	simm.s32 $0x9;
	_ =	strace $0x80000051  }
0xc1: {  	_ =	swait.ge [sflag:s29], $0x1  }
0xc2: {  	[sflag:s29] =	ssyncadd.s32 $0xFFFFFFFF  }
0xc3: {  	_ =	strace $0x90000051  }
0xc4: {  	_ =	sfence  }
0xc5: {  	s30 =	sld [smem:$0x0];
	_ =	sdelay $0x2  }
0xc6: {  	s31 =	sshll.u32 s1, $0xD;
	s1 =	sshrl.u32 s1, $0x2  }
0xc7: {  	s4 =	sand.u32 $0x4000, s31;
	s1 =	sadd.s32 s1, s30  }
0xc8: {  	s0 =	sor.u32 s4, s0;
	s1 =	sshll.u32 s1, $0x11  }
0xc9: {  	s0 =	sor.u32 s1, s0  }
0xca: {  	s0 =	sadd.s32 $0x8F2B, s0  }
0xcb: {  	[sflag:s0] =	ssyncadd.remote.s32 $0x1  }
0xcc: {  	_ =	sfence.sel $0xFFFF  }
0xcd: {  	[dreg:$0x0] =	wrdreg $0xFFFFFFFF;
	(pc) =	sbr.abs _section_cstart, $3  }
0xce: {  	[dreg:$0x1] =	wrdreg $0xFFFFFFFF  }
0xcf: {  	_ =	task.clear_ibuf [dreg:s22], $0x2FFFF;
	_ =	strace $0x9FFFFFFF  }
0xd0: {  	(tm) =	ssettm $0x7FFFFFFF  }
0xd1: {  	_ =	shalt  }
tec
execute0_lowered:
.L_overlay_start_1:
0x0: {  	(tag) =	ssettag $0x1  }
0x1: {  	s3 =	rddreg [dreg:$0x0];
	s2 =	srdreg.scid  }
0x2: {  	s0 =	rddreg [dreg:$0x1];
	s1 =	stileid.u32;
	s7 =	simm.s32 $0x1  }
0x3: {  	s8 =	simm.s32 $0x2000;
	s9 =	simm.s32 $0x4000;
	s4 =	sand.u32 $0x1, s2  }
0x4: {  	s10 =	simm.s32 $0x0;
	s5 =	sshll.u32 s1, $0xB;
	s6 =	sshll.u32 s4, $0xA  }
0x5: {  	v0 =	vlaneseq.u32;
	s2 =	simm.s32 $0x0;
	s4 =	ssub.s32 $0x2, s4;
	s5 =	sor.u32 s6, s5  }
0x6: {  	v0 =	vmul.u32 $0xFFFFFFFF, v0;
	[smem:$0x7FF] =	sst s2;
	s30 =	sshrl.u32 s4, $0x1;
	s5 =	sadd.s32 s5, s3  }
0x7: {  	_ =	strace $0x80000050;
	s31 =	ssub.s32 s4, s30;
	s3 =	sadd.s32 $0x43400, s5  }
0x8: {  	vm0 =	vmmov $0xff;
	v1 =	vimm.s32 $0x0;
	v0 =	vadd.s32 $0xF, v0;
	s4 =	sadd.s32 $0x53400, s5;
	s5 =	sadd.s32 $0x4B400, s5;
	s6 =	smax.u32 s31, $0x1  }
.LBB2_1:
0x9: {  	[tilespmem:s2], [sflag:$0x1] =	stream.linear.gather [hbm4b:s3+s2], $0x2000, $0x38;
	[tilespmem:$0x6000] =	vst v63  }
0xa: {  	_ =	swait.ge [sflag:s7], $0x2000  }
0xb: {  	[sflag:s7] =	ssyncset.done $0x0  }
0xc: {  	s15 =	simm.s32 $0x0;
	[sflag:s7] =	ssyncadd.s32 $0xFFFFE000  }
0xd: {  	v21 =	vld [tilespmem:s15+$0x30];
	_ =	sdelay $0x1  }
0xe: {  	v19 =	vld [tilespmem:s15+$0x20];
	_ =	sdelay $0x2  }
0xf: {  	(xrf1) =	vsort.ascd.msk.f32 $0xffff, v21, v21;
	_ =	sdelay $0x1  }
0x10: {  	v20 =	vld [tilespmem:s15+$0x10];
	(xrf1) =	vsort.ascd.msk.f32 $0xffff, v19, v19;
	_ =	sdelay $0x1  }
0x11: {  	v18 =	vld [tilespmem:s15+$0x0];
	_ =	sdelay $0x2  }
0x12: {  	(xrf1) =	vsort.ascd.msk.f32 $0xffff, v20, v20;
	_ =	sdelay $0x1  }
0x13: {  	(xrf1) =	vsort.ascd.msk.f32 $0xffff, v18, v18;
	_ =	sdelay $0x3  }
0x14: {  	s14 =	simm.s32 $0x80  }
0x15: {  	v16 =	vld [tilespmem:s14+$0x30];
	v2, _, _ =	vpop (xrf1)  }
0x16: {  	v2 =	vperm.xlane v2, v0  }
0x17: {  	v15 =	vld [tilespmem:s14+$0x20];
	v3, _, _ =	vpop (xrf1)  }
0x18: {  	v2 =	vmax.f32 v3, v2  }
0x19: {  	(xrf1) =	vsort.ascd.msk.f32 $0xffff, v2, v2  }
0x1a: {  	v17 =	vld [tilespmem:s14+$0x10];
	(xrf1) =	vsort.ascd.msk.f32 $0xffff, v16, v16;
	_ =	sdelay $0x1  }
0x1b: {  	v2, _, _ =	vpop (xrf1);
	(xrf1) =	vsort.ascd.msk.f32 $0xffff, v15, v15  }
0x1c: {  	v2 =	vperm.xlane v2, v0  }
0x1d: {  	v14 =	vld [tilespmem:s14+$0x0];
	v3, _, _ =	vpop (xrf1)  }
0x1e: {  	(xrf1) =	vsort.ascd.msk.f32 $0xffff, v17, v17;
	v2 =	vmax.f32 v3, v2  }
0x1f: {  	(xrf1) =	vsort.ascd.msk.f32 $0xffff, v2, v2;
	_ =	sdelay $0x2  }
0x20: {  	(xrf1) =	vsort.ascd.msk.f32 $0xffff, v14, v14;
	_ =	sdelay $0x3  }
0x21: {  	s12 =	simm.s32 $0x100;
	v2, _, _ =	vpop (xrf1)  }
0x22: {  	v12 =	vld [tilespmem:s12+$0x30];
	v3, _, _ =	vpop (xrf1)  }
0x23: {  	v3 =	vperm.xlane v3, v0  }
0x24: {  	v10 =	vld [tilespmem:s12+$0x20];
	v4, _, _ =	vpop (xrf1)  }
0x25: {  	v3 =	vmax.f32 v4, v3  }
0x26: {  	(xrf1) =	vsort.ascd.msk.f32 $0xffff, v3, v3  }
0x27: {  	v13 =	vld [tilespmem:s12+$0x10];
	v2 =	vperm.xlane v2, v0;
	v4, _, _ =	vpop (xrf1);
	(xrf1) =	vsort.ascd.msk.f32 $0xffff, v12, v12  }
0x28: {  	v3, _, _ =	vpop (xrf1)  }
0x29: {  	(xrf1) =	vsort.ascd.msk.f32 $0xffff, v10, v10;
	v2 =	vmax.f32 v3, v2  }
0x2a: {  	(xrf1) =	vsort.ascd.msk.f32 $0xffff, v2, v2;
	v2 =	vperm.xlane v4, v0  }
0x2b: {  	v3, _, _ =	vpop (xrf1)  }
0x2c: {  	v9 =	vld [tilespmem:s12+$0x0];
	(xrf1) =	vsort.ascd.msk.f32 $0xffff, v13, v13;
	v2 =	vmax.f32 v3, v2  }
0x2d: {  	(xrf1) =	vsort.ascd.msk.f32 $0xffff, v2, v2;
	_ =	sdelay $0x3  }
0x2e: {  	(xrf1) =	vsort.ascd.msk.f32 $0xffff, v9, v9;
	_ =	sdelay $0x2  }
0x2f: {  	v2, _, _ =	vpop (xrf1)  }
0x30: {  	s11 =	simm.s32 $0x180;
	v3, _, _ =	vpop (xrf1)  }
0x31: {  	v8 =	vld [tilespmem:s11+$0x30];
	v3 =	vperm.xlane v3, v0  }
0x32: {  	v4 =	vld [tilespmem:s11+$0x20];
	v5, _, _ =	vpop (xrf1)  }
0x33: {  	v6, _, _ =	vpop (xrf1);
	v3 =	vmax.f32 v5, v3  }
0x34: {  	v6 =	vsel vm0, $0x7F800000, v6;
	(xrf1) =	vsort.ascd.msk.f32 $0xffff, v3, v3  }
0x35: {  	v7 =	vld [tilespmem:s11+$0x10];
	v2 =	vperm.xlane v2, v0;
	v5, _, _ =	vpop (xrf1);
	(xrf0) =	vmin.scan.msk.f32 $0xffff, v6  }
0x36: {  	(xrf1) =	vsort.ascd.msk.f32 $0xffff, v8, v8;
	v3, _, _ =	vpop (xrf1)  }
0x37: {  	(xrf1) =	vsort.ascd.msk.f32 $0xffff, v4, v4;
	v2 =	vmax.f32 v3, v2  }
0x38: {  	(xrf1) =	vsort.ascd.msk.f32 $0xffff, v2, v2  }
0x39: {  	v3 =	vperm.xlane v5, v0  }
0x3a: {  	v5, _, _ =	vpop (xrf1);
	(xrf1) =	vsort.ascd.msk.f32 $0xffff, v7, v7  }
0x3b: {  	v2 =	vld [tilespmem:s11+$0x0];
	v3 =	vmax.f32 v5, v3  }
0x3c: {  	(xrf1) =	vsort.ascd.msk.f32 $0xffff, v3, v3;
	v5, _, _ =	vpop (xrf0)  }
0x3d: {  	v3 =	vbroadcast v5, $0xF;
	_ =	sdelay $0x1  }
0x3e: {  	vm5 =	veq.f32 v21, v3  }
0x3f: {  	(xrf1) =	vsort.ascd.msk.f32 $0xffff, v2, v2;
	v5 =	vsel vm5, $0x1, v1  }
0x40: {  	vm1 =	veq.f32 v19, v3;
	vm2 =	veq.f32 v20, v3;
	vm6 =	vgt.f32 v21, v3;
	(xrf0) =	vadd.scan.msk.s32 $0xffff, v5  }
0x41: {  	vm7 =	vgt.f32 v19, v3;
	vm8 =	vgt.f32 v18, v3;
	v5 =	vsel vm1, $0x1, v1  }
0x42: {  	vm4 =	vgt.f32 v20, v3;
	v6 =	vmpcnt.ones.xlane vm2;
	v23 =	vmpcnt.ones.xlane vm8;
	(xrf0) =	vadd.scan.msk.s32 $0xffff, v5;
	v11, _, _ =	vpop (xrf1)  }
0x43: {  	s13 =	simm.s32 $0x200;
	v24 =	vsel vm2, $0x1, v1;
	v25 =	vmpcnt.ones.xlane vm7;
	v5 =	vmpcnt.ones.xlane vm4;
	v22, _, _ =	vpop (xrf1)  }
0x44: {  	vm3 =	veq.f32 v18, v3;
	v3 =	vld [tilespmem:s13+$0x30];
	v27 =	vmpcnt.ones.xlane vm6;
	(xrf0) =	vadd.scan.msk.s32 $0xffff, v24;
	v22 =	vperm.xlane v22, v0;
	v26, _, _ =	vpop (xrf1)  }
0x45: {  	v28 =	vmpcnt.ones.xlane vm1;
	v5 =	vadd.s32 v5, v23;
	v23 =	vmpcnt.ones.xlane vm3;
	v52, _, _ =	vpop (xrf1)  }
0x46: {  	vm8 =	vmmov vm8;
	v58 =	vsel vm3, $0x1, v1;
	v29, _, _ =	vpop (xrf0);
	v22 =	vmax.f32 v26, v22  }
0x47: {  	v25 =	vadd.s32 v25, v5;
	v5 =	vld [tilespmem:s13+$0x20];
	v6 =	vadd.s32 v23, v6;
	v24 =	vsel vm0, $0x7F800000, v52;
	v55, _, _ =	vpop (xrf1);
	(xrf1) =	vsort.ascd.msk.f32 $0xffff, v22, v22  }
0x48: {  	v54 =	vadd.s32 v27, v25;
	v53, _, _ =	vpop (xrf0);
	v56 =	vadd.s32 v6, v29;
	v22 =	vperm.xlane v11, v0;
	(xrf0) =	vmin.scan.msk.f32 $0xffff, v24  }
0x49: {  	v26 =	vadd.s32 v6, v53;
	v57, _, _ =	vpop (xrf1);
	v24 =	vsub.s32 $0x8, v54;
	v11 =	vadd.s32 v28, v56;
	(xrf1) =	vsort.ascd.msk.f32 $0xffff, v3, v3  }
0x4a: {  	v6 =	vld [tilespmem:s13+$0x10];
	v59, _, _ =	vpop (xrf0);
	v25 =	vperm.xlane v55, v0;
	vm9 =	vle.s32 v26, v24;
	vm10 =	vle.s32 v11, v24  }
0x4b: {  	(xrf0) =	vadd.scan.msk.s32 $0xffff, v58;
	v22 =	vmax.f32 v57, v22;
	v23 =	vadd.s32 v23, v59;
	vm5 =	vmand vm5, vm10  }
0x4c: {  	v11 =	vld [tilespmem:s13+$0x0];
	(xrf1) =	vsort.ascd.msk.f32 $0xffff, v5, v5;
	vm10 =	vle.s32 v23, v24;
	vm9 =	vmand vm1, vm9;
	vm5 =	vmor vm6, vm5  }
0x4d: {  	(xrf1) =	vsort.ascd.msk.f32 $0xffff, v22, v22;
	v60, _, _ =	vpop (xrf1);
	vm2 =	vmand vm2, vm10;
	vm7 =	vmor vm7, vm9;
	v21 =	vnsel vm5, $0x0, v21  }
0x4e: {  	v23 =	vsel vm5, $0x3F800000, v1;
	v25 =	vmax.f32 v60, v25;
	vm2 =	vmor vm4, vm2;
	v22, _, _ =	vpop (xrf0)  }
0x4f: {  	v63 =	vsel vm7, $0x3F800000, v1;
	(xrf1) =	vsort.ascd.msk.f32 $0xffff, v6, v6;
	[tilespmem:s15+$0x2030] =	vst v21;
	v61 =	vbroadcast v22, $0xF  }
0x50: {  	v20 =	vnsel vm2, $0x0, v20;
	[tilespmem:s15+$0x4030] =	vst v23;
	(xrf1) =	vsort.ascd.msk.f32 $0xffff, v25, v25;
	v22 =	vsel vm2, $0x3F800000, v1  }
0x51: {  	v23 =	vnsel vm7, $0x0, v19;
	[tilespmem:s15+$0x2010] =	vst v20;
	(xrf1) =	vsort.ascd.msk.f32 $0xffff, v11, v11;
	vm6 =	veq.f32 v16, v61  }
0x52: {  	[tilespmem:s15+$0x4010] =	vst v22;
	vm4 =	veq.f32 v17, v61;
	vm5 =	vgt.f32 v16, v61;
	v20 =	vsel vm6, $0x1, v1  }
0x53: {  	vm1 =	vgt.f32 v15, v61;
	vm2 =	veq.f32 v15, v61;
	vm9 =	vgt.f32 v14, v61;
	v22, _, _ =	vpop (xrf0);
	(xrf0) =	vadd.scan.msk.s32 $0xffff, v20  }
0x54: {  	[tilespmem:s15+$0x4020] =	vst v63;
	vm7 =	vgt.f32 v17, v61;
	v62 =	vsel vm2, $0x1, v1;
	vm10 =	vle.s32 v22, v24  }
0x55: {  	[tilespmem:s15+$0x2020] =	vst v23;
	v21 =	vmpcnt.ones.xlane vm1;
	v20 =	vmpcnt.ones.xlane vm4;
	vm10 =	vmand vm3, vm10  }
0x56: {  	s16 =	simm.s32 $0xA00;
	v22 =	vmpcnt.ones.xlane vm7;
	(xrf0) =	vadd.scan.msk.s32 $0xffff, v62;
	vm3 =	veq.f32 v14, v61;
	v19, _, _ =	vpop (xrf1);
	vm8 =	vmor vm8, vm10  }
.LBB2_2:
0x57: {  	v23, _, _ =	vpop (xrf1);
	v24 =	vmpcnt.ones.xlane vm9;
	v25 =	vnsel vm8, $0x0, v18;
	v26 =	vsel vm8, $0x3F800000, v1  }
0x58: {  	s17 =	sshra.s32 s16, $0x2;
	p0 =	sne.s32 s16, $0x7E00;
	s16 =	sadd.s32 $0x200, s16;
	v27 =	vmovc v4;
	v4 =	vmovc v5;
	v18 =	vmov v14;
	v14 =	vmov v9;
	v9 =	vmov v2  }
0x59: {  	v5 =	vsel vm4, $0x1, v1;
	v29 =	vmpcnt.ones.xlane vm2;
	v2 =	vmov v11;
	v28 =	vld [tilespmem:s17+$0x30];
	v30, _, _ =	vpop (xrf0);
	[tilespmem:s15+$0x2000] =	vst v25  }
0x5a: {  	v11 =	vperm.xlane v23, v0;
	v23, _, _ =	vpop (xrf1);
	v22 =	vadd.s32 v22, v24;
	v24 =	vmpcnt.ones.xlane vm3;
	(xrf0) =	vadd.scan.msk.s32 $0xffff, v5  }
0x5b: {  	v32 =	vmpcnt.ones.xlane vm5;
	vm8 =	vmmov vm9;
	v25 =	vld [tilespmem:s17+$0x10];
	v31, _, _ =	vpop (xrf1);
	v21 =	vadd.s32 v21, v22;
	[tilespmem:s15+$0x4000] =	vst v26;
	s15 =	smov.u32 s14;
	s14 =	smov.u32 s12;
	s12 =	smov.u32 s11  }
0x5c: {  	v11 =	vmax.f32 v23, v11;
	s11 =	smov.u32 s13;
	s13 =	smov.u32 s17;
	v5 =	vld [tilespmem:s17+$0x20];
	v22 =	vsel vm0, $0x7F800000, v31;
	v20 =	vadd.s32 v24, v20;
	v23, _, _ =	vpop (xrf0)  }
0x5d: {  	v21 =	vadd.s32 v32, v21;
	v26, _, _ =	vpop (xrf1);
	(xrf0) =	vmin.scan.msk.f32 $0xffff, v22;
	v22 =	vadd.s32 v20, v23;
	v20 =	vadd.s32 v20, v30  }
0x5e: {  	v19 =	vperm.xlane v19, v0;
	(xrf1) =	vsort.ascd.msk.f32 $0xffff, v11, v11;
	v23, _, _ =	vpop (xrf1)  }
0x5f: {  	v31 =	vsub.s32 $0x8, v21;
	v11 =	vsel vm3, $0x1, v1;
	v21 =	vadd.s32 v29, v20;
	(xrf1) =	vsort.ascd.msk.f32 $0xffff, v28, v28;
	v30, _, _ =	vpop (xrf1)  }
0x60: {  	vm9 =	vle.s32 v22, v31;
	vm10 =	vle.s32 v21, v31;
	(xrf0) =	vadd.scan.msk.s32 $0xffff, v11;
	v20, _, _ =	vpop (xrf0)  }
0x61: {  	v22 =	vmax.f32 v23, v19;
	vm6 =	vmand vm6, vm10;
	v11 =	vld [tilespmem:s13+$0x0];
	(xrf1) =	vsort.ascd.msk.f32 $0xffff, v5, v5;
	v20 =	vadd.s32 v24, v20  }
0x62: {  	v21 =	vperm.xlane v26, v0;
	vm5 =	vmor vm5, vm6;
	(xrf1) =	vsort.ascd.msk.f32 $0xffff, v22, v22;
	vm10 =	vle.s32 v20, v31  }
0x63: {  	v20 =	vnsel vm5, $0x0, v16;
	v22 =	vsel vm5, $0x3F800000, v1;
	v19, _, _ =	vpop (xrf0);
	vm4 =	vmand vm4, vm10  }
0x64: {  	v21 =	vmax.f32 v30, v21;
	v16 =	vmovc v12;
	(xrf1) =	vsort.ascd.msk.f32 $0xffff, v25, v25;
	v23 =	vbroadcast v19, $0xF;
	vm4 =	vmor vm7, vm4  }
0x65: {  	v12 =	vmovc v8;
	(xrf1) =	vsort.ascd.msk.f32 $0xffff, v21, v21;
	v17 =	vnsel vm4, $0x0, v17;
	v19 =	vsel vm4, $0x3F800000, v1;
	[tilespmem:s15+$0x2030] =	vst v20  }
0x66: {  	(xrf1) =	vsort.ascd.msk.f32 $0xffff, v11, v11;
	vm4 =	veq.f32 v13, v23;
	vm6 =	veq.f32 v16, v23;
	[tilespmem:s15+$0x2010] =	vst v17;
	v24, _, _ =	vpop (xrf0)  }
0x67: {  	v8 =	vmovc v3;
	v3 =	vmovc v28;
	vm7 =	vmand vm2, vm9;
	vm5 =	vgt.f32 v16, v23;
	v20 =	vsel vm6, $0x1, v1;
	[tilespmem:s15+$0x4010] =	vst v19  }
.Ltmp0:
0x68: {  	vm7 =	vmor vm1, vm7;
	vm2 =	veq.f32 v10, v23;
	vm1 =	vgt.f32 v10, v23;
	(xrf0) =	vadd.scan.msk.s32 $0xffff, v20;
	v17 =	vmovc v13;
	(pc) =	sbr.rel @p0 .LBB2_2-.Ltmp0, $4  }
0x69: {  	v26 =	vsel vm7, $0x3F800000, v1;
	v19 =	vsel vm2, $0x1, v1;
	v20 =	vmpcnt.ones.xlane vm4;
	v13 =	vmovc v7;
	v7 =	vmovc v6;
	[tilespmem:s15+$0x4030] =	vst v22  }
0x6a: {  	v21 =	vmpcnt.ones.xlane vm1;
	vm10 =	vle.s32 v24, v31;
	v24 =	vnsel vm7, $0x0, v15;
	v15 =	vmovc v10;
	v6 =	vmovc v25;
	[tilespmem:s15+$0x4020] =	vst v26  }
0x6b: {  	vm9 =	vgt.f32 v14, v23;
	v10 =	vmovc v27;
	vm10 =	vmand vm3, vm10;
	vm7 =	vgt.f32 v17, v23;
	(xrf0) =	vadd.scan.msk.s32 $0xffff, v19  }
0x6c: {  	vm3 =	veq.f32 v14, v23;
	vm8 =	vmor vm8, vm10;
	v22 =	vmpcnt.ones.xlane vm7;
	v19, _, _ =	vpop (xrf1);
	[tilespmem:s15+$0x2020] =	vst v24  }
0x6d: {  	_ =	sdelay $0x1  }
0x6e: {  	v23, _, _ =	vpop (xrf1)  }
0x6f: {  	v24 =	vsel vm4, $0x1, v1;
	v25, _, _ =	vpop (xrf1)  }
0x70: {  	v26 =	vmpcnt.ones.xlane vm9;
	v23 =	vperm.xlane v23, v0;
	(xrf0) =	vadd.scan.msk.s32 $0xffff, v24;
	v42, _, _ =	vpop (xrf1)  }
0x71: {  	v18 =	vnsel vm8, $0x0, v18;
	v19 =	vperm.xlane v19, v0;
	v24 =	vsel vm0, $0x7F800000, v42;
	v27, _, _ =	vpop (xrf1)  }
0x72: {  	v28 =	vsel vm8, $0x3F800000, v1;
	v23 =	vmax.f32 v25, v23;
	(xrf0) =	vmin.scan.msk.f32 $0xffff, v24;
	v43, _, _ =	vpop (xrf1);
	v44 =	vperm.xlane v27, v0  }
0x73: {  	v45 =	vmpcnt.ones.xlane vm2;
	v29 =	vmpcnt.ones.xlane vm3;
	(xrf1) =	vsort.ascd.msk.f32 $0xffff, v23, v23;
	v46, _, _ =	vpop (xrf1);
	v19 =	vmax.f32 v43, v19  }
0x74: {  	v48 =	vmpcnt.ones.xlane vm5;
	v47, _, _ =	vpop (xrf0);
	v22 =	vadd.s32 v22, v26;
	(xrf1) =	vsort.ascd.msk.f32 $0xffff, v19, v19;
	v49 =	vmax.f32 v46, v44  }
0x75: {  	vm9 =	vmmov vm9;
	v20 =	vadd.s32 v29, v20;
	v21 =	vadd.s32 v21, v22;
	v50, _, _ =	vpop (xrf0);
	(xrf1) =	vsort.ascd.msk.f32 $0xffff, v49, v49  }
0x76: {  	v51 =	vadd.s32 v48, v21;
	v52 =	vadd.s32 v20, v50;
	v20 =	vadd.s32 v20, v47;
	v53, _, _ =	vpop (xrf0)  }
0x77: {  	v20 =	vadd.s32 v45, v20;
	v19 =	vsub.s32 $0x8, v51;
	v22 =	vadd.s32 v29, v53  }
0x78: {  	v54 =	vsel vm3, $0x1, v1;
	vm12 =	vle.s32 v20, v19;
	vm10 =	vle.s32 v22, v19  }
0x79: {  	(xrf0) =	vadd.scan.msk.s32 $0xffff, v54;
	vm11 =	vle.s32 v52, v19;
	vm6 =	vmand vm6, vm12;
	vm13 =	vmand vm4, vm10  }
0x7a: {  	vm11 =	vmand vm2, vm11;
	v55, _, _ =	vpop (xrf0);
	vm14 =	vmor vm5, vm6;
	vm4 =	vmor vm7, vm13  }
0x7b: {  	vm1 =	vmor vm1, vm11;
	v20 =	vbroadcast v55, $0xF;
	v16 =	vnsel vm14, $0x0, v16  }
0x7c: {  	v21 =	vsel vm14, $0x3F800000, v1;
	v17 =	vnsel vm4, $0x0, v17;
	v56 =	vsel vm4, $0x3F800000, v1  }
0x7d: {  	v61 =	vsel vm1, $0x3F800000, v1;
	v15 =	vnsel vm1, $0x0, v15;
	vm15 =	veq.f32 v12, v20  }
0x7e: {  	vm6 =	veq.f32 v13, v20;
	vm4 =	veq.f32 v10, v20;
	v57 =	vsel vm15, $0x1, v1  }
0x7f: {  	v58, _, _ =	vpop (xrf0);
	vm7 =	vgt.f32 v12, v20;
	vm2 =	vgt.f32 v10, v20;
	v60 =	vsel vm4, $0x1, v1;
	(xrf0) =	vadd.scan.msk.s32 $0xffff, v57  }
0x80: {  	vm12 =	vle.s32 v58, v19;
	vm1 =	vgt.f32 v13, v20;
	v63 =	vsel vm6, $0x1, v1;
	(xrf0) =	vadd.scan.msk.s32 $0xffff, v60  }
0x81: {  	vm13 =	vgt.f32 v9, v20;
	v59 =	vmpcnt.ones.xlane vm6;
	v29 =	vmpcnt.ones.xlane vm1;
	(xrf0) =	vadd.scan.msk.s32 $0xffff, v63;
	v62, _, _ =	vpop (xrf1)  }
0x82: {  	vm5 =	veq.f32 v9, v20;
	v31 =	vmpcnt.ones.xlane vm13;
	v19 =	vperm.xlane v62, v0;
	v30, _, _ =	vpop (xrf1)  }
0x83: {  	vm3 =	vmand vm3, vm12;
	v33 =	vmpcnt.ones.xlane vm2;
	v34 =	vmpcnt.ones.xlane vm5;
	v32, _, _ =	vpop (xrf1)  }
0x84: {  	v35 =	vmpcnt.ones.xlane vm7;
	v36 =	vmpcnt.ones.xlane vm4;
	v19 =	vmax.f32 v32, v19  }
0x85: {  	v41 =	vsel vm5, $0x1, v1;
	v23 =	vadd.s32 v29, v31;
	v37, _, _ =	vpop (xrf0);
	v20 =	vsel vm0, $0x7F800000, v30;
	(xrf1) =	vsort.ascd.msk.f32 $0xffff, v19, v19  }
0x86: {  	vm3 =	vmor vm9, vm3;
	v25 =	vadd.s32 v34, v59;
	v39, _, _ =	vpop (xrf0);
	(xrf0) =	vmin.scan.msk.f32 $0xffff, v20;
	v20 =	vadd.s32 v33, v23  }
0x87: {  	vm9 =	vmmov vm13;
	v23 =	vadd.s32 v25, v37;
	v40, _, _ =	vpop (xrf0);
	v20 =	vadd.s32 v35, v20  }
0x88: {  	v19 =	vadd.s32 v36, v23;
	v23 =	vadd.s32 v34, v40;
	(xrf0) =	vadd.scan.msk.s32 $0xffff, v41;
	v20 =	vsub.s32 $0x8, v20  }
0x89: {  	v14 =	vnsel vm3, $0x0, v14;
	v38 =	vsel vm3, $0x3F800000, v1;
	vm14 =	vle.s32 v23, v20  }
0x8a: {  	v42 =	vadd.s32 v25, v39;
	vm3 =	vle.s32 v19, v20;
	vm6 =	vmand vm6, vm14  }
0x8b: {  	vm3 =	vmand vm15, vm3;
	vm15 =	vle.s32 v42, v20;
	vm1 =	vmor vm1, vm6  }
0x8c: {  	[tilespmem:s15+$0x2000] =	vst v18;
	v43, _, _ =	vpop (xrf0);
	v47 =	vnsel vm1, $0x0, v13;
	v48 =	vsel vm1, $0x3F800000, v1;
	vm1 =	vmand vm4, vm15  }
0x8d: {  	[tilespmem:s15+$0x4000] =	vst v28;
	vm3 =	vmor vm7, vm3;
	v45 =	vbroadcast v43, $0xF;
	vm1 =	vmor vm2, vm1  }
0x8e: {  	[tilespmem:s14+$0x2030] =	vst v16;
	v44 =	vnsel vm3, $0x0, v12;
	v46 =	vsel vm3, $0x3F800000, v1;
	v50, _, _ =	vpop (xrf0);
	v53 =	vsel vm1, $0x3F800000, v1  }
0x8f: {  	[tilespmem:s14+$0x2010] =	vst v17;
	vm13 =	vle.s32 v50, v20;
	v54 =	vnsel vm1, $0x0, v10;
	vm12 =	veq.f32 v8, v45  }
0x90: {  	[tilespmem:s14+$0x4010] =	vst v56;
	vm6 =	veq.f32 v7, v45;
	vm7 =	vgt.f32 v8, v45;
	v49 =	vsel vm12, $0x1, v1  }
0x91: {  	vm3 =	vgt.f32 v4, v45;
	vm4 =	veq.f32 v4, v45;
	vm2 =	vgt.f32 v7, v45;
	(xrf0) =	vadd.scan.msk.s32 $0xffff, v49  }
0x92: {  	[tilespmem:s14+$0x4030] =	vst v21;
	vm1 =	vgt.f32 v2, v45;
	vm10 =	vmand vm5, vm13;
	v52 =	vsel vm4, $0x1, v1  }
0x93: {  	vm5 =	veq.f32 v2, v45;
	v51 =	vmpcnt.ones.xlane vm6;
	v55 =	vsel vm6, $0x1, v1;
	(xrf0) =	vadd.scan.msk.s32 $0xffff, v52;
	v57, _, _ =	vpop (xrf1)  }
0x94: {  	v56 =	vmpcnt.ones.xlane vm2;
	v58 =	vmpcnt.ones.xlane vm1;
	(xrf0) =	vadd.scan.msk.s32 $0xffff, v55;
	v16 =	vsel vm0, $0x7F800000, v57  }
0x95: {  	v59 =	vmpcnt.ones.xlane vm3;
	vm9 =	vmor vm9, vm10;
	v60 =	vmpcnt.ones.xlane vm5;
	(xrf0) =	vmin.scan.msk.f32 $0xffff, v16  }
0x96: {  	[tilespmem:s14+$0x4020] =	vst v61;
	v63 =	vmpcnt.ones.xlane vm7;
	v26 =	vmpcnt.ones.xlane vm4;
	v62 =	vadd.s32 v56, v58  }
0x97: {  	[tilespmem:s14+$0x2020] =	vst v15;
	v34 =	vsel vm5, $0x1, v1;
	v27 =	vadd.s32 v60, v51;
	v25, _, _ =	vpop (xrf0);
	v16 =	vadd.s32 v59, v62  }
0x98: {  	[tilespmem:s14+$0x2000] =	vst v14;
	vm1 =	vmmov vm1;
	v16 =	vadd.s32 v63, v16;
	v31 =	vadd.s32 v27, v25  }
0x99: {  	[tilespmem:s14+$0x4000] =	vst v38;
	v61 =	vnsel vm9, $0x0, v9;
	v30, _, _ =	vpop (xrf0);
	v16 =	vsub.s32 $0x8, v16;
	v15 =	vadd.s32 v26, v31  }
0x9a: {  	[tilespmem:s12+$0x2030] =	vst v44;
	v28 =	vsel vm9, $0x3F800000, v1;
	v32 =	vadd.s32 v27, v30;
	v33, _, _ =	vpop (xrf0);
	vm14 =	vle.s32 v15, v16  }
0x9b: {  	(xrf0) =	vadd.scan.msk.s32 $0xffff, v34;
	v35 =	vadd.s32 v60, v33;
	vm15 =	vle.s32 v32, v16;
	vm8 =	vmand vm12, vm14;
	v36, _, _ =	vpop (xrf0)  }
0x9c: {  	[tilespmem:s12+$0x2010] =	vst v47;
	vm12 =	vle.s32 v35, v16;
	vm13 =	vmand vm4, vm15;
	v12 =	vbroadcast v36, $0xF  }
0x9d: {  	[tilespmem:s12+$0x4010] =	vst v48;
	vm7 =	vmor vm7, vm8;
	vm6 =	vmand vm6, vm12;
	vm3 =	vmor vm3, vm13  }
0x9e: {  	[tilespmem:s12+$0x4030] =	vst v46;
	v37 =	vnsel vm7, $0x0, v8;
	v38 =	vsel vm7, $0x3F800000, v1;
	vm7 =	veq.f32 v3, v12  }
0x9f: {  	[tilespmem:s12+$0x4020] =	vst v53;
	vm2 =	vmor vm2, vm6;
	vm4 =	veq.f32 v5, v12;
	v41 =	vsel vm7, $0x1, v1  }
0xa0: {  	v45 =	vsel vm3, $0x3F800000, v1;
	vm6 =	veq.f32 v6, v12;
	v44 =	vsel vm4, $0x1, v1;
	(xrf0) =	vadd.scan.msk.s32 $0xffff, v41  }
0xa1: {  	v46 =	vnsel vm3, $0x0, v4;
	v39 =	vnsel vm2, $0x0, v7;
	v42, _, _ =	vpop (xrf0);
	v47 =	vsel vm6, $0x1, v1;
	(xrf0) =	vadd.scan.msk.s32 $0xffff, v44  }
0xa2: {  	v40 =	vsel vm2, $0x3F800000, v1;
	vm2 =	vgt.f32 v5, v12;
	vm14 =	vle.s32 v42, v16;
	(xrf0) =	vadd.scan.msk.s32 $0xffff, v47  }
0xa3: {  	[tilespmem:s12+$0x2020] =	vst v54;
	vm3 =	vgt.f32 v11, v12;
	vm15 =	vgt.f32 v6, v12;
	v43 =	vmpcnt.ones.xlane vm6  }
0xa4: {  	[tilespmem:s12+$0x2000] =	vst v61;
	vm12 =	vgt.f32 v3, v12;
	v48 =	vmpcnt.ones.xlane vm15;
	v49 =	vmpcnt.ones.xlane vm3  }
0xa5: {  	[tilespmem:s12+$0x4000] =	vst v28;
	vm9 =	vmand vm5, vm14;
	vm5 =	veq.f32 v11, v12;
	v50 =	vmpcnt.ones.xlane vm2  }
0xa6: {  	[tilespmem:s11+$0x2030] =	vst v37;
	v53 =	vmpcnt.ones.xlane vm12;
	v51 =	vmpcnt.ones.xlane vm5;
	v52 =	vadd.s32 v48, v49;
	v55, _, _ =	vpop (xrf0)  }
0xa7: {  	[tilespmem:s11+$0x4030] =	vst v38;
	v54 =	vmpcnt.ones.xlane vm4;
	v59 =	vsel vm5, $0x1, v1;
	v8 =	vadd.s32 v50, v52;
	v57, _, _ =	vpop (xrf0)  }
0xa8: {  	[tilespmem:s11+$0x4020] =	vst v45;
	vm1 =	vmor vm1, vm9;
	v56 =	vadd.s32 v51, v43;
	v8 =	vadd.s32 v53, v8;
	v60, _, _ =	vpop (xrf0)  }
0xa9: {  	[tilespmem:s11+$0x2020] =	vst v46;
	v8 =	vsub.s32 $0x8, v8;
	v58 =	vadd.s32 v56, v55;
	v61 =	vadd.s32 v51, v60  }
0xaa: {  	v2 =	vnsel vm1, $0x0, v2;
	(xrf0) =	vadd.scan.msk.s32 $0xffff, v59;
	v7 =	vadd.s32 v54, v58;
	vm14 =	vle.s32 v61, v8  }
0xab: {  	[tilespmem:s11+$0x2010] =	vst v39;
	v62 =	vsel vm1, $0x3F800000, v1;
	vm13 =	vle.s32 v7, v8;
	vm6 =	vmand vm6, vm14  }
0xac: {  	[tilespmem:s11+$0x2000] =	vst v2;
	v2 =	vadd.s32 v56, v57;
	vm7 =	vmand vm7, vm13;
	vm6 =	vmor vm15, vm6  }
0xad: {  	[tilespmem:s11+$0x4010] =	vst v40;
	vm1 =	vmor vm12, vm7;
	vm15 =	vle.s32 v2, v8;
	v2 =	vnsel vm6, $0x0, v6  }
0xae: {  	[tilespmem:s11+$0x4000] =	vst v62;
	v3 =	vnsel vm1, $0x0, v3  }
0xaf: {  	[tilespmem:s13+$0x2030] =	vst v3  }
0xb0: {  	v63 =	vsel vm1, $0x3F800000, v1;
	vm4 =	vmand vm4, vm15;
	[tilespmem:s13+$0x2010] =	vst v2;
	v2, _, _ =	vpop (xrf0)  }
0xb1: {  	v3 =	vsel vm6, $0x3F800000, v1;
	[tilespmem:s13+$0x4030] =	vst v63;
	vm1 =	vmor vm2, vm4;
	vm2 =	vle.s32 v2, v8  }
0xb2: {  	vm3 =	vmmov vm3;
	[tilespmem:s13+$0x4010] =	vst v3;
	v3 =	vnsel vm1, $0x0, v5;
	vm2 =	vmand vm5, vm2  }
0xb3: {  	[tilespmem:s13+$0x2020] =	vst v3;
	v2 =	vsel vm1, $0x3F800000, v1;
	vm1 =	vmor vm3, vm2  }
0xb4: {  	[tilespmem:s13+$0x4020] =	vst v2;
	v2 =	vnsel vm1, $0x0, v11  }
0xb5: {  	v3 =	vsel vm1, $0x3F800000, v1;
	[tilespmem:s13+$0x2000] =	vst v2  }
0xb6: {  	[tilespmem:s13+$0x4000] =	vst v3  }
0xb7: {  	[hbm4b:s4+s2] =	stream.linear.scatter [tilespmem:s8], [sflag:$0x1], $0x2000, $0x38;
	[tilespmem:$0x6000] =	vst v63  }
0xb8: {  	s10 =	sadd.s32 $0x1, s10;
	_ =	swait.ge [sflag:s7], $0x2000  }
0xb9: {  	p0 =	sne.s32 s10, s6;
	[sflag:s7] =	ssyncset.done $0x0  }
.Ltmp1:
0xba: {  	[sflag:s7] =	ssyncadd.s32 $0xFFFFE000;
	(pc) =	sbr.rel @p0 .LBB2_1-.Ltmp1, $4  }
0xbb: {  	[hbm4b:s5+s2] =	stream.linear.scatter [tilespmem:s9], [sflag:$0x1], $0x2000, $0x38;
	[tilespmem:$0x6000] =	vst v63  }
0xbc: {  	_ =	swait.ge [sflag:s7], $0x2000  }
0xbd: {  	[sflag:s7] =	ssyncset.done $0x0  }
0xbe: {  	[sflag:s7] =	ssyncadd.s32 $0xFFFFE000  }
0xbf: {  	_ =	sfence.sel $0x180000  }
0xc0: {  	[bflag:$0x0] =	sbarrier.arrive $0xFFFF  }
0xc1: {  	p0 =	sne.s32 s1, $0x0;
	_ =	strace $0x90000050  }
0xc2: {  	s0 =	sadd.s32 @!p0 $0x100000, s0;
	[bflag:$0x2] =	sbarrier.arrive $0xFFFF  }
0xc3: {  	[sflag:s0] =	ssyncadd.tile.s32 @!p0 $0x1;
	_ =	shalt  }
.Lfunc_end2:
_tile_overlayer_lowered:
.L_overlay_start_2:
0xc4: {  	(tag) =	ssettag $0x2  }
0xc5: {  	s0 =	rddreg [dreg:$0x0];
	s2 =	stileid.u32  }
0xc6: {  	s1 =	rddreg [dreg:$0x1];
	p0 =	sne.s32 s2, $0x0  }
0xc7: {  	s3 =	rddreg [dreg:$0x2];
	[bflag:$0x3] =	sbarrier.arrive $0xFFFF;
	s2 =	simm.s32 @!p0 $0x1C01  }
0xc8: {  	[timem:s3], [sflag:s2] =	dma.local @!p0 [hbm:s0], s1  }
0xc9: {  	s0 =	simm.s32 @!p0 $0x1  }
0xca: {  	_ =	swait.ge @!p0 [sflag:s0], s1  }
0xcb: {  	s1 =	ssub.s32 @!p0 $0x0, s1;
	[sflag:s0] =	ssyncset.done @!p0 $0x0  }
0xcc: {  	[sflag:s0] =	ssyncadd.s32 @!p0 s1  }
0xcd: {  	[bflag:$0x3] =	sbarrier.arrive $0xFFFF  }
0xce: {  	_ =	shalt  }

// kernel: kernel.13.cloned.1.call-start
scs
__scs_entry_jumppad:
0x0: {  	(pc) =	sbr.rel $0x88, $3  }
0x1: {  	(tag) =	ssettag $0x0;
	lr =	simm.s32 $0x1  }
0x2: {  	[smem:$0x3F9F] =	sst lr;
	_ =	strace $0xD0000000  }
0x3: {  	_ = 	snop  }
0x4: {  	_ = 	snop  }
0x5: {  	_ = 	snop  }
0x6: {  	_ = 	snop  }
0x7: {  	_ = 	snop  }
__scs_overlays_trampoline_lowered:
0x8: {  	[smem:$0x3FAE] =	sst s0  }
0x9: {  	[smem:$0x3FAF] =	sst s1  }
0xa: {  	[smem:$0x3FB0] =	sst s2  }
0xb: {  	[smem:$0x3FB1] =	sst s3  }
0xc: {  	[smem:$0x3FB2] =	sst s4  }
0xd: {  	[smem:$0x3FB3] =	sst s5  }
0xe: {  	[smem:$0x3FB4] =	sst s6  }
0xf: {  	[smem:$0x3FB5] =	sst s7  }
0x10: {  	[smem:$0x3FB6] =	sst s8  }
0x11: {  	[smem:$0x3FB7] =	sst s9;
	s0 =	simm.s32 @!p0 $0x0  }
0x12: {  	s1 =	sld [smem:$0x3F9D];
	s0 =	simm.s32 @p0 $0x1  }
0x13: {  	[smem:$0x3FB8] =	sst s0;
	s0 =	simm.s32 @!p1 $0x0  }
0x14: {  	s2 =	sld [smem:$0x3F9C];
	s0 =	simm.s32 @p1 $0x1  }
0x15: {  	[smem:$0x3FB9] =	sst s0;
	s0 =	simm.s32 @!p2 $0x0  }
0x16: {  	s3 =	sld [smem:$0x3FDB];
	s0 =	simm.s32 @p2 $0x1  }
0x17: {  	s4 =	simm.s32 $0x1BF5;
	[smem:$0x3FBB] =	sst s0  }
0x18: {  	s0 =	sld [smem:$0x3F9E];
	_ =	swait.ge [sflag:s4], $0x0  }
0x19: {  	s7 =	sld [smem:$0x3F9F]  }
0x1a: {  	s8 =	sadd.s32 $0xFFFFE003, lr  }
0x1b: {  	s9 =	sadd.s32 $0xFFFFFEF7, lr;
	s5 =	simm.s32 $0xFFFFFFFF;
	p2 =	slt.u32 s8, $0xFFFFF086  }
0x1c: {  	p1 =	slt.u32 s9, $0xF7A;
	s5 =	simm.s32 @!p2 $0x0  }
0x1d: {  	s5 =	simm.s32 @p1 $0x1;
	p0 =	seq.s32 s7, s2  }
0x1e: {  	s7 =	smul.u32 @!p0 $0xF7A, s2;
	p2 =	seq.s32 @!p0 s5, $0x0  }
0x1f: {  	s9 =	smul.u32 $0xF7A, s1;
	s8 =	simm.s32 @!p0 $0x1BF5;
	p2 =	por !p2, p0  }
0x20: {  	[sflag:s8] =	ssyncset.s32 @!p0 $0xFFFFF086;
	s6 =	sadd.s32 @!p0 s3, s7;
	s7 =	simm.s32 @!p0 $0x108  }
0x21: {  	s3 =	sadd.s32 s3, s9;
	s6 =	sadd.s32 @!p0 $0x88, s6;
	s7 =	simm.s32 @p2 $0x1082  }
0x22: {  	[simem:s7], [sflag:s8] =	dma.local @!p0 [hbm:s6], $0xF7A  }
0x23: {  	s9 =	sor.u32 $0xD0000000, s2;
	s6 =	simm.s32 $0x108;
	_ =	swait.ge @!p0 [sflag:s8], $0x0  }
0x24: {  	s3 =	sadd.s32 $0x88, s3;
	s6 =	simm.s32 @!p1 $0x1082;
	[sflag:s4] =	ssyncset.s32 $0xFFFFF086  }
0x25: {  	[simem:s6], [sflag:s4] =	dma.local [hbm:s3], $0xF7A  }
0x26: {  	[smem:$0x3F9F] =	sst s1;
	(tag) =	ssettag s2;
	_ =	strace s9  }
0x27: {  	s1 =	sld [smem:$0x3FAF]  }
0x28: {  	s2 =	sld [smem:$0x3FB0]  }
0x29: {  	s4 =	sld [smem:$0x3FB2]  }
0x2a: {  	p0 =	seq.s32 s5, $0x0;
	s5 =	sld [smem:$0x3FB3]  }
0x2b: {  	s6 =	sld [smem:$0x3FB4]  }
0x2c: {  	s7 =	sld [smem:$0x3FB5]  }
0x2d: {  	s3 =	simm.s32 $0x108;
	s8 =	sld [smem:$0x3FB6]  }
0x2e: {  	s3 =	simm.s32 @!p0 $0x1082;
	s9 =	sld [smem:$0x3FB7]  }
0x2f: {  	lr =	sadd.s32 s0, s3;
	s0 =	sld [smem:$0x3FAE]  }
0x30: {  	s3 =	sld [smem:$0x3FB1]  }
0x31: {  	[smem:$0x3FBA] =	sst s10  }
0x32: {  	s10 =	sld [smem:$0x3FB8];
	_ =	sdelay $0x3  }
0x33: {  	p0 =	seq.s32 s10, $0x1;
	s10 =	sld [smem:$0x3FBA];
	_ =	sdelay $0x3  }
0x34: {  	[smem:$0x3FBA] =	sst s10  }
0x35: {  	s10 =	sld [smem:$0x3FB9];
	_ =	sdelay $0x3  }
0x36: {  	p1 =	seq.s32 s10, $0x1;
	s10 =	sld [smem:$0x3FBA];
	_ =	sdelay $0x3  }
0x37: {  	[smem:$0x3FBA] =	sst s10  }
0x38: {  	s10 =	sld [smem:$0x3FBB]  }
0x39: {  	_ = 	snop;
	(pc) =	sbr.ind lr, $3  }
0x3a: {  	_ = 	snop  }
0x3b: {  	_ = 	snop  }
0x3c: {  	p2 =	seq.s32 s10, $0x1;
	s10 =	sld [smem:$0x3FBA]  }
0x3d: {  	_ =	shalt  }
0x3e: {  	_ =	shalt  }
0x3f: {  	_ =	shalt  }
0x40: {  	_ =	shalt  }
0x41: {  	_ =	shalt  }
0x42: {  	_ =	shalt  }
0x43: {  	_ =	shalt  }
0x44: {  	_ =	shalt  }
0x45: {  	_ =	shalt  }
0x46: {  	_ =	shalt  }
0x47: {  	_ =	shalt  }
0x48: {  	_ =	shalt  }
0x49: {  	_ =	shalt  }
0x4a: {  	_ =	shalt  }
0x4b: {  	_ =	shalt  }
0x4c: {  	_ =	shalt  }
0x4d: {  	_ =	shalt  }
0x4e: {  	_ =	shalt  }
0x4f: {  	_ =	shalt  }
0x50: {  	_ =	shalt  }
0x51: {  	_ =	shalt  }
0x52: {  	_ =	shalt  }
0x53: {  	_ =	shalt  }
0x54: {  	_ =	shalt  }
0x55: {  	_ =	shalt  }
0x56: {  	_ =	shalt  }
0x57: {  	_ =	shalt  }
0x58: {  	_ =	shalt  }
0x59: {  	_ =	shalt  }
0x5a: {  	_ =	shalt  }
0x5b: {  	_ =	shalt  }
0x5c: {  	_ =	shalt  }
0x5d: {  	_ =	shalt  }
0x5e: {  	_ =	shalt  }
0x5f: {  	_ =	shalt  }
0x60: {  	_ =	shalt  }
0x61: {  	_ =	shalt  }
0x62: {  	_ =	shalt  }
0x63: {  	_ =	shalt  }
0x64: {  	_ =	shalt  }
0x65: {  	_ =	shalt  }
0x66: {  	_ =	shalt  }
0x67: {  	_ =	shalt  }
0x68: {  	_ =	shalt  }
0x69: {  	_ =	shalt  }
0x6a: {  	_ =	shalt  }
0x6b: {  	_ =	shalt  }
0x6c: {  	_ =	shalt  }
0x6d: {  	_ =	shalt  }
0x6e: {  	_ =	shalt  }
0x6f: {  	_ =	shalt  }
0x70: {  	_ =	shalt  }
0x71: {  	_ =	shalt  }
0x72: {  	_ =	shalt  }
0x73: {  	_ =	shalt  }
0x74: {  	_ =	shalt  }
0x75: {  	_ =	shalt  }
0x76: {  	_ =	shalt  }
0x77: {  	_ =	shalt  }
0x78: {  	_ =	shalt  }
0x79: {  	_ =	shalt  }
0x7a: {  	_ =	shalt  }
0x7b: {  	_ =	shalt  }
0x7c: {  	_ =	shalt  }
0x7d: {  	_ =	shalt  }
0x7e: {  	_ =	shalt  }
0x7f: {  	_ =	shalt  }
0x80: {  	_ =	shalt  }
0x81: {  	_ =	shalt  }
0x82: {  	_ =	shalt  }
0x83: {  	_ =	shalt  }
0x84: {  	_ =	shalt  }
0x85: {  	_ =	shalt  }
0x86: {  	_ =	shalt  }
0x87: {  	_ =	shalt  }
.Lfunc_end0:
.L_simem_size_0:
called_computation.1_lowered:
.L_overlay_start_0:
0x88: {  	s2 =	sld [smem:$0x3FD9]  }
0x89: {  	s3 =	sld [smem:$0x3FFE];
	_ =	sdelay $0x1  }
0x8a: {  	s1 =	srdreg.scid  }
0x8b: {  	s0 =	sand.u32 $0x1, s1  }
0x8c: {  	s16 =	sshll.u32 s0, $0xA;
	s2 =	sadd.s32 s3, s2  }
0x8d: {  	s2 =	sadd.s32 s2, s16  }
0x8e: {  	[smem:$0x3FC6] =	sst s2  }
0x8f: {  	_ = 	snop  }
0x90: {  	(tm) =	ssettm $0x1  }
0x91: {  	s17 =	sld [smem:$0x3FFB];
	_ =	sdelay $0x3  }
0x92: {  	_ =	strace s17  }
0x93: {  	s2 =	sld [smem:$0x3FFC];
	_ =	sdelay $0x3  }
0x94: {  	_ =	strace s2  }
0x95: {  	s2 =	sld [smem:$0x3FFD];
	_ =	sdelay $0x3  }
0x96: {  	_ =	strace s2  }
0x97: {  	_ =	strace $0x8FFFFFFF  }
0x98: {  	s18 =	sld [smem:$0x3FDB];
	_ =	sdelay $0x1  }
0x99: {  	s19 =	simm.s32 $_scs_section_size  }
0x9a: {  	s4 =	simm.s32 $_size__tile_overlayer_lowered;
	s5 =	simm.s32 $_tile_overlayer_lowered  }
0x9b: {  	s22 =	simm.s32 $0x1BFF;
	s21 =	sshll.u32 s5, $0x1;
	s2 =	sadd.s32 s19, s18  }
0x9c: {  	s6 =	simm.s32 $0x0;
	s20 =	sshll.u32 s4, $0x1;
	s4 =	sadd.s32 s21, s2  }
0x9d: {  	[timem:s6], [sflag:s22] =	dma.local [hbm:s4], s20  }
0x9e: {  	_ =	swait.ge [sflag:s22], s20  }
0x9f: {  	s3 =	ssub.s32 $0x0, s20;
	[sflag:s22] =	ssyncset.done $0x0  }
0xa0: {  	[sflag:s22] =	ssyncadd.s32 s3;
	_ =	sdelay $0x1  }
0xa1: {  	s23 =	simm.s32 $0x1B8B  }
0xa2: {  	_ =	swait.ge [sflag:s23], $0x1  }
0xa3: {  	[sflag:s23] =	ssyncset.done $0x0  }
0xa4: {  	s25 =	simm.s32 $0x1B8E;
	s24 =	sld [smem:$0x3FFE];
	[sflag:s23] =	ssyncadd.s32 $0xFFFFFFFF  }
0xa5: {  	s26 =	simm.s32 $execute0_lowered;
	[smem:$0x3FD2] =	sst s25  }
0xa6: {  	s4 =	sshll.u32 s26, $0x1;
	_ =	strace $0x80000046;
	[dreg:$0x1] =	wrdreg $0xFFFFFFFF  }
0xa7: {  	s28 =	simm.s32 $_size_execute0_lowered;
	s2 =	sadd.s32 s2, s4;
	[dreg:$0x0] =	wrdreg $0x0  }
0xa8: {  	s4 =	sshll.u32 s28, $0x1;
	[dreg:$0x2] =	wrdreg s2  }
0xa9: {  	[dreg:$0x3] =	wrdreg s4  }
0xaa: {  	[dreg:$0x4] =	wrdreg $0xC0  }
0xab: {  	_ =	task [dreg:s6], $0x5FFFF  }
0xac: {  	[dreg:$0x1] =	wrdreg $0xFFFFFFFF  }
0xad: {  	[dreg:$0x0] =	wrdreg $0x60  }
0xae: {  	[dreg:$0x2] =	wrdreg s24  }
0xaf: {  	[dreg:$0x3] =	wrdreg $0xA  }
0xb0: {  	_ =	task.clear_ibuf [dreg:s6], $0x4FFFF;
	_ =	strace $0x90000046  }
0xb1: {  	s29 =	simm.s32 $0xA;
	_ =	strace $0x80000048  }
0xb2: {  	_ =	swait.ge [sflag:s29], $0x1  }
0xb3: {  	[sflag:s29] =	ssyncadd.s32 $0xFFFFFFFF  }
0xb4: {  	_ =	strace $0x90000048  }
0xb5: {  	_ =	sfence  }
0xb6: {  	s30 =	sld [smem:$0x0];
	_ =	sdelay $0x2  }
0xb7: {  	s31 =	sshll.u32 s1, $0xD;
	s1 =	sshrl.u32 s1, $0x2  }
0xb8: {  	s3 =	sand.u32 $0x4000, s31;
	s1 =	sadd.s32 s1, s30  }
0xb9: {  	s0 =	sor.u32 s3, s0;
	s1 =	sshll.u32 s1, $0x11  }
0xba: {  	s0 =	sor.u32 s1, s0  }
0xbb: {  	s0 =	sadd.s32 $0x8F2B, s0  }
0xbc: {  	[sflag:s0] =	ssyncadd.remote.s32 $0x1  }
0xbd: {  	_ =	sfence.sel $0xFFFF  }
0xbe: {  	[dreg:$0x0] =	wrdreg $0xFFFFFFFF;
	(pc) =	sbr.abs _section_cstart, $3  }
0xbf: {  	[dreg:$0x1] =	wrdreg $0xFFFFFFFF  }
0xc0: {  	_ =	task.clear_ibuf [dreg:s6], $0x2FFFF;
	_ =	strace $0x9FFFFFFF  }
0xc1: {  	(tm) =	ssettm $0x7FFFFFFF  }
tec
execute0_lowered:
.L_overlay_start_1:
0x0: {  	(tag) =	ssettag $0x1  }
0x1: {  	s3 =	rddreg [dreg:$0x0];
	s2 =	srdreg.scid  }
0x2: {  	s0 =	rddreg [dreg:$0x1];
	s1 =	stileid.u32;
	s7 =	simm.s32 $0x1  }
0x3: {  	s8 =	simm.s32 $0x2000;
	s9 =	simm.s32 $0x4000;
	s4 =	sand.u32 $0x1, s2  }
0x4: {  	s10 =	simm.s32 $0x0;
	s5 =	sshll.u32 s1, $0xB;
	s6 =	sshll.u32 s4, $0xA  }
0x5: {  	v0 =	vlaneseq.u32;
	s2 =	simm.s32 $0x0;
	s4 =	ssub.s32 $0x2, s4;
	s5 =	sor.u32 s6, s5  }
0x6: {  	v0 =	vmul.u32 $0xFFFFFFFF, v0;
	[smem:$0x7FF] =	sst s2;
	s30 =	sshrl.u32 s4, $0x1;
	s5 =	sadd.s32 s5, s3  }
0x7: {  	_ =	strace $0x80000047;
	s31 =	ssub.s32 s4, s30;
	s3 =	sadd.s32 $0x3400, s5  }
0x8: {  	vm0 =	vmmov $0xff;
	v1 =	vimm.s32 $0x0;
	v0 =	vadd.s32 $0xF, v0;
	s4 =	sadd.s32 $0x13400, s5;
	s5 =	sadd.s32 $0xB400, s5;
	s6 =	smax.u32 s31, $0x1  }
.LBB2_1:
0x9: {  	[tilespmem:s2], [sflag:$0x1] =	stream.linear.gather [hbm4b:s3+s2], $0x2000, $0x38;
	[tilespmem:$0x6000] =	vst v63  }
0xa: {  	_ =	swait.ge [sflag:s7], $0x2000  }
0xb: {  	[sflag:s7] =	ssyncset.done $0x0  }
0xc: {  	s15 =	simm.s32 $0x0;
	[sflag:s7] =	ssyncadd.s32 $0xFFFFE000  }
0xd: {  	v21 =	vld [tilespmem:s15+$0x30];
	_ =	sdelay $0x1  }
0xe: {  	v19 =	vld [tilespmem:s15+$0x20];
	_ =	sdelay $0x2  }
0xf: {  	(xrf1) =	vsort.ascd.msk.f32 $0xffff, v21, v21;
	_ =	sdelay $0x1  }
0x10: {  	v20 =	vld [tilespmem:s15+$0x10];
	(xrf1) =	vsort.ascd.msk.f32 $0xffff, v19, v19;
	_ =	sdelay $0x1  }
0x11: {  	v18 =	vld [tilespmem:s15+$0x0];
	_ =	sdelay $0x2  }
0x12: {  	(xrf1) =	vsort.ascd.msk.f32 $0xffff, v20, v20;
	_ =	sdelay $0x1  }
0x13: {  	(xrf1) =	vsort.ascd.msk.f32 $0xffff, v18, v18;
	_ =	sdelay $0x3  }
0x14: {  	s14 =	simm.s32 $0x80  }
0x15: {  	v16 =	vld [tilespmem:s14+$0x30];
	v2, _, _ =	vpop (xrf1)  }
0x16: {  	v2 =	vperm.xlane v2, v0  }
0x17: {  	v15 =	vld [tilespmem:s14+$0x20];
	v3, _, _ =	vpop (xrf1)  }
0x18: {  	v2 =	vmax.f32 v3, v2  }
0x19: {  	(xrf1) =	vsort.ascd.msk.f32 $0xffff, v2, v2  }
0x1a: {  	v17 =	vld [tilespmem:s14+$0x10];
	(xrf1) =	vsort.ascd.msk.f32 $0xffff, v16, v16;
	_ =	sdelay $0x1  }
0x1b: {  	v2, _, _ =	vpop (xrf1);
	(xrf1) =	vsort.ascd.msk.f32 $0xffff, v15, v15  }
0x1c: {  	v2 =	vperm.xlane v2, v0  }
0x1d: {  	v14 =	vld [tilespmem:s14+$0x0];
	v3, _, _ =	vpop (xrf1)  }
0x1e: {  	(xrf1) =	vsort.ascd.msk.f32 $0xffff, v17, v17;
	v2 =	vmax.f32 v3, v2  }
0x1f: {  	(xrf1) =	vsort.ascd.msk.f32 $0xffff, v2, v2;
	_ =	sdelay $0x2  }
0x20: {  	(xrf1) =	vsort.ascd.msk.f32 $0xffff, v14, v14;
	_ =	sdelay $0x3  }
0x21: {  	s12 =	simm.s32 $0x100;
	v2, _, _ =	vpop (xrf1)  }
0x22: {  	v12 =	vld [tilespmem:s12+$0x30];
	v3, _, _ =	vpop (xrf1)  }
0x23: {  	v3 =	vperm.xlane v3, v0  }
0x24: {  	v10 =	vld [tilespmem:s12+$0x20];
	v4, _, _ =	vpop (xrf1)  }
0x25: {  	v3 =	vmax.f32 v4, v3  }
0x26: {  	(xrf1) =	vsort.ascd.msk.f32 $0xffff, v3, v3  }
0x27: {  	v13 =	vld [tilespmem:s12+$0x10];
	v2 =	vperm.xlane v2, v0;
	v4, _, _ =	vpop (xrf1);
	(xrf1) =	vsort.ascd.msk.f32 $0xffff, v12, v12  }
0x28: {  	v3, _, _ =	vpop (xrf1)  }
0x29: {  	(xrf1) =	vsort.ascd.msk.f32 $0xffff, v10, v10;
	v2 =	vmax.f32 v3, v2  }
0x2a: {  	(xrf1) =	vsort.ascd.msk.f32 $0xffff, v2, v2;
	v2 =	vperm.xlane v4, v0  }
0x2b: {  	v3, _, _ =	vpop (xrf1)  }
0x2c: {  	v9 =	vld [tilespmem:s12+$0x0];
	(xrf1) =	vsort.ascd.msk.f32 $0xffff, v13, v13;
	v2 =	vmax.f32 v3, v2  }
0x2d: {  	(xrf1) =	vsort.ascd.msk.f32 $0xffff, v2, v2;
	_ =	sdelay $0x3  }
0x2e: {  	(xrf1) =	vsort.ascd.msk.f32 $0xffff, v9, v9;
	_ =	sdelay $0x2  }
0x2f: {  	v2, _, _ =	vpop (xrf1)  }
0x30: {  	s11 =	simm.s32 $0x180;
	v3, _, _ =	vpop (xrf1)  }
0x31: {  	v8 =	vld [tilespmem:s11+$0x30];
	v3 =	vperm.xlane v3, v0  }
0x32: {  	v4 =	vld [tilespmem:s11+$0x20];
	v5, _, _ =	vpop (xrf1)  }
0x33: {  	v6, _, _ =	vpop (xrf1);
	v3 =	vmax.f32 v5, v3  }
0x34: {  	v6 =	vsel vm0, $0x7F800000, v6;
	(xrf1) =	vsort.ascd.msk.f32 $0xffff, v3, v3  }
0x35: {  	v7 =	vld [tilespmem:s11+$0x10];
	v2 =	vperm.xlane v2, v0;
	v5, _, _ =	vpop (xrf1);
	(xrf0) =	vmin.scan.msk.f32 $0xffff, v6  }
0x36: {  	(xrf1) =	vsort.ascd.msk.f32 $0xffff, v8, v8;
	v3, _, _ =	vpop (xrf1)  }
0x37: {  	(xrf1) =	vsort.ascd.msk.f32 $0xffff, v4, v4;
	v2 =	vmax.f32 v3, v2  }
0x38: {  	(xrf1) =	vsort.ascd.msk.f32 $0xffff, v2, v2  }
0x39: {  	v3 =	vperm.xlane v5, v0  }
0x3a: {  	v5, _, _ =	vpop (xrf1);
	(xrf1) =	vsort.ascd.msk.f32 $0xffff, v7, v7  }
0x3b: {  	v2 =	vld [tilespmem:s11+$0x0];
	v3 =	vmax.f32 v5, v3  }
0x3c: {  	(xrf1) =	vsort.ascd.msk.f32 $0xffff, v3, v3;
	v5, _, _ =	vpop (xrf0)  }
0x3d: {  	v3 =	vbroadcast v5, $0xF;
	_ =	sdelay $0x1  }
0x3e: {  	vm5 =	veq.f32 v21, v3  }
0x3f: {  	(xrf1) =	vsort.ascd.msk.f32 $0xffff, v2, v2;
	v5 =	vsel vm5, $0x1, v1  }
0x40: {  	vm1 =	veq.f32 v19, v3;
	vm2 =	veq.f32 v20, v3;
	vm6 =	vgt.f32 v21, v3;
	(xrf0) =	vadd.scan.msk.s32 $0xffff, v5  }
0x41: {  	vm7 =	vgt.f32 v19, v3;
	vm8 =	vgt.f32 v18, v3;
	v5 =	vsel vm1, $0x1, v1  }
0x42: {  	vm4 =	vgt.f32 v20, v3;
	v6 =	vmpcnt.ones.xlane vm2;
	v23 =	vmpcnt.ones.xlane vm8;
	(xrf0) =	vadd.scan.msk.s32 $0xffff, v5;
	v11, _, _ =	vpop (xrf1)  }
0x43: {  	s13 =	simm.s32 $0x200;
	v24 =	vsel vm2, $0x1, v1;
	v25 =	vmpcnt.ones.xlane vm7;
	v5 =	vmpcnt.ones.xlane vm4;
	v22, _, _ =	vpop (xrf1)  }
0x44: {  	vm3 =	veq.f32 v18, v3;
	v3 =	vld [tilespmem:s13+$0x30];
	v27 =	vmpcnt.ones.xlane vm6;
	(xrf0) =	vadd.scan.msk.s32 $0xffff, v24;
	v22 =	vperm.xlane v22, v0;
	v26, _, _ =	vpop (xrf1)  }
0x45: {  	v28 =	vmpcnt.ones.xlane vm1;
	v5 =	vadd.s32 v5, v23;
	v23 =	vmpcnt.ones.xlane vm3;
	v52, _, _ =	vpop (xrf1)  }
0x46: {  	vm8 =	vmmov vm8;
	v58 =	vsel vm3, $0x1, v1;
	v29, _, _ =	vpop (xrf0);
	v22 =	vmax.f32 v26, v22  }
0x47: {  	v25 =	vadd.s32 v25, v5;
	v5 =	vld [tilespmem:s13+$0x20];
	v6 =	vadd.s32 v23, v6;
	v24 =	vsel vm0, $0x7F800000, v52;
	v55, _, _ =	vpop (xrf1);
	(xrf1) =	vsort.ascd.msk.f32 $0xffff, v22, v22  }
0x48: {  	v54 =	vadd.s32 v27, v25;
	v53, _, _ =	vpop (xrf0);
	v56 =	vadd.s32 v6, v29;
	v22 =	vperm.xlane v11, v0;
	(xrf0) =	vmin.scan.msk.f32 $0xffff, v24  }
0x49: {  	v26 =	vadd.s32 v6, v53;
	v57, _, _ =	vpop (xrf1);
	v24 =	vsub.s32 $0x8, v54;
	v11 =	vadd.s32 v28, v56;
	(xrf1) =	vsort.ascd.msk.f32 $0xffff, v3, v3  }
0x4a: {  	v6 =	vld [tilespmem:s13+$0x10];
	v59, _, _ =	vpop (xrf0);
	v25 =	vperm.xlane v55, v0;
	vm9 =	vle.s32 v26, v24;
	vm10 =	vle.s32 v11, v24  }
0x4b: {  	(xrf0) =	vadd.scan.msk.s32 $0xffff, v58;
	v22 =	vmax.f32 v57, v22;
	v23 =	vadd.s32 v23, v59;
	vm5 =	vmand vm5, vm10  }
0x4c: {  	v11 =	vld [tilespmem:s13+$0x0];
	(xrf1) =	vsort.ascd.msk.f32 $0xffff, v5, v5;
	vm10 =	vle.s32 v23, v24;
	vm9 =	vmand vm1, vm9;
	vm5 =	vmor vm6, vm5  }
0x4d: {  	(xrf1) =	vsort.ascd.msk.f32 $0xffff, v22, v22;
	v60, _, _ =	vpop (xrf1);
	vm2 =	vmand vm2, vm10;
	vm7 =	vmor vm7, vm9;
	v21 =	vnsel vm5, $0x0, v21  }
0x4e: {  	v23 =	vsel vm5, $0x3F800000, v1;
	v25 =	vmax.f32 v60, v25;
	vm2 =	vmor vm4, vm2;
	v22, _, _ =	vpop (xrf0)  }
0x4f: {  	v63 =	vsel vm7, $0x3F800000, v1;
	(xrf1) =	vsort.ascd.msk.f32 $0xffff, v6, v6;
	[tilespmem:s15+$0x2030] =	vst v21;
	v61 =	vbroadcast v22, $0xF  }
0x50: {  	v20 =	vnsel vm2, $0x0, v20;
	[tilespmem:s15+$0x4030] =	vst v23;
	(xrf1) =	vsort.ascd.msk.f32 $0xffff, v25, v25;
	v22 =	vsel vm2, $0x3F800000, v1  }
0x51: {  	v23 =	vnsel vm7, $0x0, v19;
	[tilespmem:s15+$0x2010] =	vst v20;
	(xrf1) =	vsort.ascd.msk.f32 $0xffff, v11, v11;
	vm6 =	veq.f32 v16, v61  }
0x52: {  	[tilespmem:s15+$0x4010] =	vst v22;
	vm4 =	veq.f32 v17, v61;
	vm5 =	vgt.f32 v16, v61;
	v20 =	vsel vm6, $0x1, v1  }
0x53: {  	vm1 =	vgt.f32 v15, v61;
	vm2 =	veq.f32 v15, v61;
	vm9 =	vgt.f32 v14, v61;
	v22, _, _ =	vpop (xrf0);
	(xrf0) =	vadd.scan.msk.s32 $0xffff, v20  }
0x54: {  	[tilespmem:s15+$0x4020] =	vst v63;
	vm7 =	vgt.f32 v17, v61;
	v62 =	vsel vm2, $0x1, v1;
	vm10 =	vle.s32 v22, v24  }
0x55: {  	[tilespmem:s15+$0x2020] =	vst v23;
	v21 =	vmpcnt.ones.xlane vm1;
	v20 =	vmpcnt.ones.xlane vm4;
	vm10 =	vmand vm3, vm10  }
0x56: {  	s16 =	simm.s32 $0xA00;
	v22 =	vmpcnt.ones.xlane vm7;
	(xrf0) =	vadd.scan.msk.s32 $0xffff, v62;
	vm3 =	veq.f32 v14, v61;
	v19, _, _ =	vpop (xrf1);
	vm8 =	vmor vm8, vm10  }
.LBB2_2:
0x57: {  	v23, _, _ =	vpop (xrf1);
	v24 =	vmpcnt.ones.xlane vm9;
	v25 =	vnsel vm8, $0x0, v18;
	v26 =	vsel vm8, $0x3F800000, v1  }
0x58: {  	s17 =	sshra.s32 s16, $0x2;
	p0 =	sne.s32 s16, $0x7E00;
	s16 =	sadd.s32 $0x200, s16;
	v27 =	vmovc v4;
	v4 =	vmovc v5;
	v18 =	vmov v14;
	v14 =	vmov v9;
	v9 =	vmov v2  }
0x59: {  	v5 =	vsel vm4, $0x1, v1;
	v29 =	vmpcnt.ones.xlane vm2;
	v2 =	vmov v11;
	v28 =	vld [tilespmem:s17+$0x30];
	v30, _, _ =	vpop (xrf0);
	[tilespmem:s15+$0x2000] =	vst v25  }
0x5a: {  	v11 =	vperm.xlane v23, v0;
	v23, _, _ =	vpop (xrf1);
	v22 =	vadd.s32 v22, v24;
	v24 =	vmpcnt.ones.xlane vm3;
	(xrf0) =	vadd.scan.msk.s32 $0xffff, v5  }
0x5b: {  	v32 =	vmpcnt.ones.xlane vm5;
	vm8 =	vmmov vm9;
	v25 =	vld [tilespmem:s17+$0x10];
	v31, _, _ =	vpop (xrf1);
	v21 =	vadd.s32 v21, v22;
	[tilespmem:s15+$0x4000] =	vst v26;
	s15 =	smov.u32 s14;
	s14 =	smov.u32 s12;
	s12 =	smov.u32 s11  }
0x5c: {  	v11 =	vmax.f32 v23, v11;
	s11 =	smov.u32 s13;
	s13 =	smov.u32 s17;
	v5 =	vld [tilespmem:s17+$0x20];
	v22 =	vsel vm0, $0x7F800000, v31;
	v20 =	vadd.s32 v24, v20;
	v23, _, _ =	vpop (xrf0)  }
0x5d: {  	v21 =	vadd.s32 v32, v21;
	v26, _, _ =	vpop (xrf1);
	(xrf0) =	vmin.scan.msk.f32 $0xffff, v22;
	v22 =	vadd.s32 v20, v23;
	v20 =	vadd.s32 v20, v30  }
0x5e: {  	v19 =	vperm.xlane v19, v0;
	(xrf1) =	vsort.ascd.msk.f32 $0xffff, v11, v11;
	v23, _, _ =	vpop (xrf1)  }
0x5f: {  	v31 =	vsub.s32 $0x8, v21;
	v11 =	vsel vm3, $0x1, v1;
	v21 =	vadd.s32 v29, v20;
	(xrf1) =	vsort.ascd.msk.f32 $0xffff, v28, v28;
	v30, _, _ =	vpop (xrf1)  }
0x60: {  	vm9 =	vle.s32 v22, v31;
	vm10 =	vle.s32 v21, v31;
	(xrf0) =	vadd.scan.msk.s32 $0xffff, v11;
	v20, _, _ =	vpop (xrf0)  }
0x61: {  	v22 =	vmax.f32 v23, v19;
	vm6 =	vmand vm6, vm10;
	v11 =	vld [tilespmem:s13+$0x0];
	(xrf1) =	vsort.ascd.msk.f32 $0xffff, v5, v5;
	v20 =	vadd.s32 v24, v20  }
0x62: {  	v21 =	vperm.xlane v26, v0;
	vm5 =	vmor vm5, vm6;
	(xrf1) =	vsort.ascd.msk.f32 $0xffff, v22, v22;
	vm10 =	vle.s32 v20, v31  }
0x63: {  	v20 =	vnsel vm5, $0x0, v16;
	v22 =	vsel vm5, $0x3F800000, v1;
	v19, _, _ =	vpop (xrf0);
	vm4 =	vmand vm4, vm10  }
0x64: {  	v21 =	vmax.f32 v30, v21;
	v16 =	vmovc v12;
	(xrf1) =	vsort.ascd.msk.f32 $0xffff, v25, v25;
	v23 =	vbroadcast v19, $0xF;
	vm4 =	vmor vm7, vm4  }
0x65: {  	v12 =	vmovc v8;
	(xrf1) =	vsort.ascd.msk.f32 $0xffff, v21, v21;
	v17 =	vnsel vm4, $0x0, v17;
	v19 =	vsel vm4, $0x3F800000, v1;
	[tilespmem:s15+$0x2030] =	vst v20  }
0x66: {  	(xrf1) =	vsort.ascd.msk.f32 $0xffff, v11, v11;
	vm4 =	veq.f32 v13, v23;
	vm6 =	veq.f32 v16, v23;
	[tilespmem:s15+$0x2010] =	vst v17;
	v24, _, _ =	vpop (xrf0)  }
0x67: {  	v8 =	vmovc v3;
	v3 =	vmovc v28;
	vm7 =	vmand vm2, vm9;
	vm5 =	vgt.f32 v16, v23;
	v20 =	vsel vm6, $0x1, v1;
	[tilespmem:s15+$0x4010] =	vst v19  }
.Ltmp0:
0x68: {  	vm7 =	vmor vm1, vm7;
	vm2 =	veq.f32 v10, v23;
	vm1 =	vgt.f32 v10, v23;
	(xrf0) =	vadd.scan.msk.s32 $0xffff, v20;
	v17 =	vmovc v13;
	(pc) =	sbr.rel @p0 .LBB2_2-.Ltmp0, $4  }
0x69: {  	v26 =	vsel vm7, $0x3F800000, v1;
	v19 =	vsel vm2, $0x1, v1;
	v20 =	vmpcnt.ones.xlane vm4;
	v13 =	vmovc v7;
	v7 =	vmovc v6;
	[tilespmem:s15+$0x4030] =	vst v22  }
0x6a: {  	v21 =	vmpcnt.ones.xlane vm1;
	vm10 =	vle.s32 v24, v31;
	v24 =	vnsel vm7, $0x0, v15;
	v15 =	vmovc v10;
	v6 =	vmovc v25;
	[tilespmem:s15+$0x4020] =	vst v26  }
0x6b: {  	vm9 =	vgt.f32 v14, v23;
	v10 =	vmovc v27;
	vm10 =	vmand vm3, vm10;
	vm7 =	vgt.f32 v17, v23;
	(xrf0) =	vadd.scan.msk.s32 $0xffff, v19  }
0x6c: {  	vm3 =	veq.f32 v14, v23;
	vm8 =	vmor vm8, vm10;
	v22 =	vmpcnt.ones.xlane vm7;
	v19, _, _ =	vpop (xrf1);
	[tilespmem:s15+$0x2020] =	vst v24  }
0x6d: {  	_ =	sdelay $0x1  }
0x6e: {  	v23, _, _ =	vpop (xrf1)  }
0x6f: {  	v24 =	vsel vm4, $0x1, v1;
	v25, _, _ =	vpop (xrf1)  }
0x70: {  	v26 =	vmpcnt.ones.xlane vm9;
	v23 =	vperm.xlane v23, v0;
	(xrf0) =	vadd.scan.msk.s32 $0xffff, v24;
	v42, _, _ =	vpop (xrf1)  }
0x71: {  	v18 =	vnsel vm8, $0x0, v18;
	v19 =	vperm.xlane v19, v0;
	v24 =	vsel vm0, $0x7F800000, v42;
	v27, _, _ =	vpop (xrf1)  }
0x72: {  	v28 =	vsel vm8, $0x3F800000, v1;
	v23 =	vmax.f32 v25, v23;
	(xrf0) =	vmin.scan.msk.f32 $0xffff, v24;
	v43, _, _ =	vpop (xrf1);
	v44 =	vperm.xlane v27, v0  }
0x73: {  	v45 =	vmpcnt.ones.xlane vm2;
	v29 =	vmpcnt.ones.xlane vm3;
	(xrf1) =	vsort.ascd.msk.f32 $0xffff, v23, v23;
	v46, _, _ =	vpop (xrf1);
	v19 =	vmax.f32 v43, v19  }
0x74: {  	v48 =	vmpcnt.ones.xlane vm5;
	v47, _, _ =	vpop (xrf0);
	v22 =	vadd.s32 v22, v26;
	(xrf1) =	vsort.ascd.msk.f32 $0xffff, v19, v19;
	v49 =	vmax.f32 v46, v44  }
0x75: {  	vm9 =	vmmov vm9;
	v20 =	vadd.s32 v29, v20;
	v21 =	vadd.s32 v21, v22;
	v50, _, _ =	vpop (xrf0);
	(xrf1) =	vsort.ascd.msk.f32 $0xffff, v49, v49  }
0x76: {  	v51 =	vadd.s32 v48, v21;
	v52 =	vadd.s32 v20, v50;
	v20 =	vadd.s32 v20, v47;
	v53, _, _ =	vpop (xrf0)  }
0x77: {  	v20 =	vadd.s32 v45, v20;
	v19 =	vsub.s32 $0x8, v51;
	v22 =	vadd.s32 v29, v53  }
0x78: {  	v54 =	vsel vm3, $0x1, v1;
	vm12 =	vle.s32 v20, v19;
	vm10 =	vle.s32 v22, v19  }
0x79: {  	(xrf0) =	vadd.scan.msk.s32 $0xffff, v54;
	vm11 =	vle.s32 v52, v19;
	vm6 =	vmand vm6, vm12;
	vm13 =	vmand vm4, vm10  }
0x7a: {  	vm11 =	vmand vm2, vm11;
	v55, _, _ =	vpop (xrf0);
	vm14 =	vmor vm5, vm6;
	vm4 =	vmor vm7, vm13  }
0x7b: {  	vm1 =	vmor vm1, vm11;
	v20 =	vbroadcast v55, $0xF;
	v16 =	vnsel vm14, $0x0, v16  }
0x7c: {  	v21 =	vsel vm14, $0x3F800000, v1;
	v17 =	vnsel vm4, $0x0, v17;
	v56 =	vsel vm4, $0x3F800000, v1  }
0x7d: {  	v61 =	vsel vm1, $0x3F800000, v1;
	v15 =	vnsel vm1, $0x0, v15;
	vm15 =	veq.f32 v12, v20  }
0x7e: {  	vm6 =	veq.f32 v13, v20;
	vm4 =	veq.f32 v10, v20;
	v57 =	vsel vm15, $0x1, v1  }
0x7f: {  	v58, _, _ =	vpop (xrf0);
	vm7 =	vgt.f32 v12, v20;
	vm2 =	vgt.f32 v10, v20;
	v60 =	vsel vm4, $0x1, v1;
	(xrf0) =	vadd.scan.msk.s32 $0xffff, v57  }
0x80: {  	vm12 =	vle.s32 v58, v19;
	vm1 =	vgt.f32 v13, v20;
	v63 =	vsel vm6, $0x1, v1;
	(xrf0) =	vadd.scan.msk.s32 $0xffff, v60  }
0x81: {  	vm13 =	vgt.f32 v9, v20;
	v59 =	vmpcnt.ones.xlane vm6;
	v29 =	vmpcnt.ones.xlane vm1;
	(xrf0) =	vadd.scan.msk.s32 $0xffff, v63;
	v62, _, _ =	vpop (xrf1)  }
0x82: {  	vm5 =	veq.f32 v9, v20;
	v31 =	vmpcnt.ones.xlane vm13;
	v19 =	vperm.xlane v62, v0;
	v30, _, _ =	vpop (xrf1)  }
0x83: {  	vm3 =	vmand vm3, vm12;
	v33 =	vmpcnt.ones.xlane vm2;
	v34 =	vmpcnt.ones.xlane vm5;
	v32, _, _ =	vpop (xrf1)  }
0x84: {  	v35 =	vmpcnt.ones.xlane vm7;
	v36 =	vmpcnt.ones.xlane vm4;
	v19 =	vmax.f32 v32, v19  }
0x85: {  	v41 =	vsel vm5, $0x1, v1;
	v23 =	vadd.s32 v29, v31;
	v37, _, _ =	vpop (xrf0);
	v20 =	vsel vm0, $0x7F800000, v30;
	(xrf1) =	vsort.ascd.msk.f32 $0xffff, v19, v19  }
0x86: {  	vm3 =	vmor vm9, vm3;
	v25 =	vadd.s32 v34, v59;
	v39, _, _ =	vpop (xrf0);
	(xrf0) =	vmin.scan.msk.f32 $0xffff, v20;
	v20 =	vadd.s32 v33, v23  }
0x87: {  	vm9 =	vmmov vm13;
	v23 =	vadd.s32 v25, v37;
	v40, _, _ =	vpop (xrf0);
	v20 =	vadd.s32 v35, v20  }
0x88: {  	v19 =	vadd.s32 v36, v23;
	v23 =	vadd.s32 v34, v40;
	(xrf0) =	vadd.scan.msk.s32 $0xffff, v41;
	v20 =	vsub.s32 $0x8, v20  }
0x89: {  	v14 =	vnsel vm3, $0x0, v14;
	v38 =	vsel vm3, $0x3F800000, v1;
	vm14 =	vle.s32 v23, v20  }
0x8a: {  	v42 =	vadd.s32 v25, v39;
	vm3 =	vle.s32 v19, v20;
	vm6 =	vmand vm6, vm14  }
0x8b: {  	vm3 =	vmand vm15, vm3;
	vm15 =	vle.s32 v42, v20;
	vm1 =	vmor vm1, vm6  }
0x8c: {  	[tilespmem:s15+$0x2000] =	vst v18;
	v43, _, _ =	vpop (xrf0);
	v47 =	vnsel vm1, $0x0, v13;
	v48 =	vsel vm1, $0x3F800000, v1;
	vm1 =	vmand vm4, vm15  }
0x8d: {  	[tilespmem:s15+$0x4000] =	vst v28;
	vm3 =	vmor vm7, vm3;
	v45 =	vbroadcast v43, $0xF;
	vm1 =	vmor vm2, vm1  }
0x8e: {  	[tilespmem:s14+$0x2030] =	vst v16;
	v44 =	vnsel vm3, $0x0, v12;
	v46 =	vsel vm3, $0x3F800000, v1;
	v50, _, _ =	vpop (xrf0);
	v53 =	vsel vm1, $0x3F800000, v1  }
0x8f: {  	[tilespmem:s14+$0x2010] =	vst v17;
	vm13 =	vle.s32 v50, v20;
	v54 =	vnsel vm1, $0x0, v10;
	vm12 =	veq.f32 v8, v45  }
0x90: {  	[tilespmem:s14+$0x4010] =	vst v56;
	vm6 =	veq.f32 v7, v45;
	vm7 =	vgt.f32 v8, v45;
	v49 =	vsel vm12, $0x1, v1  }
0x91: {  	vm3 =	vgt.f32 v4, v45;
	vm4 =	veq.f32 v4, v45;
	vm2 =	vgt.f32 v7, v45;
	(xrf0) =	vadd.scan.msk.s32 $0xffff, v49  }
0x92: {  	[tilespmem:s14+$0x4030] =	vst v21;
	vm1 =	vgt.f32 v2, v45;
	vm10 =	vmand vm5, vm13;
	v52 =	vsel vm4, $0x1, v1  }
0x93: {  	vm5 =	veq.f32 v2, v45;
	v51 =	vmpcnt.ones.xlane vm6;
	v55 =	vsel vm6, $0x1, v1;
	(xrf0) =	vadd.scan.msk.s32 $0xffff, v52;
	v57, _, _ =	vpop (xrf1)  }
0x94: {  	v56 =	vmpcnt.ones.xlane vm2;
	v58 =	vmpcnt.ones.xlane vm1;
	(xrf0) =	vadd.scan.msk.s32 $0xffff, v55;
	v16 =	vsel vm0, $0x7F800000, v57  }
0x95: {  	v59 =	vmpcnt.ones.xlane vm3;
	vm9 =	vmor vm9, vm10;
	v60 =	vmpcnt.ones.xlane vm5;
	(xrf0) =	vmin.scan.msk.f32 $0xffff, v16  }
0x96: {  	[tilespmem:s14+$0x4020] =	vst v61;
	v63 =	vmpcnt.ones.xlane vm7;
	v26 =	vmpcnt.ones.xlane vm4;
	v62 =	vadd.s32 v56, v58  }
0x97: {  	[tilespmem:s14+$0x2020] =	vst v15;
	v34 =	vsel vm5, $0x1, v1;
	v27 =	vadd.s32 v60, v51;
	v25, _, _ =	vpop (xrf0);
	v16 =	vadd.s32 v59, v62  }
0x98: {  	[tilespmem:s14+$0x2000] =	vst v14;
	vm1 =	vmmov vm1;
	v16 =	vadd.s32 v63, v16;
	v31 =	vadd.s32 v27, v25  }
0x99: {  	[tilespmem:s14+$0x4000] =	vst v38;
	v61 =	vnsel vm9, $0x0, v9;
	v30, _, _ =	vpop (xrf0);
	v16 =	vsub.s32 $0x8, v16;
	v15 =	vadd.s32 v26, v31  }
0x9a: {  	[tilespmem:s12+$0x2030] =	vst v44;
	v28 =	vsel vm9, $0x3F800000, v1;
	v32 =	vadd.s32 v27, v30;
	v33, _, _ =	vpop (xrf0);
	vm14 =	vle.s32 v15, v16  }
0x9b: {  	(xrf0) =	vadd.scan.msk.s32 $0xffff, v34;
	v35 =	vadd.s32 v60, v33;
	vm15 =	vle.s32 v32, v16;
	vm8 =	vmand vm12, vm14;
	v36, _, _ =	vpop (xrf0)  }
0x9c: {  	[tilespmem:s12+$0x2010] =	vst v47;
	vm12 =	vle.s32 v35, v16;
	vm13 =	vmand vm4, vm15;
	v12 =	vbroadcast v36, $0xF  }
0x9d: {  	[tilespmem:s12+$0x4010] =	vst v48;
	vm7 =	vmor vm7, vm8;
	vm6 =	vmand vm6, vm12;
	vm3 =	vmor vm3, vm13  }
0x9e: {  	[tilespmem:s12+$0x4030] =	vst v46;
	v37 =	vnsel vm7, $0x0, v8;
	v38 =	vsel vm7, $0x3F800000, v1;
	vm7 =	veq.f32 v3, v12  }
0x9f: {  	[tilespmem:s12+$0x4020] =	vst v53;
	vm2 =	vmor vm2, vm6;
	vm4 =	veq.f32 v5, v12;
	v41 =	vsel vm7, $0x1, v1  }
0xa0: {  	v45 =	vsel vm3, $0x3F800000, v1;
	vm6 =	veq.f32 v6, v12;
	v44 =	vsel vm4, $0x1, v1;
	(xrf0) =	vadd.scan.msk.s32 $0xffff, v41  }
0xa1: {  	v46 =	vnsel vm3, $0x0, v4;
	v39 =	vnsel vm2, $0x0, v7;
	v42, _, _ =	vpop (xrf0);
	v47 =	vsel vm6, $0x1, v1;
	(xrf0) =	vadd.scan.msk.s32 $0xffff, v44  }
0xa2: {  	v40 =	vsel vm2, $0x3F800000, v1;
	vm2 =	vgt.f32 v5, v12;
	vm14 =	vle.s32 v42, v16;
	(xrf0) =	vadd.scan.msk.s32 $0xffff, v47  }
0xa3: {  	[tilespmem:s12+$0x2020] =	vst v54;
	vm3 =	vgt.f32 v11, v12;
	vm15 =	vgt.f32 v6, v12;
	v43 =	vmpcnt.ones.xlane vm6  }
0xa4: {  	[tilespmem:s12+$0x2000] =	vst v61;
	vm12 =	vgt.f32 v3, v12;
	v48 =	vmpcnt.ones.xlane vm15;
	v49 =	vmpcnt.ones.xlane vm3  }
0xa5: {  	[tilespmem:s12+$0x4000] =	vst v28;
	vm9 =	vmand vm5, vm14;
	vm5 =	veq.f32 v11, v12;
	v50 =	vmpcnt.ones.xlane vm2  }
0xa6: {  	[tilespmem:s11+$0x2030] =	vst v37;
	v53 =	vmpcnt.ones.xlane vm12;
	v51 =	vmpcnt.ones.xlane vm5;
	v52 =	vadd.s32 v48, v49;
	v55, _, _ =	vpop (xrf0)  }
0xa7: {  	[tilespmem:s11+$0x4030] =	vst v38;
	v54 =	vmpcnt.ones.xlane vm4;
	v59 =	vsel vm5, $0x1, v1;
	v8 =	vadd.s32 v50, v52;
	v57, _, _ =	vpop (xrf0)  }
0xa8: {  	[tilespmem:s11+$0x4020] =	vst v45;
	vm1 =	vmor vm1, vm9;
	v56 =	vadd.s32 v51, v43;
	v8 =	vadd.s32 v53, v8;
	v60, _, _ =	vpop (xrf0)  }
0xa9: {  	[tilespmem:s11+$0x2020] =	vst v46;
	v8 =	vsub.s32 $0x8, v8;
	v58 =	vadd.s32 v56, v55;
	v61 =	vadd.s32 v51, v60  }
0xaa: {  	v2 =	vnsel vm1, $0x0, v2;
	(xrf0) =	vadd.scan.msk.s32 $0xffff, v59;
	v7 =	vadd.s32 v54, v58;
	vm14 =	vle.s32 v61, v8  }
0xab: {  	[tilespmem:s11+$0x2010] =	vst v39;
	v62 =	vsel vm1, $0x3F800000, v1;
	vm13 =	vle.s32 v7, v8;
	vm6 =	vmand vm6, vm14  }
0xac: {  	[tilespmem:s11+$0x2000] =	vst v2;
	v2 =	vadd.s32 v56, v57;
	vm7 =	vmand vm7, vm13;
	vm6 =	vmor vm15, vm6  }
0xad: {  	[tilespmem:s11+$0x4010] =	vst v40;
	vm1 =	vmor vm12, vm7;
	vm15 =	vle.s32 v2, v8;
	v2 =	vnsel vm6, $0x0, v6  }
0xae: {  	[tilespmem:s11+$0x4000] =	vst v62;
	v3 =	vnsel vm1, $0x0, v3  }
0xaf: {  	[tilespmem:s13+$0x2030] =	vst v3  }
0xb0: {  	v63 =	vsel vm1, $0x3F800000, v1;
	vm4 =	vmand vm4, vm15;
	[tilespmem:s13+$0x2010] =	vst v2;
	v2, _, _ =	vpop (xrf0)  }
0xb1: {  	v3 =	vsel vm6, $0x3F800000, v1;
	[tilespmem:s13+$0x4030] =	vst v63;
	vm1 =	vmor vm2, vm4;
	vm2 =	vle.s32 v2, v8  }
0xb2: {  	vm3 =	vmmov vm3;
	[tilespmem:s13+$0x4010] =	vst v3;
	v3 =	vnsel vm1, $0x0, v5;
	vm2 =	vmand vm5, vm2  }
0xb3: {  	[tilespmem:s13+$0x2020] =	vst v3;
	v2 =	vsel vm1, $0x3F800000, v1;
	vm1 =	vmor vm3, vm2  }
0xb4: {  	[tilespmem:s13+$0x4020] =	vst v2;
	v2 =	vnsel vm1, $0x0, v11  }
0xb5: {  	v3 =	vsel vm1, $0x3F800000, v1;
	[tilespmem:s13+$0x2000] =	vst v2  }
0xb6: {  	[tilespmem:s13+$0x4000] =	vst v3  }
0xb7: {  	[hbm4b:s4+s2] =	stream.linear.scatter [tilespmem:s8], [sflag:$0x1], $0x2000, $0x38;
	[tilespmem:$0x6000] =	vst v63  }
0xb8: {  	s10 =	sadd.s32 $0x1, s10;
	_ =	swait.ge [sflag:s7], $0x2000  }
0xb9: {  	p0 =	sne.s32 s10, s6;
	[sflag:s7] =	ssyncset.done $0x0  }
.Ltmp1:
0xba: {  	[sflag:s7] =	ssyncadd.s32 $0xFFFFE000;
	(pc) =	sbr.rel @p0 .LBB2_1-.Ltmp1, $4  }
0xbb: {  	[hbm4b:s5+s2] =	stream.linear.scatter [tilespmem:s9], [sflag:$0x1], $0x2000, $0x38;
	[tilespmem:$0x6000] =	vst v63  }
0xbc: {  	_ =	swait.ge [sflag:s7], $0x2000  }
0xbd: {  	[sflag:s7] =	ssyncset.done $0x0  }
0xbe: {  	[sflag:s7] =	ssyncadd.s32 $0xFFFFE000  }
0xbf: {  	_ =	sfence.sel $0x180000  }
0xc0: {  	[bflag:$0x0] =	sbarrier.arrive $0xFFFF  }
0xc1: {  	p0 =	sne.s32 s1, $0x0;
	_ =	strace $0x90000047  }
0xc2: {  	s0 =	sadd.s32 @!p0 $0x100000, s0;
	[bflag:$0x2] =	sbarrier.arrive $0xFFFF  }
0xc3: {  	[sflag:s0] =	ssyncadd.tile.s32 @!p0 $0x1;
	_ =	shalt  }
.Lfunc_end2:
_tile_overlayer_lowered:
.L_overlay_start_2:
0xc4: {  	(tag) =	ssettag $0x2  }
0xc5: {  	s0 =	rddreg [dreg:$0x0];
	s2 =	stileid.u32  }
0xc6: {  	s1 =	rddreg [dreg:$0x1];
	p0 =	sne.s32 s2, $0x0  }
0xc7: {  	s3 =	rddreg [dreg:$0x2];
	[bflag:$0x3] =	sbarrier.arrive $0xFFFF;
	s2 =	simm.s32 @!p0 $0x1C01  }
0xc8: {  	[timem:s3], [sflag:s2] =	dma.local @!p0 [hbm:s0], s1  }
0xc9: {  	s0 =	simm.s32 @!p0 $0x1  }
0xca: {  	_ =	swait.ge @!p0 [sflag:s0], s1  }
0xcb: {  	s1 =	ssub.s32 @!p0 $0x0, s1;
	[sflag:s0] =	ssyncset.done @!p0 $0x0  }
0xcc: {  	[sflag:s0] =	ssyncadd.s32 @!p0 s1  }
0xcd: {  	[bflag:$0x3] =	sbarrier.arrive $0xFFFF  }
0xce: {  	_ =	shalt  }

// kernel: kernel.16.cloned.1.call-start
scs
__scs_entry_jumppad:
0x0: {  	(pc) =	sbr.rel $0x88, $3  }
0x1: {  	(tag) =	ssettag $0x0;
	lr =	simm.s32 $0x1  }
0x2: {  	[smem:$0x3F9F] =	sst lr;
	_ =	strace $0xD0000000  }
0x3: {  	_ = 	snop  }
0x4: {  	_ = 	snop  }
0x5: {  	_ = 	snop  }
0x6: {  	_ = 	snop  }
0x7: {  	_ = 	snop  }
__scs_overlays_trampoline_lowered:
0x8: {  	[smem:$0x3FAE] =	sst s0  }
0x9: {  	[smem:$0x3FAF] =	sst s1  }
0xa: {  	[smem:$0x3FB0] =	sst s2  }
0xb: {  	[smem:$0x3FB1] =	sst s3  }
0xc: {  	[smem:$0x3FB2] =	sst s4  }
0xd: {  	[smem:$0x3FB3] =	sst s5  }
0xe: {  	[smem:$0x3FB4] =	sst s6  }
0xf: {  	[smem:$0x3FB5] =	sst s7  }
0x10: {  	[smem:$0x3FB6] =	sst s8  }
0x11: {  	[smem:$0x3FB7] =	sst s9;
	s0 =	simm.s32 @!p0 $0x0  }
0x12: {  	s1 =	sld [smem:$0x3F9D];
	s0 =	simm.s32 @p0 $0x1  }
0x13: {  	[smem:$0x3FB8] =	sst s0;
	s0 =	simm.s32 @!p1 $0x0  }
0x14: {  	s2 =	sld [smem:$0x3F9C];
	s0 =	simm.s32 @p1 $0x1  }
0x15: {  	[smem:$0x3FB9] =	sst s0;
	s0 =	simm.s32 @!p2 $0x0  }
0x16: {  	s3 =	sld [smem:$0x3FDB];
	s0 =	simm.s32 @p2 $0x1  }
0x17: {  	s4 =	simm.s32 $0x1BF5;
	[smem:$0x3FBB] =	sst s0  }
0x18: {  	s0 =	sld [smem:$0x3F9E];
	_ =	swait.ge [sflag:s4], $0x0  }
0x19: {  	s7 =	sld [smem:$0x3F9F]  }
0x1a: {  	s8 =	sadd.s32 $0xFFFFE003, lr  }
0x1b: {  	s9 =	sadd.s32 $0xFFFFFEF7, lr;
	s5 =	simm.s32 $0xFFFFFFFF;
	p2 =	slt.u32 s8, $0xFFFFF086  }
0x1c: {  	p1 =	slt.u32 s9, $0xF7A;
	s5 =	simm.s32 @!p2 $0x0  }
0x1d: {  	s5 =	simm.s32 @p1 $0x1;
	p0 =	seq.s32 s7, s2  }
0x1e: {  	s7 =	smul.u32 @!p0 $0xF7A, s2;
	p2 =	seq.s32 @!p0 s5, $0x0  }
0x1f: {  	s9 =	smul.u32 $0xF7A, s1;
	s8 =	simm.s32 @!p0 $0x1BF5;
	p2 =	por !p2, p0  }
0x20: {  	[sflag:s8] =	ssyncset.s32 @!p0 $0xFFFFF086;
	s6 =	sadd.s32 @!p0 s3, s7;
	s7 =	simm.s32 @!p0 $0x108  }
0x21: {  	s3 =	sadd.s32 s3, s9;
	s6 =	sadd.s32 @!p0 $0x88, s6;
	s7 =	simm.s32 @p2 $0x1082  }
0x22: {  	[simem:s7], [sflag:s8] =	dma.local @!p0 [hbm:s6], $0xF7A  }
0x23: {  	s9 =	sor.u32 $0xD0000000, s2;
	s6 =	simm.s32 $0x108;
	_ =	swait.ge @!p0 [sflag:s8], $0x0  }
0x24: {  	s3 =	sadd.s32 $0x88, s3;
	s6 =	simm.s32 @!p1 $0x1082;
	[sflag:s4] =	ssyncset.s32 $0xFFFFF086  }
0x25: {  	[simem:s6], [sflag:s4] =	dma.local [hbm:s3], $0xF7A  }
0x26: {  	[smem:$0x3F9F] =	sst s1;
	(tag) =	ssettag s2;
	_ =	strace s9  }
0x27: {  	s1 =	sld [smem:$0x3FAF]  }
0x28: {  	s2 =	sld [smem:$0x3FB0]  }
0x29: {  	s4 =	sld [smem:$0x3FB2]  }
0x2a: {  	p0 =	seq.s32 s5, $0x0;
	s5 =	sld [smem:$0x3FB3]  }
0x2b: {  	s6 =	sld [smem:$0x3FB4]  }
0x2c: {  	s7 =	sld [smem:$0x3FB5]  }
0x2d: {  	s3 =	simm.s32 $0x108;
	s8 =	sld [smem:$0x3FB6]  }
0x2e: {  	s3 =	simm.s32 @!p0 $0x1082;
	s9 =	sld [smem:$0x3FB7]  }
0x2f: {  	lr =	sadd.s32 s0, s3;
	s0 =	sld [smem:$0x3FAE]  }
0x30: {  	s3 =	sld [smem:$0x3FB1]  }
0x31: {  	[smem:$0x3FBA] =	sst s10  }
0x32: {  	s10 =	sld [smem:$0x3FB8];
	_ =	sdelay $0x3  }
0x33: {  	p0 =	seq.s32 s10, $0x1;
	s10 =	sld [smem:$0x3FBA];
	_ =	sdelay $0x3  }
0x34: {  	[smem:$0x3FBA] =	sst s10  }
0x35: {  	s10 =	sld [smem:$0x3FB9];
	_ =	sdelay $0x3  }
0x36: {  	p1 =	seq.s32 s10, $0x1;
	s10 =	sld [smem:$0x3FBA];
	_ =	sdelay $0x3  }
0x37: {  	[smem:$0x3FBA] =	sst s10  }
0x38: {  	s10 =	sld [smem:$0x3FBB]  }
0x39: {  	_ = 	snop;
	(pc) =	sbr.ind lr, $3  }
0x3a: {  	_ = 	snop  }
0x3b: {  	_ = 	snop  }
0x3c: {  	p2 =	seq.s32 s10, $0x1;
	s10 =	sld [smem:$0x3FBA]  }
0x3d: {  	_ =	shalt  }
0x3e: {  	_ =	shalt  }
0x3f: {  	_ =	shalt  }
0x40: {  	_ =	shalt  }
0x41: {  	_ =	shalt  }
0x42: {  	_ =	shalt  }
0x43: {  	_ =	shalt  }
0x44: {  	_ =	shalt  }
0x45: {  	_ =	shalt  }
0x46: {  	_ =	shalt  }
0x47: {  	_ =	shalt  }
0x48: {  	_ =	shalt  }
0x49: {  	_ =	shalt  }
0x4a: {  	_ =	shalt  }
0x4b: {  	_ =	shalt  }
0x4c: {  	_ =	shalt  }
0x4d: {  	_ =	shalt  }
0x4e: {  	_ =	shalt  }
0x4f: {  	_ =	shalt  }
0x50: {  	_ =	shalt  }
0x51: {  	_ =	shalt  }
0x52: {  	_ =	shalt  }
0x53: {  	_ =	shalt  }
0x54: {  	_ =	shalt  }
0x55: {  	_ =	shalt  }
0x56: {  	_ =	shalt  }
0x57: {  	_ =	shalt  }
0x58: {  	_ =	shalt  }
0x59: {  	_ =	shalt  }
0x5a: {  	_ =	shalt  }
0x5b: {  	_ =	shalt  }
0x5c: {  	_ =	shalt  }
0x5d: {  	_ =	shalt  }
0x5e: {  	_ =	shalt  }
0x5f: {  	_ =	shalt  }
0x60: {  	_ =	shalt  }
0x61: {  	_ =	shalt  }
0x62: {  	_ =	shalt  }
0x63: {  	_ =	shalt  }
0x64: {  	_ =	shalt  }
0x65: {  	_ =	shalt  }
0x66: {  	_ =	shalt  }
0x67: {  	_ =	shalt  }
0x68: {  	_ =	shalt  }
0x69: {  	_ =	shalt  }
0x6a: {  	_ =	shalt  }
0x6b: {  	_ =	shalt  }
0x6c: {  	_ =	shalt  }
0x6d: {  	_ =	shalt  }
0x6e: {  	_ =	shalt  }
0x6f: {  	_ =	shalt  }
0x70: {  	_ =	shalt  }
0x71: {  	_ =	shalt  }
0x72: {  	_ =	shalt  }
0x73: {  	_ =	shalt  }
0x74: {  	_ =	shalt  }
0x75: {  	_ =	shalt  }
0x76: {  	_ =	shalt  }
0x77: {  	_ =	shalt  }
0x78: {  	_ =	shalt  }
0x79: {  	_ =	shalt  }
0x7a: {  	_ =	shalt  }
0x7b: {  	_ =	shalt  }
0x7c: {  	_ =	shalt  }
0x7d: {  	_ =	shalt  }
0x7e: {  	_ =	shalt  }
0x7f: {  	_ =	shalt  }
0x80: {  	_ =	shalt  }
0x81: {  	_ =	shalt  }
0x82: {  	_ =	shalt  }
0x83: {  	_ =	shalt  }
0x84: {  	_ =	shalt  }
0x85: {  	_ =	shalt  }
0x86: {  	_ =	shalt  }
0x87: {  	_ =	shalt  }
.Lfunc_end0:
.L_simem_size_0:
called_computation.2_lowered:
.L_overlay_start_0:
0x88: {  	s2 =	sld [smem:$0x3FD9]  }
0x89: {  	s3 =	sld [smem:$0x3FFE];
	_ =	sdelay $0x1  }
0x8a: {  	s1 =	srdreg.scid  }
0x8b: {  	s0 =	sand.u32 $0x1, s1  }
0x8c: {  	s17 =	sshll.u32 s0, $0xA;
	s2 =	sadd.s32 s3, s2  }
0x8d: {  	s2 =	sadd.s32 s2, s17  }
0x8e: {  	[smem:$0x3FC6] =	sst s2  }
0x8f: {  	_ = 	snop  }
0x90: {  	(tm) =	ssettm $0x1  }
0x91: {  	s18 =	sld [smem:$0x3FFB];
	_ =	sdelay $0x3  }
0x92: {  	_ =	strace s18  }
0x93: {  	s2 =	sld [smem:$0x3FFC];
	_ =	sdelay $0x3  }
0x94: {  	_ =	strace s2  }
0x95: {  	s2 =	sld [smem:$0x3FFD];
	_ =	sdelay $0x3  }
0x96: {  	_ =	strace s2  }
0x97: {  	_ =	strace $0x8FFFFFFF  }
0x98: {  	s19 =	sld [smem:$0x3FDB];
	_ =	sdelay $0x1  }
0x99: {  	s20 =	simm.s32 $_scs_section_size  }
0x9a: {  	s4 =	simm.s32 $_size__tile_overlayer_lowered;
	s5 =	simm.s32 $_tile_overlayer_lowered  }
0x9b: {  	s6 =	simm.s32 $0x1BFF;
	s21 =	sshll.u32 s5, $0x1;
	s3 =	sadd.s32 s20, s19  }
0x9c: {  	s22 =	simm.s32 $0x0;
	s4 =	sshll.u32 s4, $0x1;
	s5 =	sadd.s32 s21, s3  }
0x9d: {  	[timem:s22], [sflag:s6] =	dma.local [hbm:s5], s4  }
0x9e: {  	_ =	swait.ge [sflag:s6], s4  }
0x9f: {  	s4 =	ssub.s32 $0x0, s4;
	[sflag:s6] =	ssyncset.done $0x0  }
0xa0: {  	[sflag:s6] =	ssyncadd.s32 s4;
	_ =	sdelay $0x1  }
0xa1: {  	s23 =	simm.s32 $0x1B8B  }
0xa2: {  	_ =	swait.ge [sflag:s23], $0x1  }
0xa3: {  	[sflag:s23] =	ssyncset.done $0x0  }
0xa4: {  	[sflag:s23] =	ssyncadd.s32 $0xFFFFFFFF  }
0xa5: {  	s4 =	sld [smem:$0x0]  }
0xa6: {  	s5 =	sand.u32 $0xFFFFFFFE, s1  }
0xa7: {  	p0 =	sne.s32 s1, s5  }
0xa8: {  	s5 =	sshll.u32 @p0 s5, $0xE  }
0xa9: {  	s5 =	sadd.s32 @p0 $0x11B8D, s5;
	s6 =	sshll.u32 @p0 s4, $0x11  }
0xaa: {  	s5 =	sor.u32 @p0 s6, s5  }
0xab: {  	[sflag:s5] =	ssyncadd.remote.s32 @p0 $0x1;
	_ =	sdelay $0x1  }
0xac: {  	s5 =	simm.s32 @p0 $0x1B8D  }
0xad: {  	_ =	swait.eq @p0 [sflag:s5], $0x1  }
0xae: {  	[sflag:s5] =	ssyncadd.s32 @p0 $0xFFFFFFFF  }
0xaf: {  	s6 =	sshll.u32 @!p0 s1, $0xE  }
0xb0: {  	s6 =	sor.u32 @!p0 $0x4000, s6;
	s5 =	simm.s32 @!p0 $0x1B8D  }
0xb1: {  	s4 =	sshll.u32 @!p0 s4, $0x11;
	s6 =	sadd.s32 @!p0 $0x11B8D, s6;
	_ =	swait.eq @!p0 [sflag:s5], $0x1  }
0xb2: {  	s4 =	sor.u32 @!p0 s4, s6;
	[sflag:s5] =	ssyncadd.s32 @!p0 $0xFFFFFFFF  }
0xb3: {  	s25 =	simm.s32 $0x1B8E;
	s24 =	sld [smem:$0x3FFE];
	[sflag:s4] =	ssyncadd.remote.s32 @!p0 $0x1  }
0xb4: {  	s26 =	simm.s32 $execute0_lowered;
	[smem:$0x3FD2] =	sst s25  }
0xb5: {  	s5 =	sshll.u32 s26, $0x1;
	_ =	strace $0x80000049;
	[dreg:$0x1] =	wrdreg $0xFFFFFFFF  }
0xb6: {  	s28 =	simm.s32 $_size_execute0_lowered;
	s3 =	sadd.s32 s3, s5;
	[dreg:$0x0] =	wrdreg $0x0  }
0xb7: {  	s5 =	sshll.u32 s28, $0x1;
	[dreg:$0x2] =	wrdreg s3  }
0xb8: {  	[dreg:$0x3] =	wrdreg s5  }
0xb9: {  	[dreg:$0x4] =	wrdreg $0xC0  }
0xba: {  	_ =	task [dreg:s22], $0x5FFFF  }
0xbb: {  	[dreg:$0x1] =	wrdreg $0xFFFFFFFF  }
0xbc: {  	[dreg:$0x0] =	wrdreg $0x60  }
0xbd: {  	[dreg:$0x2] =	wrdreg s24  }
0xbe: {  	[dreg:$0x3] =	wrdreg $0xB  }
0xbf: {  	_ =	task.clear_ibuf [dreg:s22], $0x4FFFF;
	_ =	strace $0x90000049  }
0xc0: {  	s29 =	simm.s32 $0xB;
	_ =	strace $0x8000004B  }
0xc1: {  	_ =	swait.ge [sflag:s29], $0x1  }
0xc2: {  	[sflag:s29] =	ssyncadd.s32 $0xFFFFFFFF  }
0xc3: {  	_ =	strace $0x9000004B  }
0xc4: {  	_ =	sfence  }
0xc5: {  	s30 =	sld [smem:$0x0];
	_ =	sdelay $0x2  }
0xc6: {  	s31 =	sshll.u32 s1, $0xD;
	s1 =	sshrl.u32 s1, $0x2  }
0xc7: {  	s4 =	sand.u32 $0x4000, s31;
	s1 =	sadd.s32 s1, s30  }
0xc8: {  	s0 =	sor.u32 s4, s0;
	s1 =	sshll.u32 s1, $0x11  }
0xc9: {  	s0 =	sor.u32 s1, s0  }
0xca: {  	s0 =	sadd.s32 $0x8F2B, s0  }
0xcb: {  	[sflag:s0] =	ssyncadd.remote.s32 $0x1  }
0xcc: {  	_ =	sfence.sel $0xFFFF  }
0xcd: {  	[dreg:$0x0] =	wrdreg $0xFFFFFFFF;
	(pc) =	sbr.abs _section_cstart, $3  }
0xce: {  	[dreg:$0x1] =	wrdreg $0xFFFFFFFF  }
0xcf: {  	_ =	task.clear_ibuf [dreg:s22], $0x2FFFF;
	_ =	strace $0x9FFFFFFF  }
0xd0: {  	(tm) =	ssettm $0x7FFFFFFF  }
0xd1: {  	_ =	shalt  }
tec
execute0_lowered:
.L_overlay_start_1:
0x0: {  	(tag) =	ssettag $0x1  }
0x1: {  	s3 =	rddreg [dreg:$0x0];
	s2 =	srdreg.scid  }
0x2: {  	s0 =	rddreg [dreg:$0x1];
	s1 =	stileid.u32;
	s7 =	simm.s32 $0x1  }
0x3: {  	s8 =	simm.s32 $0x2000;
	s9 =	simm.s32 $0x4000;
	s4 =	sand.u32 $0x1, s2  }
0x4: {  	s10 =	simm.s32 $0x0;
	s5 =	sshll.u32 s1, $0xB;
	s6 =	sshll.u32 s4, $0xA  }
0x5: {  	v0 =	vlaneseq.u32;
	s2 =	simm.s32 $0x0;
	s4 =	ssub.s32 $0x2, s4;
	s5 =	sor.u32 s6, s5  }
0x6: {  	v0 =	vmul.u32 $0xFFFFFFFF, v0;
	[smem:$0x7FF] =	sst s2;
	s30 =	sshrl.u32 s4, $0x1;
	s5 =	sadd.s32 s5, s3  }
0x7: {  	_ =	strace $0x8000004A;
	s31 =	ssub.s32 s4, s30;
	s3 =	sadd.s32 $0x1B400, s5  }
0x8: {  	vm0 =	vmmov $0xff;
	v1 =	vimm.s32 $0x0;
	v0 =	vadd.s32 $0xF, v0;
	s4 =	sadd.s32 $0x2B400, s5;
	s5 =	sadd.s32 $0x23400, s5;
	s6 =	smax.u32 s31, $0x1  }
.LBB2_1:
0x9: {  	[tilespmem:s2], [sflag:$0x1] =	stream.linear.gather [hbm4b:s3+s2], $0x2000, $0x38;
	[tilespmem:$0x6000] =	vst v63  }
0xa: {  	_ =	swait.ge [sflag:s7], $0x2000  }
0xb: {  	[sflag:s7] =	ssyncset.done $0x0  }
0xc: {  	s15 =	simm.s32 $0x0;
	[sflag:s7] =	ssyncadd.s32 $0xFFFFE000  }
0xd: {  	v21 =	vld [tilespmem:s15+$0x30];
	_ =	sdelay $0x1  }
0xe: {  	v19 =	vld [tilespmem:s15+$0x20];
	_ =	sdelay $0x2  }
0xf: {  	(xrf1) =	vsort.ascd.msk.f32 $0xffff, v21, v21;
	_ =	sdelay $0x1  }
0x10: {  	v20 =	vld [tilespmem:s15+$0x10];
	(xrf1) =	vsort.ascd.msk.f32 $0xffff, v19, v19;
	_ =	sdelay $0x1  }
0x11: {  	v18 =	vld [tilespmem:s15+$0x0];
	_ =	sdelay $0x2  }
0x12: {  	(xrf1) =	vsort.ascd.msk.f32 $0xffff, v20, v20;
	_ =	sdelay $0x1  }
0x13: {  	(xrf1) =	vsort.ascd.msk.f32 $0xffff, v18, v18;
	_ =	sdelay $0x3  }
0x14: {  	s14 =	simm.s32 $0x80  }
0x15: {  	v16 =	vld [tilespmem:s14+$0x30];
	v2, _, _ =	vpop (xrf1)  }
0x16: {  	v2 =	vperm.xlane v2, v0  }
0x17: {  	v15 =	vld [tilespmem:s14+$0x20];
	v3, _, _ =	vpop (xrf1)  }
0x18: {  	v2 =	vmax.f32 v3, v2  }
0x19: {  	(xrf1) =	vsort.ascd.msk.f32 $0xffff, v2, v2  }
0x1a: {  	v17 =	vld [tilespmem:s14+$0x10];
	(xrf1) =	vsort.ascd.msk.f32 $0xffff, v16, v16;
	_ =	sdelay $0x1  }
0x1b: {  	v2, _, _ =	vpop (xrf1);
	(xrf1) =	vsort.ascd.msk.f32 $0xffff, v15, v15  }
0x1c: {  	v2 =	vperm.xlane v2, v0  }
0x1d: {  	v14 =	vld [tilespmem:s14+$0x0];
	v3, _, _ =	vpop (xrf1)  }
0x1e: {  	(xrf1) =	vsort.ascd.msk.f32 $0xffff, v17, v17;
	v2 =	vmax.f32 v3, v2  }
0x1f: {  	(xrf1) =	vsort.ascd.msk.f32 $0xffff, v2, v2;
	_ =	sdelay $0x2  }
0x20: {  	(xrf1) =	vsort.ascd.msk.f32 $0xffff, v14, v14;
	_ =	sdelay $0x3  }
0x21: {  	s12 =	simm.s32 $0x100;
	v2, _, _ =	vpop (xrf1)  }
0x22: {  	v12 =	vld [tilespmem:s12+$0x30];
	v3, _, _ =	vpop (xrf1)  }
0x23: {  	v3 =	vperm.xlane v3, v0  }
0x24: {  	v10 =	vld [tilespmem:s12+$0x20];
	v4, _, _ =	vpop (xrf1)  }
0x25: {  	v3 =	vmax.f32 v4, v3  }
0x26: {  	(xrf1) =	vsort.ascd.msk.f32 $0xffff, v3, v3  }
0x27: {  	v13 =	vld [tilespmem:s12+$0x10];
	v2 =	vperm.xlane v2, v0;
	v4, _, _ =	vpop (xrf1);
	(xrf1) =	vsort.ascd.msk.f32 $0xffff, v12, v12  }
0x28: {  	v3, _, _ =	vpop (xrf1)  }
0x29: {  	(xrf1) =	vsort.ascd.msk.f32 $0xffff, v10, v10;
	v2 =	vmax.f32 v3, v2  }
0x2a: {  	(xrf1) =	vsort.ascd.msk.f32 $0xffff, v2, v2;
	v2 =	vperm.xlane v4, v0  }
0x2b: {  	v3, _, _ =	vpop (xrf1)  }
0x2c: {  	v9 =	vld [tilespmem:s12+$0x0];
	(xrf1) =	vsort.ascd.msk.f32 $0xffff, v13, v13;
	v2 =	vmax.f32 v3, v2  }
0x2d: {  	(xrf1) =	vsort.ascd.msk.f32 $0xffff, v2, v2;
	_ =	sdelay $0x3  }
0x2e: {  	(xrf1) =	vsort.ascd.msk.f32 $0xffff, v9, v9;
	_ =	sdelay $0x2  }
0x2f: {  	v2, _, _ =	vpop (xrf1)  }
0x30: {  	s11 =	simm.s32 $0x180;
	v3, _, _ =	vpop (xrf1)  }
0x31: {  	v8 =	vld [tilespmem:s11+$0x30];
	v3 =	vperm.xlane v3, v0  }
0x32: {  	v4 =	vld [tilespmem:s11+$0x20];
	v5, _, _ =	vpop (xrf1)  }
0x33: {  	v6, _, _ =	vpop (xrf1);
	v3 =	vmax.f32 v5, v3  }
0x34: {  	v6 =	vsel vm0, $0x7F800000, v6;
	(xrf1) =	vsort.ascd.msk.f32 $0xffff, v3, v3  }
0x35: {  	v7 =	vld [tilespmem:s11+$0x10];
	v2 =	vperm.xlane v2, v0;
	v5, _, _ =	vpop (xrf1);
	(xrf0) =	vmin.scan.msk.f32 $0xffff, v6  }
0x36: {  	(xrf1) =	vsort.ascd.msk.f32 $0xffff, v8, v8;
	v3, _, _ =	vpop (xrf1)  }
0x37: {  	(xrf1) =	vsort.ascd.msk.f32 $0xffff, v4, v4;
	v2 =	vmax.f32 v3, v2  }
0x38: {  	(xrf1) =	vsort.ascd.msk.f32 $0xffff, v2, v2  }
0x39: {  	v3 =	vperm.xlane v5, v0  }
0x3a: {  	v5, _, _ =	vpop (xrf1);
	(xrf1) =	vsort.ascd.msk.f32 $0xffff, v7, v7  }
0x3b: {  	v2 =	vld [tilespmem:s11+$0x0];
	v3 =	vmax.f32 v5, v3  }
0x3c: {  	(xrf1) =	vsort.ascd.msk.f32 $0xffff, v3, v3;
	v5, _, _ =	vpop (xrf0)  }
0x3d: {  	v3 =	vbroadcast v5, $0xF;
	_ =	sdelay $0x1  }
0x3e: {  	vm5 =	veq.f32 v21, v3  }
0x3f: {  	(xrf1) =	vsort.ascd.msk.f32 $0xffff, v2, v2;
	v5 =	vsel vm5, $0x1, v1  }
0x40: {  	vm1 =	veq.f32 v19, v3;
	vm2 =	veq.f32 v20, v3;
	vm6 =	vgt.f32 v21, v3;
	(xrf0) =	vadd.scan.msk.s32 $0xffff, v5  }
0x41: {  	vm7 =	vgt.f32 v19, v3;
	vm8 =	vgt.f32 v18, v3;
	v5 =	vsel vm1, $0x1, v1  }
0x42: {  	vm4 =	vgt.f32 v20, v3;
	v6 =	vmpcnt.ones.xlane vm2;
	v23 =	vmpcnt.ones.xlane vm8;
	(xrf0) =	vadd.scan.msk.s32 $0xffff, v5;
	v11, _, _ =	vpop (xrf1)  }
0x43: {  	s13 =	simm.s32 $0x200;
	v24 =	vsel vm2, $0x1, v1;
	v25 =	vmpcnt.ones.xlane vm7;
	v5 =	vmpcnt.ones.xlane vm4;
	v22, _, _ =	vpop (xrf1)  }
0x44: {  	vm3 =	veq.f32 v18, v3;
	v3 =	vld [tilespmem:s13+$0x30];
	v27 =	vmpcnt.ones.xlane vm6;
	(xrf0) =	vadd.scan.msk.s32 $0xffff, v24;
	v22 =	vperm.xlane v22, v0;
	v26, _, _ =	vpop (xrf1)  }
0x45: {  	v28 =	vmpcnt.ones.xlane vm1;
	v5 =	vadd.s32 v5, v23;
	v23 =	vmpcnt.ones.xlane vm3;
	v52, _, _ =	vpop (xrf1)  }
0x46: {  	vm8 =	vmmov vm8;
	v58 =	vsel vm3, $0x1, v1;
	v29, _, _ =	vpop (xrf0);
	v22 =	vmax.f32 v26, v22  }
0x47: {  	v25 =	vadd.s32 v25, v5;
	v5 =	vld [tilespmem:s13+$0x20];
	v6 =	vadd.s32 v23, v6;
	v24 =	vsel vm0, $0x7F800000, v52;
	v55, _, _ =	vpop (xrf1);
	(xrf1) =	vsort.ascd.msk.f32 $0xffff, v22, v22  }
0x48: {  	v54 =	vadd.s32 v27, v25;
	v53, _, _ =	vpop (xrf0);
	v56 =	vadd.s32 v6, v29;
	v22 =	vperm.xlane v11, v0;
	(xrf0) =	vmin.scan.msk.f32 $0xffff, v24  }
0x49: {  	v26 =	vadd.s32 v6, v53;
	v57, _, _ =	vpop (xrf1);
	v24 =	vsub.s32 $0x8, v54;
	v11 =	vadd.s32 v28, v56;
	(xrf1) =	vsort.ascd.msk.f32 $0xffff, v3, v3  }
0x4a: {  	v6 =	vld [tilespmem:s13+$0x10];
	v59, _, _ =	vpop (xrf0);
	v25 =	vperm.xlane v55, v0;
	vm9 =	vle.s32 v26, v24;
	vm10 =	vle.s32 v11, v24  }
0x4b: {  	(xrf0) =	vadd.scan.msk.s32 $0xffff, v58;
	v22 =	vmax.f32 v57, v22;
	v23 =	vadd.s32 v23, v59;
	vm5 =	vmand vm5, vm10  }
0x4c: {  	v11 =	vld [tilespmem:s13+$0x0];
	(xrf1) =	vsort.ascd.msk.f32 $0xffff, v5, v5;
	vm10 =	vle.s32 v23, v24;
	vm9 =	vmand vm1, vm9;
	vm5 =	vmor vm6, vm5  }
0x4d: {  	(xrf1) =	vsort.ascd.msk.f32 $0xffff, v22, v22;
	v60, _, _ =	vpop (xrf1);
	vm2 =	vmand vm2, vm10;
	vm7 =	vmor vm7, vm9;
	v21 =	vnsel vm5, $0x0, v21  }
0x4e: {  	v23 =	vsel vm5, $0x3F800000, v1;
	v25 =	vmax.f32 v60, v25;
	vm2 =	vmor vm4, vm2;
	v22, _, _ =	vpop (xrf0)  }
0x4f: {  	v63 =	vsel vm7, $0x3F800000, v1;
	(xrf1) =	vsort.ascd.msk.f32 $0xffff, v6, v6;
	[tilespmem:s15+$0x2030] =	vst v21;
	v61 =	vbroadcast v22, $0xF  }
0x50: {  	v20 =	vnsel vm2, $0x0, v20;
	[tilespmem:s15+$0x4030] =	vst v23;
	(xrf1) =	vsort.ascd.msk.f32 $0xffff, v25, v25;
	v22 =	vsel vm2, $0x3F800000, v1  }
0x51: {  	v23 =	vnsel vm7, $0x0, v19;
	[tilespmem:s15+$0x2010] =	vst v20;
	(xrf1) =	vsort.ascd.msk.f32 $0xffff, v11, v11;
	vm6 =	veq.f32 v16, v61  }
0x52: {  	[tilespmem:s15+$0x4010] =	vst v22;
	vm4 =	veq.f32 v17, v61;
	vm5 =	vgt.f32 v16, v61;
	v20 =	vsel vm6, $0x1, v1  }
0x53: {  	vm1 =	vgt.f32 v15, v61;
	vm2 =	veq.f32 v15, v61;
	vm9 =	vgt.f32 v14, v61;
	v22, _, _ =	vpop (xrf0);
	(xrf0) =	vadd.scan.msk.s32 $0xffff, v20  }
0x54: {  	[tilespmem:s15+$0x4020] =	vst v63;
	vm7 =	vgt.f32 v17, v61;
	v62 =	vsel vm2, $0x1, v1;
	vm10 =	vle.s32 v22, v24  }
0x55: {  	[tilespmem:s15+$0x2020] =	vst v23;
	v21 =	vmpcnt.ones.xlane vm1;
	v20 =	vmpcnt.ones.xlane vm4;
	vm10 =	vmand vm3, vm10  }
0x56: {  	s16 =	simm.s32 $0xA00;
	v22 =	vmpcnt.ones.xlane vm7;
	(xrf0) =	vadd.scan.msk.s32 $0xffff, v62;
	vm3 =	veq.f32 v14, v61;
	v19, _, _ =	vpop (xrf1);
	vm8 =	vmor vm8, vm10  }
.LBB2_2:
0x57: {  	v23, _, _ =	vpop (xrf1);
	v24 =	vmpcnt.ones.xlane vm9;
	v25 =	vnsel vm8, $0x0, v18;
	v26 =	vsel vm8, $0x3F800000, v1  }
0x58: {  	s17 =	sshra.s32 s16, $0x2;
	p0 =	sne.s32 s16, $0x7E00;
	s16 =	sadd.s32 $0x200, s16;
	v27 =	vmovc v4;
	v4 =	vmovc v5;
	v18 =	vmov v14;
	v14 =	vmov v9;
	v9 =	vmov v2  }
0x59: {  	v5 =	vsel vm4, $0x1, v1;
	v29 =	vmpcnt.ones.xlane vm2;
	v2 =	vmov v11;
	v28 =	vld [tilespmem:s17+$0x30];
	v30, _, _ =	vpop (xrf0);
	[tilespmem:s15+$0x2000] =	vst v25  }
0x5a: {  	v11 =	vperm.xlane v23, v0;
	v23, _, _ =	vpop (xrf1);
	v22 =	vadd.s32 v22, v24;
	v24 =	vmpcnt.ones.xlane vm3;
	(xrf0) =	vadd.scan.msk.s32 $0xffff, v5  }
0x5b: {  	v32 =	vmpcnt.ones.xlane vm5;
	vm8 =	vmmov vm9;
	v25 =	vld [tilespmem:s17+$0x10];
	v31, _, _ =	vpop (xrf1);
	v21 =	vadd.s32 v21, v22;
	[tilespmem:s15+$0x4000] =	vst v26;
	s15 =	smov.u32 s14;
	s14 =	smov.u32 s12;
	s12 =	smov.u32 s11  }
0x5c: {  	v11 =	vmax.f32 v23, v11;
	s11 =	smov.u32 s13;
	s13 =	smov.u32 s17;
	v5 =	vld [tilespmem:s17+$0x20];
	v22 =	vsel vm0, $0x7F800000, v31;
	v20 =	vadd.s32 v24, v20;
	v23, _, _ =	vpop (xrf0)  }
0x5d: {  	v21 =	vadd.s32 v32, v21;
	v26, _, _ =	vpop (xrf1);
	(xrf0) =	vmin.scan.msk.f32 $0xffff, v22;
	v22 =	vadd.s32 v20, v23;
	v20 =	vadd.s32 v20, v30  }
0x5e: {  	v19 =	vperm.xlane v19, v0;
	(xrf1) =	vsort.ascd.msk.f32 $0xffff, v11, v11;
	v23, _, _ =	vpop (xrf1)  }
0x5f: {  	v31 =	vsub.s32 $0x8, v21;
	v11 =	vsel vm3, $0x1, v1;
	v21 =	vadd.s32 v29, v20;
	(xrf1) =	vsort.ascd.msk.f32 $0xffff, v28, v28;
	v30, _, _ =	vpop (xrf1)  }
0x60: {  	vm9 =	vle.s32 v22, v31;
	vm10 =	vle.s32 v21, v31;
	(xrf0) =	vadd.scan.msk.s32 $0xffff, v11;
	v20, _, _ =	vpop (xrf0)  }
0x61: {  	v22 =	vmax.f32 v23, v19;
	vm6 =	vmand vm6, vm10;
	v11 =	vld [tilespmem:s13+$0x0];
	(xrf1) =	vsort.ascd.msk.f32 $0xffff, v5, v5;
	v20 =	vadd.s32 v24, v20  }
0x62: {  	v21 =	vperm.xlane v26, v0;
	vm5 =	vmor vm5, vm6;
	(xrf1) =	vsort.ascd.msk.f32 $0xffff, v22, v22;
	vm10 =	vle.s32 v20, v31  }
0x63: {  	v20 =	vnsel vm5, $0x0, v16;
	v22 =	vsel vm5, $0x3F800000, v1;
	v19, _, _ =	vpop (xrf0);
	vm4 =	vmand vm4, vm10  }
0x64: {  	v21 =	vmax.f32 v30, v21;
	v16 =	vmovc v12;
	(xrf1) =	vsort.ascd.msk.f32 $0xffff, v25, v25;
	v23 =	vbroadcast v19, $0xF;
	vm4 =	vmor vm7, vm4  }
0x65: {  	v12 =	vmovc v8;
	(xrf1) =	vsort.ascd.msk.f32 $0xffff, v21, v21;
	v17 =	vnsel vm4, $0x0, v17;
	v19 =	vsel vm4, $0x3F800000, v1;
	[tilespmem:s15+$0x2030] =	vst v20  }
0x66: {  	(xrf1) =	vsort.ascd.msk.f32 $0xffff, v11, v11;
	vm4 =	veq.f32 v13, v23;
	vm6 =	veq.f32 v16, v23;
	[tilespmem:s15+$0x2010] =	vst v17;
	v24, _, _ =	vpop (xrf0)  }
0x67: {  	v8 =	vmovc v3;
	v3 =	vmovc v28;
	vm7 =	vmand vm2, vm9;
	vm5 =	vgt.f32 v16, v23;
	v20 =	vsel vm6, $0x1, v1;
	[tilespmem:s15+$0x4010] =	vst v19  }
.Ltmp0:
0x68: {  	vm7 =	vmor vm1, vm7;
	vm2 =	veq.f32 v10, v23;
	vm1 =	vgt.f32 v10, v23;
	(xrf0) =	vadd.scan.msk.s32 $0xffff, v20;
	v17 =	vmovc v13;
	(pc) =	sbr.rel @p0 .LBB2_2-.Ltmp0, $4  }
0x69: {  	v26 =	vsel vm7, $0x3F800000, v1;
	v19 =	vsel vm2, $0x1, v1;
	v20 =	vmpcnt.ones.xlane vm4;
	v13 =	vmovc v7;
	v7 =	vmovc v6;
	[tilespmem:s15+$0x4030] =	vst v22  }
0x6a: {  	v21 =	vmpcnt.ones.xlane vm1;
	vm10 =	vle.s32 v24, v31;
	v24 =	vnsel vm7, $0x0, v15;
	v15 =	vmovc v10;
	v6 =	vmovc v25;
	[tilespmem:s15+$0x4020] =	vst v26  }
0x6b: {  	vm9 =	vgt.f32 v14, v23;
	v10 =	vmovc v27;
	vm10 =	vmand vm3, vm10;
	vm7 =	vgt.f32 v17, v23;
	(xrf0) =	vadd.scan.msk.s32 $0xffff, v19  }
0x6c: {  	vm3 =	veq.f32 v14, v23;
	vm8 =	vmor vm8, vm10;
	v22 =	vmpcnt.ones.xlane vm7;
	v19, _, _ =	vpop (xrf1);
	[tilespmem:s15+$0x2020] =	vst v24  }
0x6d: {  	_ =	sdelay $0x1  }
0x6e: {  	v23, _, _ =	vpop (xrf1)  }
0x6f: {  	v24 =	vsel vm4, $0x1, v1;
	v25, _, _ =	vpop (xrf1)  }
0x70: {  	v26 =	vmpcnt.ones.xlane vm9;
	v23 =	vperm.xlane v23, v0;
	(xrf0) =	vadd.scan.msk.s32 $0xffff, v24;
	v42, _, _ =	vpop (xrf1)  }
0x71: {  	v18 =	vnsel vm8, $0x0, v18;
	v19 =	vperm.xlane v19, v0;
	v24 =	vsel vm0, $0x7F800000, v42;
	v27, _, _ =	vpop (xrf1)  }
0x72: {  	v28 =	vsel vm8, $0x3F800000, v1;
	v23 =	vmax.f32 v25, v23;
	(xrf0) =	vmin.scan.msk.f32 $0xffff, v24;
	v43, _, _ =	vpop (xrf1);
	v44 =	vperm.xlane v27, v0  }
0x73: {  	v45 =	vmpcnt.ones.xlane vm2;
	v29 =	vmpcnt.ones.xlane vm3;
	(xrf1) =	vsort.ascd.msk.f32 $0xffff, v23, v23;
	v46, _, _ =	vpop (xrf1);
	v19 =	vmax.f32 v43, v19  }
0x74: {  	v48 =	vmpcnt.ones.xlane vm5;
	v47, _, _ =	vpop (xrf0);
	v22 =	vadd.s32 v22, v26;
	(xrf1) =	vsort.ascd.msk.f32 $0xffff, v19, v19;
	v49 =	vmax.f32 v46, v44  }
0x75: {  	vm9 =	vmmov vm9;
	v20 =	vadd.s32 v29, v20;
	v21 =	vadd.s32 v21, v22;
	v50, _, _ =	vpop (xrf0);
	(xrf1) =	vsort.ascd.msk.f32 $0xffff, v49, v49  }
0x76: {  	v51 =	vadd.s32 v48, v21;
	v52 =	vadd.s32 v20, v50;
	v20 =	vadd.s32 v20, v47;
	v53, _, _ =	vpop (xrf0)  }
0x77: {  	v20 =	vadd.s32 v45, v20;
	v19 =	vsub.s32 $0x8, v51;
	v22 =	vadd.s32 v29, v53  }
0x78: {  	v54 =	vsel vm3, $0x1, v1;
	vm12 =	vle.s32 v20, v19;
	vm10 =	vle.s32 v22, v19  }
0x79: {  	(xrf0) =	vadd.scan.msk.s32 $0xffff, v54;
	vm11 =	vle.s32 v52, v19;
	vm6 =	vmand vm6, vm12;
	vm13 =	vmand vm4, vm10  }
0x7a: {  	vm11 =	vmand vm2, vm11;
	v55, _, _ =	vpop (xrf0);
	vm14 =	vmor vm5, vm6;
	vm4 =	vmor vm7, vm13  }
0x7b: {  	vm1 =	vmor vm1, vm11;
	v20 =	vbroadcast v55, $0xF;
	v16 =	vnsel vm14, $0x0, v16  }
0x7c: {  	v21 =	vsel vm14, $0x3F800000, v1;
	v17 =	vnsel vm4, $0x0, v17;
	v56 =	vsel vm4, $0x3F800000, v1  }
0x7d: {  	v61 =	vsel vm1, $0x3F800000, v1;
	v15 =	vnsel vm1, $0x0, v15;
	vm15 =	veq.f32 v12, v20  }
0x7e: {  	vm6 =	veq.f32 v13, v20;
	vm4 =	veq.f32 v10, v20;
	v57 =	vsel vm15, $0x1, v1  }
0x7f: {  	v58, _, _ =	vpop (xrf0);
	vm7 =	vgt.f32 v12, v20;
	vm2 =	vgt.f32 v10, v20;
	v60 =	vsel vm4, $0x1, v1;
	(xrf0) =	vadd.scan.msk.s32 $0xffff, v57  }
0x80: {  	vm12 =	vle.s32 v58, v19;
	vm1 =	vgt.f32 v13, v20;
	v63 =	vsel vm6, $0x1, v1;
	(xrf0) =	vadd.scan.msk.s32 $0xffff, v60  }
0x81: {  	vm13 =	vgt.f32 v9, v20;
	v59 =	vmpcnt.ones.xlane vm6;
	v29 =	vmpcnt.ones.xlane vm1;
	(xrf0) =	vadd.scan.msk.s32 $0xffff, v63;
	v62, _, _ =	vpop (xrf1)  }
0x82: {  	vm5 =	veq.f32 v9, v20;
	v31 =	vmpcnt.ones.xlane vm13;
	v19 =	vperm.xlane v62, v0;
	v30, _, _ =	vpop (xrf1)  }
0x83: {  	vm3 =	vmand vm3, vm12;
	v33 =	vmpcnt.ones.xlane vm2;
	v34 =	vmpcnt.ones.xlane vm5;
	v32, _, _ =	vpop (xrf1)  }
0x84: {  	v35 =	vmpcnt.ones.xlane vm7;
	v36 =	vmpcnt.ones.xlane vm4;
	v19 =	vmax.f32 v32, v19  }
0x85: {  	v41 =	vsel vm5, $0x1, v1;
	v23 =	vadd.s32 v29, v31;
	v37, _, _ =	vpop (xrf0);
	v20 =	vsel vm0, $0x7F800000, v30;
	(xrf1) =	vsort.ascd.msk.f32 $0xffff, v19, v19  }
0x86: {  	vm3 =	vmor vm9, vm3;
	v25 =	vadd.s32 v34, v59;
	v39, _, _ =	vpop (xrf0);
	(xrf0) =	vmin.scan.msk.f32 $0xffff, v20;
	v20 =	vadd.s32 v33, v23  }
0x87: {  	vm9 =	vmmov vm13;
	v23 =	vadd.s32 v25, v37;
	v40, _, _ =	vpop (xrf0);
	v20 =	vadd.s32 v35, v20  }
0x88: {  	v19 =	vadd.s32 v36, v23;
	v23 =	vadd.s32 v34, v40;
	(xrf0) =	vadd.scan.msk.s32 $0xffff, v41;
	v20 =	vsub.s32 $0x8, v20  }
0x89: {  	v14 =	vnsel vm3, $0x0, v14;
	v38 =	vsel vm3, $0x3F800000, v1;
	vm14 =	vle.s32 v23, v20  }
0x8a: {  	v42 =	vadd.s32 v25, v39;
	vm3 =	vle.s32 v19, v20;
	vm6 =	vmand vm6, vm14  }
0x8b: {  	vm3 =	vmand vm15, vm3;
	vm15 =	vle.s32 v42, v20;
	vm1 =	vmor vm1, vm6  }
0x8c: {  	[tilespmem:s15+$0x2000] =	vst v18;
	v43, _, _ =	vpop (xrf0);
	v47 =	vnsel vm1, $0x0, v13;
	v48 =	vsel vm1, $0x3F800000, v1;
	vm1 =	vmand vm4, vm15  }
0x8d: {  	[tilespmem:s15+$0x4000] =	vst v28;
	vm3 =	vmor vm7, vm3;
	v45 =	vbroadcast v43, $0xF;
	vm1 =	vmor vm2, vm1  }
0x8e: {  	[tilespmem:s14+$0x2030] =	vst v16;
	v44 =	vnsel vm3, $0x0, v12;
	v46 =	vsel vm3, $0x3F800000, v1;
	v50, _, _ =	vpop (xrf0);
	v53 =	vsel vm1, $0x3F800000, v1  }
0x8f: {  	[tilespmem:s14+$0x2010] =	vst v17;
	vm13 =	vle.s32 v50, v20;
	v54 =	vnsel vm1, $0x0, v10;
	vm12 =	veq.f32 v8, v45  }
0x90: {  	[tilespmem:s14+$0x4010] =	vst v56;
	vm6 =	veq.f32 v7, v45;
	vm7 =	vgt.f32 v8, v45;
	v49 =	vsel vm12, $0x1, v1  }
0x91: {  	vm3 =	vgt.f32 v4, v45;
	vm4 =	veq.f32 v4, v45;
	vm2 =	vgt.f32 v7, v45;
	(xrf0) =	vadd.scan.msk.s32 $0xffff, v49  }
0x92: {  	[tilespmem:s14+$0x4030] =	vst v21;
	vm1 =	vgt.f32 v2, v45;
	vm10 =	vmand vm5, vm13;
	v52 =	vsel vm4, $0x1, v1  }
0x93: {  	vm5 =	veq.f32 v2, v45;
	v51 =	vmpcnt.ones.xlane vm6;
	v55 =	vsel vm6, $0x1, v1;
	(xrf0) =	vadd.scan.msk.s32 $0xffff, v52;
	v57, _, _ =	vpop (xrf1)  }
0x94: {  	v56 =	vmpcnt.ones.xlane vm2;
	v58 =	vmpcnt.ones.xlane vm1;
	(xrf0) =	vadd.scan.msk.s32 $0xffff, v55;
	v16 =	vsel vm0, $0x7F800000, v57  }
0x95: {  	v59 =	vmpcnt.ones.xlane vm3;
	vm9 =	vmor vm9, vm10;
	v60 =	vmpcnt.ones.xlane vm5;
	(xrf0) =	vmin.scan.msk.f32 $0xffff, v16  }
0x96: {  	[tilespmem:s14+$0x4020] =	vst v61;
	v63 =	vmpcnt.ones.xlane vm7;
	v26 =	vmpcnt.ones.xlane vm4;
	v62 =	vadd.s32 v56, v58  }
0x97: {  	[tilespmem:s14+$0x2020] =	vst v15;
	v34 =	vsel vm5, $0x1, v1;
	v27 =	vadd.s32 v60, v51;
	v25, _, _ =	vpop (xrf0);
	v16 =	vadd.s32 v59, v62  }
0x98: {  	[tilespmem:s14+$0x2000] =	vst v14;
	vm1 =	vmmov vm1;
	v16 =	vadd.s32 v63, v16;
	v31 =	vadd.s32 v27, v25  }
0x99: {  	[tilespmem:s14+$0x4000] =	vst v38;
	v61 =	vnsel vm9, $0x0, v9;
	v30, _, _ =	vpop (xrf0);
	v16 =	vsub.s32 $0x8, v16;
	v15 =	vadd.s32 v26, v31  }
0x9a: {  	[tilespmem:s12+$0x2030] =	vst v44;
	v28 =	vsel vm9, $0x3F800000, v1;
	v32 =	vadd.s32 v27, v30;
	v33, _, _ =	vpop (xrf0);
	vm14 =	vle.s32 v15, v16  }
0x9b: {  	(xrf0) =	vadd.scan.msk.s32 $0xffff, v34;
	v35 =	vadd.s32 v60, v33;
	vm15 =	vle.s32 v32, v16;
	vm8 =	vmand vm12, vm14;
	v36, _, _ =	vpop (xrf0)  }
0x9c: {  	[tilespmem:s12+$0x2010] =	vst v47;
	vm12 =	vle.s32 v35, v16;
	vm13 =	vmand vm4, vm15;
	v12 =	vbroadcast v36, $0xF  }
0x9d: {  	[tilespmem:s12+$0x4010] =	vst v48;
	vm7 =	vmor vm7, vm8;
	vm6 =	vmand vm6, vm12;
	vm3 =	vmor vm3, vm13  }
0x9e: {  	[tilespmem:s12+$0x4030] =	vst v46;
	v37 =	vnsel vm7, $0x0, v8;
	v38 =	vsel vm7, $0x3F800000, v1;
	vm7 =	veq.f32 v3, v12  }
0x9f: {  	[tilespmem:s12+$0x4020] =	vst v53;
	vm2 =	vmor vm2, vm6;
	vm4 =	veq.f32 v5, v12;
	v41 =	vsel vm7, $0x1, v1  }
0xa0: {  	v45 =	vsel vm3, $0x3F800000, v1;
	vm6 =	veq.f32 v6, v12;
	v44 =	vsel vm4, $0x1, v1;
	(xrf0) =	vadd.scan.msk.s32 $0xffff, v41  }
0xa1: {  	v46 =	vnsel vm3, $0x0, v4;
	v39 =	vnsel vm2, $0x0, v7;
	v42, _, _ =	vpop (xrf0);
	v47 =	vsel vm6, $0x1, v1;
	(xrf0) =	vadd.scan.msk.s32 $0xffff, v44  }
0xa2: {  	v40 =	vsel vm2, $0x3F800000, v1;
	vm2 =	vgt.f32 v5, v12;
	vm14 =	vle.s32 v42, v16;
	(xrf0) =	vadd.scan.msk.s32 $0xffff, v47  }
0xa3: {  	[tilespmem:s12+$0x2020] =	vst v54;
	vm3 =	vgt.f32 v11, v12;
	vm15 =	vgt.f32 v6, v12;
	v43 =	vmpcnt.ones.xlane vm6  }
0xa4: {  	[tilespmem:s12+$0x2000] =	vst v61;
	vm12 =	vgt.f32 v3, v12;
	v48 =	vmpcnt.ones.xlane vm15;
	v49 =	vmpcnt.ones.xlane vm3  }
0xa5: {  	[tilespmem:s12+$0x4000] =	vst v28;
	vm9 =	vmand vm5, vm14;
	vm5 =	veq.f32 v11, v12;
	v50 =	vmpcnt.ones.xlane vm2  }
0xa6: {  	[tilespmem:s11+$0x2030] =	vst v37;
	v53 =	vmpcnt.ones.xlane vm12;
	v51 =	vmpcnt.ones.xlane vm5;
	v52 =	vadd.s32 v48, v49;
	v55, _, _ =	vpop (xrf0)  }
0xa7: {  	[tilespmem:s11+$0x4030] =	vst v38;
	v54 =	vmpcnt.ones.xlane vm4;
	v59 =	vsel vm5, $0x1, v1;
	v8 =	vadd.s32 v50, v52;
	v57, _, _ =	vpop (xrf0)  }
0xa8: {  	[tilespmem:s11+$0x4020] =	vst v45;
	vm1 =	vmor vm1, vm9;
	v56 =	vadd.s32 v51, v43;
	v8 =	vadd.s32 v53, v8;
	v60, _, _ =	vpop (xrf0)  }
0xa9: {  	[tilespmem:s11+$0x2020] =	vst v46;
	v8 =	vsub.s32 $0x8, v8;
	v58 =	vadd.s32 v56, v55;
	v61 =	vadd.s32 v51, v60  }
0xaa: {  	v2 =	vnsel vm1, $0x0, v2;
	(xrf0) =	vadd.scan.msk.s32 $0xffff, v59;
	v7 =	vadd.s32 v54, v58;
	vm14 =	vle.s32 v61, v8  }
0xab: {  	[tilespmem:s11+$0x2010] =	vst v39;
	v62 =	vsel vm1, $0x3F800000, v1;
	vm13 =	vle.s32 v7, v8;
	vm6 =	vmand vm6, vm14  }
0xac: {  	[tilespmem:s11+$0x2000] =	vst v2;
	v2 =	vadd.s32 v56, v57;
	vm7 =	vmand vm7, vm13;
	vm6 =	vmor vm15, vm6  }
0xad: {  	[tilespmem:s11+$0x4010] =	vst v40;
	vm1 =	vmor vm12, vm7;
	vm15 =	vle.s32 v2, v8;
	v2 =	vnsel vm6, $0x0, v6  }
0xae: {  	[tilespmem:s11+$0x4000] =	vst v62;
	v3 =	vnsel vm1, $0x0, v3  }
0xaf: {  	[tilespmem:s13+$0x2030] =	vst v3  }
0xb0: {  	v63 =	vsel vm1, $0x3F800000, v1;
	vm4 =	vmand vm4, vm15;
	[tilespmem:s13+$0x2010] =	vst v2;
	v2, _, _ =	vpop (xrf0)  }
0xb1: {  	v3 =	vsel vm6, $0x3F800000, v1;
	[tilespmem:s13+$0x4030] =	vst v63;
	vm1 =	vmor vm2, vm4;
	vm2 =	vle.s32 v2, v8  }
0xb2: {  	vm3 =	vmmov vm3;
	[tilespmem:s13+$0x4010] =	vst v3;
	v3 =	vnsel vm1, $0x0, v5;
	vm2 =	vmand vm5, vm2  }
0xb3: {  	[tilespmem:s13+$0x2020] =	vst v3;
	v2 =	vsel vm1, $0x3F800000, v1;
	vm1 =	vmor vm3, vm2  }
0xb4: {  	[tilespmem:s13+$0x4020] =	vst v2;
	v2 =	vnsel vm1, $0x0, v11  }
0xb5: {  	v3 =	vsel vm1, $0x3F800000, v1;
	[tilespmem:s13+$0x2000] =	vst v2  }
0xb6: {  	[tilespmem:s13+$0x4000] =	vst v3  }
0xb7: {  	[hbm4b:s4+s2] =	stream.linear.scatter [tilespmem:s8], [sflag:$0x1], $0x2000, $0x38;
	[tilespmem:$0x6000] =	vst v63  }
0xb8: {  	s10 =	sadd.s32 $0x1, s10;
	_ =	swait.ge [sflag:s7], $0x2000  }
0xb9: {  	p0 =	sne.s32 s10, s6;
	[sflag:s7] =	ssyncset.done $0x0  }
.Ltmp1:
0xba: {  	[sflag:s7] =	ssyncadd.s32 $0xFFFFE000;
	(pc) =	sbr.rel @p0 .LBB2_1-.Ltmp1, $4  }
0xbb: {  	[hbm4b:s5+s2] =	stream.linear.scatter [tilespmem:s9], [sflag:$0x1], $0x2000, $0x38;
	[tilespmem:$0x6000] =	vst v63  }
0xbc: {  	_ =	swait.ge [sflag:s7], $0x2000  }
0xbd: {  	[sflag:s7] =	ssyncset.done $0x0  }
0xbe: {  	[sflag:s7] =	ssyncadd.s32 $0xFFFFE000  }
0xbf: {  	_ =	sfence.sel $0x180000  }
0xc0: {  	[bflag:$0x0] =	sbarrier.arrive $0xFFFF  }
0xc1: {  	p0 =	sne.s32 s1, $0x0;
	_ =	strace $0x9000004A  }
0xc2: {  	s0 =	sadd.s32 @!p0 $0x100000, s0;
	[bflag:$0x2] =	sbarrier.arrive $0xFFFF  }
0xc3: {  	[sflag:s0] =	ssyncadd.tile.s32 @!p0 $0x1;
	_ =	shalt  }
.Lfunc_end2:
_tile_overlayer_lowered:
.L_overlay_start_2:
0xc4: {  	(tag) =	ssettag $0x2  }
0xc5: {  	s0 =	rddreg [dreg:$0x0];
	s2 =	stileid.u32  }
0xc6: {  	s1 =	rddreg [dreg:$0x1];
	p0 =	sne.s32 s2, $0x0  }
0xc7: {  	s3 =	rddreg [dreg:$0x2];
	[bflag:$0x3] =	sbarrier.arrive $0xFFFF;
	s2 =	simm.s32 @!p0 $0x1C01  }
0xc8: {  	[timem:s3], [sflag:s2] =	dma.local @!p0 [hbm:s0], s1  }
0xc9: {  	s0 =	simm.s32 @!p0 $0x1  }
0xca: {  	_ =	swait.ge @!p0 [sflag:s0], s1  }
0xcb: {  	s1 =	ssub.s32 @!p0 $0x0, s1;
	[sflag:s0] =	ssyncset.done @!p0 $0x0  }
0xcc: {  	[sflag:s0] =	ssyncadd.s32 @!p0 s1  }
0xcd: {  	[bflag:$0x3] =	sbarrier.arrive $0xFFFF  }
0xce: {  	_ =	shalt  }

// kernel: kernel.19.cloned.1.call-start
scs
__scs_entry_jumppad:
0x0: {  	(pc) =	sbr.rel $0x88, $3  }
0x1: {  	(tag) =	ssettag $0x0;
	lr =	simm.s32 $0x1  }
0x2: {  	[smem:$0x3F9F] =	sst lr;
	_ =	strace $0xD0000000  }
0x3: {  	_ = 	snop  }
0x4: {  	_ = 	snop  }
0x5: {  	_ = 	snop  }
0x6: {  	_ = 	snop  }
0x7: {  	_ = 	snop  }
__scs_overlays_trampoline_lowered:
0x8: {  	[smem:$0x3FAE] =	sst s0  }
0x9: {  	[smem:$0x3FAF] =	sst s1  }
0xa: {  	[smem:$0x3FB0] =	sst s2  }
0xb: {  	[smem:$0x3FB1] =	sst s3  }
0xc: {  	[smem:$0x3FB2] =	sst s4  }
0xd: {  	[smem:$0x3FB3] =	sst s5  }
0xe: {  	[smem:$0x3FB4] =	sst s6  }
0xf: {  	[smem:$0x3FB5] =	sst s7  }
0x10: {  	[smem:$0x3FB6] =	sst s8  }
0x11: {  	[smem:$0x3FB7] =	sst s9;
	s0 =	simm.s32 @!p0 $0x0  }
0x12: {  	s1 =	sld [smem:$0x3F9D];
	s0 =	simm.s32 @p0 $0x1  }
0x13: {  	[smem:$0x3FB8] =	sst s0;
	s0 =	simm.s32 @!p1 $0x0  }
0x14: {  	s2 =	sld [smem:$0x3F9C];
	s0 =	simm.s32 @p1 $0x1  }
0x15: {  	[smem:$0x3FB9] =	sst s0;
	s0 =	simm.s32 @!p2 $0x0  }
0x16: {  	s3 =	sld [smem:$0x3FDB];
	s0 =	simm.s32 @p2 $0x1  }
0x17: {  	s4 =	simm.s32 $0x1BF5;
	[smem:$0x3FBB] =	sst s0  }
0x18: {  	s0 =	sld [smem:$0x3F9E];
	_ =	swait.ge [sflag:s4], $0x0  }
0x19: {  	s7 =	sld [smem:$0x3F9F]  }
0x1a: {  	s8 =	sadd.s32 $0xFFFFE003, lr  }
0x1b: {  	s9 =	sadd.s32 $0xFFFFFEF7, lr;
	s5 =	simm.s32 $0xFFFFFFFF;
	p2 =	slt.u32 s8, $0xFFFFF086  }
0x1c: {  	p1 =	slt.u32 s9, $0xF7A;
	s5 =	simm.s32 @!p2 $0x0  }
0x1d: {  	s5 =	simm.s32 @p1 $0x1;
	p0 =	seq.s32 s7, s2  }
0x1e: {  	s7 =	smul.u32 @!p0 $0xF7A, s2;
	p2 =	seq.s32 @!p0 s5, $0x0  }
0x1f: {  	s9 =	smul.u32 $0xF7A, s1;
	s8 =	simm.s32 @!p0 $0x1BF5;
	p2 =	por !p2, p0  }
0x20: {  	[sflag:s8] =	ssyncset.s32 @!p0 $0xFFFFF086;
	s6 =	sadd.s32 @!p0 s3, s7;
	s7 =	simm.s32 @!p0 $0x108  }
0x21: {  	s3 =	sadd.s32 s3, s9;
	s6 =	sadd.s32 @!p0 $0x88, s6;
	s7 =	simm.s32 @p2 $0x1082  }
0x22: {  	[simem:s7], [sflag:s8] =	dma.local @!p0 [hbm:s6], $0xF7A  }
0x23: {  	s9 =	sor.u32 $0xD0000000, s2;
	s6 =	simm.s32 $0x108;
	_ =	swait.ge @!p0 [sflag:s8], $0x0  }
0x24: {  	s3 =	sadd.s32 $0x88, s3;
	s6 =	simm.s32 @!p1 $0x1082;
	[sflag:s4] =	ssyncset.s32 $0xFFFFF086  }
0x25: {  	[simem:s6], [sflag:s4] =	dma.local [hbm:s3], $0xF7A  }
0x26: {  	[smem:$0x3F9F] =	sst s1;
	(tag) =	ssettag s2;
	_ =	strace s9  }
0x27: {  	s1 =	sld [smem:$0x3FAF]  }
0x28: {  	s2 =	sld [smem:$0x3FB0]  }
0x29: {  	s4 =	sld [smem:$0x3FB2]  }
0x2a: {  	p0 =	seq.s32 s5, $0x0;
	s5 =	sld [smem:$0x3FB3]  }
0x2b: {  	s6 =	sld [smem:$0x3FB4]  }
0x2c: {  	s7 =	sld [smem:$0x3FB5]  }
0x2d: {  	s3 =	simm.s32 $0x108;
	s8 =	sld [smem:$0x3FB6]  }
0x2e: {  	s3 =	simm.s32 @!p0 $0x1082;
	s9 =	sld [smem:$0x3FB7]  }
0x2f: {  	lr =	sadd.s32 s0, s3;
	s0 =	sld [smem:$0x3FAE]  }
0x30: {  	s3 =	sld [smem:$0x3FB1]  }
0x31: {  	[smem:$0x3FBA] =	sst s10  }
0x32: {  	s10 =	sld [smem:$0x3FB8];
	_ =	sdelay $0x3  }
0x33: {  	p0 =	seq.s32 s10, $0x1;
	s10 =	sld [smem:$0x3FBA];
	_ =	sdelay $0x3  }
0x34: {  	[smem:$0x3FBA] =	sst s10  }
0x35: {  	s10 =	sld [smem:$0x3FB9];
	_ =	sdelay $0x3  }
0x36: {  	p1 =	seq.s32 s10, $0x1;
	s10 =	sld [smem:$0x3FBA];
	_ =	sdelay $0x3  }
0x37: {  	[smem:$0x3FBA] =	sst s10  }
0x38: {  	s10 =	sld [smem:$0x3FBB]  }
0x39: {  	_ = 	snop;
	(pc) =	sbr.ind lr, $3  }
0x3a: {  	_ = 	snop  }
0x3b: {  	_ = 	snop  }
0x3c: {  	p2 =	seq.s32 s10, $0x1;
	s10 =	sld [smem:$0x3FBA]  }
0x3d: {  	_ =	shalt  }
0x3e: {  	_ =	shalt  }
0x3f: {  	_ =	shalt  }
0x40: {  	_ =	shalt  }
0x41: {  	_ =	shalt  }
0x42: {  	_ =	shalt  }
0x43: {  	_ =	shalt  }
0x44: {  	_ =	shalt  }
0x45: {  	_ =	shalt  }
0x46: {  	_ =	shalt  }
0x47: {  	_ =	shalt  }
0x48: {  	_ =	shalt  }
0x49: {  	_ =	shalt  }
0x4a: {  	_ =	shalt  }
0x4b: {  	_ =	shalt  }
0x4c: {  	_ =	shalt  }
0x4d: {  	_ =	shalt  }
0x4e: {  	_ =	shalt  }
0x4f: {  	_ =	shalt  }
0x50: {  	_ =	shalt  }
0x51: {  	_ =	shalt  }
0x52: {  	_ =	shalt  }
0x53: {  	_ =	shalt  }
0x54: {  	_ =	shalt  }
0x55: {  	_ =	shalt  }
0x56: {  	_ =	shalt  }
0x57: {  	_ =	shalt  }
0x58: {  	_ =	shalt  }
0x59: {  	_ =	shalt  }
0x5a: {  	_ =	shalt  }
0x5b: {  	_ =	shalt  }
0x5c: {  	_ =	shalt  }
0x5d: {  	_ =	shalt  }
0x5e: {  	_ =	shalt  }
0x5f: {  	_ =	shalt  }
0x60: {  	_ =	shalt  }
0x61: {  	_ =	shalt  }
0x62: {  	_ =	shalt  }
0x63: {  	_ =	shalt  }
0x64: {  	_ =	shalt  }
0x65: {  	_ =	shalt  }
0x66: {  	_ =	shalt  }
0x67: {  	_ =	shalt  }
0x68: {  	_ =	shalt  }
0x69: {  	_ =	shalt  }
0x6a: {  	_ =	shalt  }
0x6b: {  	_ =	shalt  }
0x6c: {  	_ =	shalt  }
0x6d: {  	_ =	shalt  }
0x6e: {  	_ =	shalt  }
0x6f: {  	_ =	shalt  }
0x70: {  	_ =	shalt  }
0x71: {  	_ =	shalt  }
0x72: {  	_ =	shalt  }
0x73: {  	_ =	shalt  }
0x74: {  	_ =	shalt  }
0x75: {  	_ =	shalt  }
0x76: {  	_ =	shalt  }
0x77: {  	_ =	shalt  }
0x78: {  	_ =	shalt  }
0x79: {  	_ =	shalt  }
0x7a: {  	_ =	shalt  }
0x7b: {  	_ =	shalt  }
0x7c: {  	_ =	shalt  }
0x7d: {  	_ =	shalt  }
0x7e: {  	_ =	shalt  }
0x7f: {  	_ =	shalt  }
0x80: {  	_ =	shalt  }
0x81: {  	_ =	shalt  }
0x82: {  	_ =	shalt  }
0x83: {  	_ =	shalt  }
0x84: {  	_ =	shalt  }
0x85: {  	_ =	shalt  }
0x86: {  	_ =	shalt  }
0x87: {  	_ =	shalt  }
.Lfunc_end0:
.L_simem_size_0:
called_computation.3_lowered:
.L_overlay_start_0:
0x88: {  	s2 =	sld [smem:$0x3FD9]  }
0x89: {  	s3 =	sld [smem:$0x3FFE];
	_ =	sdelay $0x1  }
0x8a: {  	s1 =	srdreg.scid  }
0x8b: {  	s0 =	sand.u32 $0x1, s1  }
0x8c: {  	s15 =	sshll.u32 s0, $0xA;
	s2 =	sadd.s32 s3, s2  }
0x8d: {  	s2 =	sadd.s32 s2, s15  }
0x8e: {  	[smem:$0x3FC6] =	sst s2  }
0x8f: {  	_ = 	snop  }
0x90: {  	s2 =	sld [smem:$0x3FD0];
	_ =	sdelay $0x2  }
0x91: {  	s16 =	simm.s32 $0xD;
	s4 =	simm.s32 $0x10  }
0x92: {  	[smem:s4], [sflag:s16] =	dma.local [hbm:s2], $0x1  }
0x93: {  	_ =	swait.eq [sflag:s16], $0x1  }
0x94: {  	[sflag:s16] =	ssyncset.done $0x0  }
0x95: {  	[sflag:s16] =	ssyncadd.s32 $0xFFFFFFFF  }
0x96: {  	s17 =	sld [smem:$0x10];
	(tm) =	ssettm $0x1  }
0x97: {  	s18 =	sld [smem:$0x3FFB];
	_ =	sdelay $0x3  }
0x98: {  	_ =	strace s18  }
0x99: {  	s2 =	sld [smem:$0x3FFC];
	_ =	sdelay $0x3  }
0x9a: {  	_ =	strace s2  }
0x9b: {  	s2 =	sld [smem:$0x3FFD];
	_ =	sdelay $0x3  }
0x9c: {  	_ =	strace s2  }
0x9d: {  	_ =	strace $0x8FFFFFFF  }
0x9e: {  	s19 =	sld [smem:$0x3FDB];
	_ =	sdelay $0x1  }
0x9f: {  	s20 =	simm.s32 $_scs_section_size  }
0xa0: {  	s5 =	simm.s32 $_size__tile_overlayer_lowered;
	s6 =	simm.s32 $_tile_overlayer_lowered  }
0xa1: {  	s7 =	simm.s32 $0x1BFF;
	s21 =	sshll.u32 s6, $0x1;
	s4 =	sadd.s32 s20, s19  }
0xa2: {  	s22 =	simm.s32 $0x0;
	s5 =	sshll.u32 s5, $0x1;
	s6 =	sadd.s32 s21, s4  }
0xa3: {  	[timem:s22], [sflag:s7] =	dma.local [hbm:s6], s5  }
0xa4: {  	_ =	swait.ge [sflag:s7], s5  }
0xa5: {  	s5 =	ssub.s32 $0x0, s5;
	[sflag:s7] =	ssyncset.done $0x0  }
0xa6: {  	[sflag:s7] =	ssyncadd.s32 s5;
	_ =	sdelay $0x1  }
0xa7: {  	s23 =	simm.s32 $0x1B8B  }
0xa8: {  	_ =	swait.ge [sflag:s23], $0x1  }
0xa9: {  	[sflag:s23] =	ssyncset.done $0x0  }
0xaa: {  	[sflag:s23] =	ssyncadd.s32 $0xFFFFFFFF  }
0xab: {  	s5 =	sld [smem:$0x0]  }
0xac: {  	s6 =	sand.u32 $0xFFFFFFFE, s1  }
0xad: {  	p0 =	sne.s32 s1, s6  }
0xae: {  	s6 =	sshll.u32 @p0 s6, $0xE  }
0xaf: {  	s6 =	sadd.s32 @p0 $0x11B8D, s6;
	s7 =	sshll.u32 @p0 s5, $0x11  }
0xb0: {  	s6 =	sor.u32 @p0 s7, s6  }
0xb1: {  	[sflag:s6] =	ssyncadd.remote.s32 @p0 $0x1;
	_ =	sdelay $0x1  }
0xb2: {  	s6 =	simm.s32 @p0 $0x1B8D  }
0xb3: {  	_ =	swait.eq @p0 [sflag:s6], $0x1  }
0xb4: {  	[sflag:s6] =	ssyncadd.s32 @p0 $0xFFFFFFFF  }
0xb5: {  	s7 =	sshll.u32 @!p0 s1, $0xE  }
0xb6: {  	s7 =	sor.u32 @!p0 $0x4000, s7;
	s6 =	simm.s32 @!p0 $0x1B8D  }
0xb7: {  	s5 =	sshll.u32 @!p0 s5, $0x11;
	s7 =	sadd.s32 @!p0 $0x11B8D, s7;
	_ =	swait.eq @!p0 [sflag:s6], $0x1  }
0xb8: {  	s5 =	sor.u32 @!p0 s5, s7;
	[sflag:s6] =	ssyncadd.s32 @!p0 $0xFFFFFFFF  }
0xb9: {  	s25 =	simm.s32 $0x1B8E;
	s24 =	sld [smem:$0x3FFE];
	[sflag:s5] =	ssyncadd.remote.s32 @!p0 $0x1  }
0xba: {  	s26 =	simm.s32 $execute0_lowered;
	[smem:$0x3FD2] =	sst s25  }
0xbb: {  	s6 =	sshll.u32 s26, $0x1;
	_ =	strace $0x8000004C;
	[dreg:$0x1] =	wrdreg $0xFFFFFFFF  }
0xbc: {  	s28 =	simm.s32 $_size_execute0_lowered;
	s4 =	sadd.s32 s4, s6;
	[dreg:$0x0] =	wrdreg $0x0  }
0xbd: {  	s6 =	sshll.u32 s28, $0x1;
	[dreg:$0x2] =	wrdreg s4  }
0xbe: {  	[dreg:$0x3] =	wrdreg s6  }
0xbf: {  	[dreg:$0x4] =	wrdreg $0xC0  }
0xc0: {  	_ =	task [dreg:s22], $0x5FFFF  }
0xc1: {  	[dreg:$0x1] =	wrdreg $0xFFFFFFFF  }
0xc2: {  	[dreg:$0x0] =	wrdreg $0x60  }
0xc3: {  	[dreg:$0x2] =	wrdreg s17  }
0xc4: {  	[dreg:$0x3] =	wrdreg s24  }
0xc5: {  	[dreg:$0x4] =	wrdreg $0xC  }
0xc6: {  	_ =	task.clear_ibuf [dreg:s22], $0x5FFFF;
	_ =	strace $0x9000004C  }
0xc7: {  	s29 =	simm.s32 $0xC;
	_ =	strace $0x8000004E  }
0xc8: {  	_ =	swait.ge [sflag:s29], $0x1  }
0xc9: {  	[sflag:s29] =	ssyncadd.s32 $0xFFFFFFFF  }
0xca: {  	_ =	strace $0x9000004E  }
0xcb: {  	_ =	sfence  }
0xcc: {  	s30 =	sld [smem:$0x0];
	_ =	sdelay $0x2  }
0xcd: {  	s31 =	sshll.u32 s1, $0xD;
	s1 =	sshrl.u32 s1, $0x2  }
0xce: {  	s4 =	sand.u32 $0x4000, s31;
	s1 =	sadd.s32 s1, s30  }
0xcf: {  	s0 =	sor.u32 s4, s0;
	s1 =	sshll.u32 s1, $0x11  }
0xd0: {  	s0 =	sor.u32 s1, s0  }
0xd1: {  	s0 =	sadd.s32 $0x8F2B, s0  }
0xd2: {  	[sflag:s0] =	ssyncadd.remote.s32 $0x1  }
0xd3: {  	_ =	sfence.sel $0xFFFF  }
0xd4: {  	[dreg:$0x0] =	wrdreg $0xFFFFFFFF;
	(pc) =	sbr.abs _section_cstart, $3  }
0xd5: {  	[dreg:$0x1] =	wrdreg $0xFFFFFFFF  }
0xd6: {  	_ =	task.clear_ibuf [dreg:s22], $0x2FFFF;
	_ =	strace $0x9FFFFFFF  }
0xd7: {  	(tm) =	ssettm $0x7FFFFFFF  }
tec
execute0_lowered:
.L_overlay_start_1:
0x0: {  	(tag) =	ssettag $0x1  }
0x1: {  	s3 =	rddreg [dreg:$0x0]  }
0x2: {  	s4 =	rddreg [dreg:$0x1];
	s2 =	srdreg.scid  }
0x3: {  	s0 =	rddreg [dreg:$0x2];
	s1 =	stileid.u32;
	s9 =	simm.s32 $0x4000  }
0x4: {  	s10 =	simm.s32 $0x0;
	s5 =	sand.u32 $0x1, s2;
	s2 =	simm.s32 $0x0  }
0x5: {  	s6 =	sshll.u32 s1, $0xB;
	s7 =	sshll.u32 s5, $0xA;
	s5 =	ssub.s32 $0x2, s5  }
0x6: {  	v0 =	vlaneseq.u32;
	[smem:$0x7FF] =	sst s2;
	s6 =	sor.u32 s7, s6;
	s31 =	sshrl.u32 s5, $0x1  }
0x7: {  	v0 =	vmul.u32 $0xFFFFFFFF, v0;
	_ =	strace $0x8000004D;
	s7 =	sadd.s32 s6, s4;
	s8 =	ssub.s32 s5, s31  }
0x8: {  	s3 =	sadd.s32 s3, s6;
	s4 =	sadd.s32 $0x3B400, s7;
	s5 =	sadd.s32 $0x33400, s7  }
0x9: {  	vm0 =	vmmov $0xff;
	v1 =	vimm.s32 $0x0;
	v0 =	vadd.s32 $0xF, v0;
	s6 =	smax.u32 s8, $0x1;
	s7 =	simm.s32 $0x1;
	s8 =	simm.s32 $0x2000  }
.LBB2_1:
0xa: {  	[tilespmem:s2], [sflag:$0x1] =	stream.linear.gather [hbm4b:s3+s2], $0x2000, $0x38;
	[tilespmem:$0x6000] =	vst v63  }
0xb: {  	_ =	swait.ge [sflag:s7], $0x2000  }
0xc: {  	[sflag:s7] =	ssyncset.done $0x0  }
0xd: {  	s15 =	simm.s32 $0x0;
	[sflag:s7] =	ssyncadd.s32 $0xFFFFE000  }
0xe: {  	v21 =	vld [tilespmem:s15+$0x30];
	_ =	sdelay $0x1  }
0xf: {  	v19 =	vld [tilespmem:s15+$0x20];
	_ =	sdelay $0x2  }
0x10: {  	(xrf1) =	vsort.ascd.msk.f32 $0xffff, v21, v21;
	_ =	sdelay $0x1  }
0x11: {  	v20 =	vld [tilespmem:s15+$0x10];
	(xrf1) =	vsort.ascd.msk.f32 $0xffff, v19, v19;
	_ =	sdelay $0x1  }
0x12: {  	v18 =	vld [tilespmem:s15+$0x0];
	_ =	sdelay $0x2  }
0x13: {  	(xrf1) =	vsort.ascd.msk.f32 $0xffff, v20, v20;
	_ =	sdelay $0x1  }
0x14: {  	(xrf1) =	vsort.ascd.msk.f32 $0xffff, v18, v18;
	_ =	sdelay $0x3  }
0x15: {  	s14 =	simm.s32 $0x80  }
0x16: {  	v16 =	vld [tilespmem:s14+$0x30];
	v2, _, _ =	vpop (xrf1)  }
0x17: {  	v2 =	vperm.xlane v2, v0  }
0x18: {  	v15 =	vld [tilespmem:s14+$0x20];
	v3, _, _ =	vpop (xrf1)  }
0x19: {  	v2 =	vmax.f32 v3, v2  }
0x1a: {  	(xrf1) =	vsort.ascd.msk.f32 $0xffff, v2, v2  }
0x1b: {  	v17 =	vld [tilespmem:s14+$0x10];
	(xrf1) =	vsort.ascd.msk.f32 $0xffff, v16, v16;
	_ =	sdelay $0x1  }
0x1c: {  	v2, _, _ =	vpop (xrf1);
	(xrf1) =	vsort.ascd.msk.f32 $0xffff, v15, v15  }
0x1d: {  	v2 =	vperm.xlane v2, v0  }
0x1e: {  	v14 =	vld [tilespmem:s14+$0x0];
	v3, _, _ =	vpop (xrf1)  }
0x1f: {  	(xrf1) =	vsort.ascd.msk.f32 $0xffff, v17, v17;
	v2 =	vmax.f32 v3, v2  }
0x20: {  	(xrf1) =	vsort.ascd.msk.f32 $0xffff, v2, v2;
	_ =	sdelay $0x2  }
0x21: {  	(xrf1) =	vsort.ascd.msk.f32 $0xffff, v14, v14;
	_ =	sdelay $0x3  }
0x22: {  	s12 =	simm.s32 $0x100;
	v2, _, _ =	vpop (xrf1)  }
0x23: {  	v12 =	vld [tilespmem:s12+$0x30];
	v3, _, _ =	vpop (xrf1)  }
0x24: {  	v3 =	vperm.xlane v3, v0  }
0x25: {  	v10 =	vld [tilespmem:s12+$0x20];
	v4, _, _ =	vpop (xrf1)  }
0x26: {  	v3 =	vmax.f32 v4, v3  }
0x27: {  	(xrf1) =	vsort.ascd.msk.f32 $0xffff, v3, v3  }
0x28: {  	v13 =	vld [tilespmem:s12+$0x10];
	v2 =	vperm.xlane v2, v0;
	v4, _, _ =	vpop (xrf1);
	(xrf1) =	vsort.ascd.msk.f32 $0xffff, v12, v12  }
0x29: {  	v3, _, _ =	vpop (xrf1)  }
0x2a: {  	(xrf1) =	vsort.ascd.msk.f32 $0xffff, v10, v10;
	v2 =	vmax.f32 v3, v2  }
0x2b: {  	(xrf1) =	vsort.ascd.msk.f32 $0xffff, v2, v2;
	v2 =	vperm.xlane v4, v0  }
0x2c: {  	v3, _, _ =	vpop (xrf1)  }
0x2d: {  	v9 =	vld [tilespmem:s12+$0x0];
	(xrf1) =	vsort.ascd.msk.f32 $0xffff, v13, v13;
	v2 =	vmax.f32 v3, v2  }
0x2e: {  	(xrf1) =	vsort.ascd.msk.f32 $0xffff, v2, v2;
	_ =	sdelay $0x3  }
0x2f: {  	(xrf1) =	vsort.ascd.msk.f32 $0xffff, v9, v9;
	_ =	sdelay $0x2  }
0x30: {  	v2, _, _ =	vpop (xrf1)  }
0x31: {  	s11 =	simm.s32 $0x180;
	v3, _, _ =	vpop (xrf1)  }
0x32: {  	v8 =	vld [tilespmem:s11+$0x30];
	v3 =	vperm.xlane v3, v0  }
0x33: {  	v4 =	vld [tilespmem:s11+$0x20];
	v5, _, _ =	vpop (xrf1)  }
0x34: {  	v6, _, _ =	vpop (xrf1);
	v3 =	vmax.f32 v5, v3  }
0x35: {  	v6 =	vsel vm0, $0x7F800000, v6;
	(xrf1) =	vsort.ascd.msk.f32 $0xffff, v3, v3  }
0x36: {  	v7 =	vld [tilespmem:s11+$0x10];
	v2 =	vperm.xlane v2, v0;
	v5, _, _ =	vpop (xrf1);
	(xrf0) =	vmin.scan.msk.f32 $0xffff, v6  }
0x37: {  	(xrf1) =	vsort.ascd.msk.f32 $0xffff, v8, v8;
	v3, _, _ =	vpop (xrf1)  }
0x38: {  	(xrf1) =	vsort.ascd.msk.f32 $0xffff, v4, v4;
	v2 =	vmax.f32 v3, v2  }
0x39: {  	(xrf1) =	vsort.ascd.msk.f32 $0xffff, v2, v2  }
0x3a: {  	v3 =	vperm.xlane v5, v0  }
0x3b: {  	v5, _, _ =	vpop (xrf1);
	(xrf1) =	vsort.ascd.msk.f32 $0xffff, v7, v7  }
0x3c: {  	v2 =	vld [tilespmem:s11+$0x0];
	v3 =	vmax.f32 v5, v3  }
0x3d: {  	(xrf1) =	vsort.ascd.msk.f32 $0xffff, v3, v3;
	v5, _, _ =	vpop (xrf0)  }
0x3e: {  	v3 =	vbroadcast v5, $0xF;
	_ =	sdelay $0x1  }
0x3f: {  	vm5 =	veq.f32 v21, v3  }
0x40: {  	(xrf1) =	vsort.ascd.msk.f32 $0xffff, v2, v2;
	v5 =	vsel vm5, $0x1, v1  }
0x41: {  	vm1 =	veq.f32 v19, v3;
	vm2 =	veq.f32 v20, v3;
	vm6 =	vgt.f32 v21, v3;
	(xrf0) =	vadd.scan.msk.s32 $0xffff, v5  }
0x42: {  	vm7 =	vgt.f32 v19, v3;
	vm8 =	vgt.f32 v18, v3;
	v5 =	vsel vm1, $0x1, v1  }
0x43: {  	vm4 =	vgt.f32 v20, v3;
	v6 =	vmpcnt.ones.xlane vm2;
	v23 =	vmpcnt.ones.xlane vm8;
	(xrf0) =	vadd.scan.msk.s32 $0xffff, v5;
	v11, _, _ =	vpop (xrf1)  }
0x44: {  	s13 =	simm.s32 $0x200;
	v24 =	vsel vm2, $0x1, v1;
	v25 =	vmpcnt.ones.xlane vm7;
	v5 =	vmpcnt.ones.xlane vm4;
	v22, _, _ =	vpop (xrf1)  }
0x45: {  	vm3 =	veq.f32 v18, v3;
	v3 =	vld [tilespmem:s13+$0x30];
	v27 =	vmpcnt.ones.xlane vm6;
	(xrf0) =	vadd.scan.msk.s32 $0xffff, v24;
	v22 =	vperm.xlane v22, v0;
	v26, _, _ =	vpop (xrf1)  }
0x46: {  	v28 =	vmpcnt.ones.xlane vm1;
	v5 =	vadd.s32 v5, v23;
	v23 =	vmpcnt.ones.xlane vm3;
	v52, _, _ =	vpop (xrf1)  }
0x47: {  	vm8 =	vmmov vm8;
	v58 =	vsel vm3, $0x1, v1;
	v29, _, _ =	vpop (xrf0);
	v22 =	vmax.f32 v26, v22  }
0x48: {  	v25 =	vadd.s32 v25, v5;
	v5 =	vld [tilespmem:s13+$0x20];
	v6 =	vadd.s32 v23, v6;
	v24 =	vsel vm0, $0x7F800000, v52;
	v55, _, _ =	vpop (xrf1);
	(xrf1) =	vsort.ascd.msk.f32 $0xffff, v22, v22  }
0x49: {  	v54 =	vadd.s32 v27, v25;
	v53, _, _ =	vpop (xrf0);
	v56 =	vadd.s32 v6, v29;
	v22 =	vperm.xlane v11, v0;
	(xrf0) =	vmin.scan.msk.f32 $0xffff, v24  }
0x4a: {  	v26 =	vadd.s32 v6, v53;
	v57, _, _ =	vpop (xrf1);
	v24 =	vsub.s32 $0x8, v54;
	v11 =	vadd.s32 v28, v56;
	(xrf1) =	vsort.ascd.msk.f32 $0xffff, v3, v3  }
0x4b: {  	v6 =	vld [tilespmem:s13+$0x10];
	v59, _, _ =	vpop (xrf0);
	v25 =	vperm.xlane v55, v0;
	vm9 =	vle.s32 v26, v24;
	vm10 =	vle.s32 v11, v24  }
0x4c: {  	(xrf0) =	vadd.scan.msk.s32 $0xffff, v58;
	v22 =	vmax.f32 v57, v22;
	v23 =	vadd.s32 v23, v59;
	vm5 =	vmand vm5, vm10  }
0x4d: {  	v11 =	vld [tilespmem:s13+$0x0];
	(xrf1) =	vsort.ascd.msk.f32 $0xffff, v5, v5;
	vm10 =	vle.s32 v23, v24;
	vm9 =	vmand vm1, vm9;
	vm5 =	vmor vm6, vm5  }
0x4e: {  	(xrf1) =	vsort.ascd.msk.f32 $0xffff, v22, v22;
	v60, _, _ =	vpop (xrf1);
	vm2 =	vmand vm2, vm10;
	vm7 =	vmor vm7, vm9;
	v21 =	vnsel vm5, $0x0, v21  }
0x4f: {  	v23 =	vsel vm5, $0x3F800000, v1;
	v25 =	vmax.f32 v60, v25;
	vm2 =	vmor vm4, vm2;
	v22, _, _ =	vpop (xrf0)  }
0x50: {  	v63 =	vsel vm7, $0x3F800000, v1;
	(xrf1) =	vsort.ascd.msk.f32 $0xffff, v6, v6;
	[tilespmem:s15+$0x2030] =	vst v21;
	v61 =	vbroadcast v22, $0xF  }
0x51: {  	v20 =	vnsel vm2, $0x0, v20;
	[tilespmem:s15+$0x4030] =	vst v23;
	(xrf1) =	vsort.ascd.msk.f32 $0xffff, v25, v25;
	v22 =	vsel vm2, $0x3F800000, v1  }
0x52: {  	v23 =	vnsel vm7, $0x0, v19;
	[tilespmem:s15+$0x2010] =	vst v20;
	(xrf1) =	vsort.ascd.msk.f32 $0xffff, v11, v11;
	vm6 =	veq.f32 v16, v61  }
0x53: {  	[tilespmem:s15+$0x4010] =	vst v22;
	vm4 =	veq.f32 v17, v61;
	vm5 =	vgt.f32 v16, v61;
	v20 =	vsel vm6, $0x1, v1  }
0x54: {  	vm1 =	vgt.f32 v15, v61;
	vm2 =	veq.f32 v15, v61;
	vm9 =	vgt.f32 v14, v61;
	v22, _, _ =	vpop (xrf0);
	(xrf0) =	vadd.scan.msk.s32 $0xffff, v20  }
0x55: {  	[tilespmem:s15+$0x4020] =	vst v63;
	vm7 =	vgt.f32 v17, v61;
	v62 =	vsel vm2, $0x1, v1;
	vm10 =	vle.s32 v22, v24  }
0x56: {  	[tilespmem:s15+$0x2020] =	vst v23;
	v21 =	vmpcnt.ones.xlane vm1;
	v20 =	vmpcnt.ones.xlane vm4;
	vm10 =	vmand vm3, vm10  }
0x57: {  	s16 =	simm.s32 $0xA00;
	v22 =	vmpcnt.ones.xlane vm7;
	(xrf0) =	vadd.scan.msk.s32 $0xffff, v62;
	vm3 =	veq.f32 v14, v61;
	v19, _, _ =	vpop (xrf1);
	vm8 =	vmor vm8, vm10  }
.LBB2_2:
0x58: {  	v23, _, _ =	vpop (xrf1);
	v24 =	vmpcnt.ones.xlane vm9;
	v25 =	vnsel vm8, $0x0, v18;
	v26 =	vsel vm8, $0x3F800000, v1  }
0x59: {  	s17 =	sshra.s32 s16, $0x2;
	p0 =	sne.s32 s16, $0x7E00;
	s16 =	sadd.s32 $0x200, s16;
	v27 =	vmovc v4;
	v4 =	vmovc v5;
	v18 =	vmov v14;
	v14 =	vmov v9;
	v9 =	vmov v2  }
0x5a: {  	v5 =	vsel vm4, $0x1, v1;
	v29 =	vmpcnt.ones.xlane vm2;
	v2 =	vmov v11;
	v28 =	vld [tilespmem:s17+$0x30];
	v30, _, _ =	vpop (xrf0);
	[tilespmem:s15+$0x2000] =	vst v25  }
0x5b: {  	v11 =	vperm.xlane v23, v0;
	v23, _, _ =	vpop (xrf1);
	v22 =	vadd.s32 v22, v24;
	v24 =	vmpcnt.ones.xlane vm3;
	(xrf0) =	vadd.scan.msk.s32 $0xffff, v5  }
0x5c: {  	v32 =	vmpcnt.ones.xlane vm5;
	vm8 =	vmmov vm9;
	v25 =	vld [tilespmem:s17+$0x10];
	v31, _, _ =	vpop (xrf1);
	v21 =	vadd.s32 v21, v22;
	[tilespmem:s15+$0x4000] =	vst v26;
	s15 =	smov.u32 s14;
	s14 =	smov.u32 s12;
	s12 =	smov.u32 s11  }
0x5d: {  	v11 =	vmax.f32 v23, v11;
	s11 =	smov.u32 s13;
	s13 =	smov.u32 s17;
	v5 =	vld [tilespmem:s17+$0x20];
	v22 =	vsel vm0, $0x7F800000, v31;
	v20 =	vadd.s32 v24, v20;
	v23, _, _ =	vpop (xrf0)  }
0x5e: {  	v21 =	vadd.s32 v32, v21;
	v26, _, _ =	vpop (xrf1);
	(xrf0) =	vmin.scan.msk.f32 $0xffff, v22;
	v22 =	vadd.s32 v20, v23;
	v20 =	vadd.s32 v20, v30  }
0x5f: {  	v19 =	vperm.xlane v19, v0;
	(xrf1) =	vsort.ascd.msk.f32 $0xffff, v11, v11;
	v23, _, _ =	vpop (xrf1)  }
0x60: {  	v31 =	vsub.s32 $0x8, v21;
	v11 =	vsel vm3, $0x1, v1;
	v21 =	vadd.s32 v29, v20;
	(xrf1) =	vsort.ascd.msk.f32 $0xffff, v28, v28;
	v30, _, _ =	vpop (xrf1)  }
0x61: {  	vm9 =	vle.s32 v22, v31;
	vm10 =	vle.s32 v21, v31;
	(xrf0) =	vadd.scan.msk.s32 $0xffff, v11;
	v20, _, _ =	vpop (xrf0)  }
0x62: {  	v22 =	vmax.f32 v23, v19;
	vm6 =	vmand vm6, vm10;
	v11 =	vld [tilespmem:s13+$0x0];
	(xrf1) =	vsort.ascd.msk.f32 $0xffff, v5, v5;
	v20 =	vadd.s32 v24, v20  }
0x63: {  	v21 =	vperm.xlane v26, v0;
	vm5 =	vmor vm5, vm6;
	(xrf1) =	vsort.ascd.msk.f32 $0xffff, v22, v22;
	vm10 =	vle.s32 v20, v31  }
0x64: {  	v20 =	vnsel vm5, $0x0, v16;
	v22 =	vsel vm5, $0x3F800000, v1;
	v19, _, _ =	vpop (xrf0);
	vm4 =	vmand vm4, vm10  }
0x65: {  	v21 =	vmax.f32 v30, v21;
	v16 =	vmovc v12;
	(xrf1) =	vsort.ascd.msk.f32 $0xffff, v25, v25;
	v23 =	vbroadcast v19, $0xF;
	vm4 =	vmor vm7, vm4  }
0x66: {  	v12 =	vmovc v8;
	(xrf1) =	vsort.ascd.msk.f32 $0xffff, v21, v21;
	v17 =	vnsel vm4, $0x0, v17;
	v19 =	vsel vm4, $0x3F800000, v1;
	[tilespmem:s15+$0x2030] =	vst v20  }
0x67: {  	(xrf1) =	vsort.ascd.msk.f32 $0xffff, v11, v11;
	vm4 =	veq.f32 v13, v23;
	vm6 =	veq.f32 v16, v23;
	[tilespmem:s15+$0x2010] =	vst v17;
	v24, _, _ =	vpop (xrf0)  }
0x68: {  	v8 =	vmovc v3;
	v3 =	vmovc v28;
	vm7 =	vmand vm2, vm9;
	vm5 =	vgt.f32 v16, v23;
	v20 =	vsel vm6, $0x1, v1;
	[tilespmem:s15+$0x4010] =	vst v19  }
.Ltmp0:
0x69: {  	vm7 =	vmor vm1, vm7;
	vm2 =	veq.f32 v10, v23;
	vm1 =	vgt.f32 v10, v23;
	(xrf0) =	vadd.scan.msk.s32 $0xffff, v20;
	v17 =	vmovc v13;
	(pc) =	sbr.rel @p0 .LBB2_2-.Ltmp0, $4  }
0x6a: {  	v26 =	vsel vm7, $0x3F800000, v1;
	v19 =	vsel vm2, $0x1, v1;
	v20 =	vmpcnt.ones.xlane vm4;
	v13 =	vmovc v7;
	v7 =	vmovc v6;
	[tilespmem:s15+$0x4030] =	vst v22  }
0x6b: {  	v21 =	vmpcnt.ones.xlane vm1;
	vm10 =	vle.s32 v24, v31;
	v24 =	vnsel vm7, $0x0, v15;
	v15 =	vmovc v10;
	v6 =	vmovc v25;
	[tilespmem:s15+$0x4020] =	vst v26  }
0x6c: {  	vm9 =	vgt.f32 v14, v23;
	v10 =	vmovc v27;
	vm10 =	vmand vm3, vm10;
	vm7 =	vgt.f32 v17, v23;
	(xrf0) =	vadd.scan.msk.s32 $0xffff, v19  }
0x6d: {  	vm3 =	veq.f32 v14, v23;
	vm8 =	vmor vm8, vm10;
	v22 =	vmpcnt.ones.xlane vm7;
	v19, _, _ =	vpop (xrf1);
	[tilespmem:s15+$0x2020] =	vst v24  }
0x6e: {  	_ =	sdelay $0x1  }
0x6f: {  	v23, _, _ =	vpop (xrf1)  }
0x70: {  	v24 =	vsel vm4, $0x1, v1;
	v25, _, _ =	vpop (xrf1)  }
0x71: {  	v26 =	vmpcnt.ones.xlane vm9;
	v23 =	vperm.xlane v23, v0;
	(xrf0) =	vadd.scan.msk.s32 $0xffff, v24;
	v42, _, _ =	vpop (xrf1)  }
0x72: {  	v18 =	vnsel vm8, $0x0, v18;
	v19 =	vperm.xlane v19, v0;
	v24 =	vsel vm0, $0x7F800000, v42;
	v27, _, _ =	vpop (xrf1)  }
0x73: {  	v28 =	vsel vm8, $0x3F800000, v1;
	v23 =	vmax.f32 v25, v23;
	(xrf0) =	vmin.scan.msk.f32 $0xffff, v24;
	v43, _, _ =	vpop (xrf1);
	v44 =	vperm.xlane v27, v0  }
0x74: {  	v45 =	vmpcnt.ones.xlane vm2;
	v29 =	vmpcnt.ones.xlane vm3;
	(xrf1) =	vsort.ascd.msk.f32 $0xffff, v23, v23;
	v46, _, _ =	vpop (xrf1);
	v19 =	vmax.f32 v43, v19  }
0x75: {  	v48 =	vmpcnt.ones.xlane vm5;
	v47, _, _ =	vpop (xrf0);
	v22 =	vadd.s32 v22, v26;
	(xrf1) =	vsort.ascd.msk.f32 $0xffff, v19, v19;
	v49 =	vmax.f32 v46, v44  }
0x76: {  	vm9 =	vmmov vm9;
	v20 =	vadd.s32 v29, v20;
	v21 =	vadd.s32 v21, v22;
	v50, _, _ =	vpop (xrf0);
	(xrf1) =	vsort.ascd.msk.f32 $0xffff, v49, v49  }
0x77: {  	v51 =	vadd.s32 v48, v21;
	v52 =	vadd.s32 v20, v50;
	v20 =	vadd.s32 v20, v47;
	v53, _, _ =	vpop (xrf0)  }
0x78: {  	v20 =	vadd.s32 v45, v20;
	v19 =	vsub.s32 $0x8, v51;
	v22 =	vadd.s32 v29, v53  }
0x79: {  	v54 =	vsel vm3, $0x1, v1;
	vm12 =	vle.s32 v20, v19;
	vm10 =	vle.s32 v22, v19  }
0x7a: {  	(xrf0) =	vadd.scan.msk.s32 $0xffff, v54;
	vm11 =	vle.s32 v52, v19;
	vm6 =	vmand vm6, vm12;
	vm13 =	vmand vm4, vm10  }
0x7b: {  	vm11 =	vmand vm2, vm11;
	v55, _, _ =	vpop (xrf0);
	vm14 =	vmor vm5, vm6;
	vm4 =	vmor vm7, vm13  }
0x7c: {  	vm1 =	vmor vm1, vm11;
	v20 =	vbroadcast v55, $0xF;
	v16 =	vnsel vm14, $0x0, v16  }
0x7d: {  	v21 =	vsel vm14, $0x3F800000, v1;
	v17 =	vnsel vm4, $0x0, v17;
	v56 =	vsel vm4, $0x3F800000, v1  }
0x7e: {  	v61 =	vsel vm1, $0x3F800000, v1;
	v15 =	vnsel vm1, $0x0, v15;
	vm15 =	veq.f32 v12, v20  }
0x7f: {  	vm6 =	veq.f32 v13, v20;
	vm4 =	veq.f32 v10, v20;
	v57 =	vsel vm15, $0x1, v1  }
0x80: {  	v58, _, _ =	vpop (xrf0);
	vm7 =	vgt.f32 v12, v20;
	vm2 =	vgt.f32 v10, v20;
	v60 =	vsel vm4, $0x1, v1;
	(xrf0) =	vadd.scan.msk.s32 $0xffff, v57  }
0x81: {  	vm12 =	vle.s32 v58, v19;
	vm1 =	vgt.f32 v13, v20;
	v63 =	vsel vm6, $0x1, v1;
	(xrf0) =	vadd.scan.msk.s32 $0xffff, v60  }
0x82: {  	vm13 =	vgt.f32 v9, v20;
	v59 =	vmpcnt.ones.xlane vm6;
	v29 =	vmpcnt.ones.xlane vm1;
	(xrf0) =	vadd.scan.msk.s32 $0xffff, v63;
	v62, _, _ =	vpop (xrf1)  }
0x83: {  	vm5 =	veq.f32 v9, v20;
	v31 =	vmpcnt.ones.xlane vm13;
	v19 =	vperm.xlane v62, v0;
	v30, _, _ =	vpop (xrf1)  }
0x84: {  	vm3 =	vmand vm3, vm12;
	v33 =	vmpcnt.ones.xlane vm2;
	v34 =	vmpcnt.ones.xlane vm5;
	v32, _, _ =	vpop (xrf1)  }
0x85: {  	v35 =	vmpcnt.ones.xlane vm7;
	v36 =	vmpcnt.ones.xlane vm4;
	v19 =	vmax.f32 v32, v19  }
0x86: {  	v41 =	vsel vm5, $0x1, v1;
	v23 =	vadd.s32 v29, v31;
	v37, _, _ =	vpop (xrf0);
	v20 =	vsel vm0, $0x7F800000, v30;
	(xrf1) =	vsort.ascd.msk.f32 $0xffff, v19, v19  }
0x87: {  	vm3 =	vmor vm9, vm3;
	v25 =	vadd.s32 v34, v59;
	v39, _, _ =	vpop (xrf0);
	(xrf0) =	vmin.scan.msk.f32 $0xffff, v20;
	v20 =	vadd.s32 v33, v23  }
0x88: {  	vm9 =	vmmov vm13;
	v23 =	vadd.s32 v25, v37;
	v40, _, _ =	vpop (xrf0);
	v20 =	vadd.s32 v35, v20  }
0x89: {  	v19 =	vadd.s32 v36, v23;
	v23 =	vadd.s32 v34, v40;
	(xrf0) =	vadd.scan.msk.s32 $0xffff, v41;
	v20 =	vsub.s32 $0x8, v20  }
0x8a: {  	v14 =	vnsel vm3, $0x0, v14;
	v38 =	vsel vm3, $0x3F800000, v1;
	vm14 =	vle.s32 v23, v20  }
0x8b: {  	v42 =	vadd.s32 v25, v39;
	vm3 =	vle.s32 v19, v20;
	vm6 =	vmand vm6, vm14  }
0x8c: {  	vm3 =	vmand vm15, vm3;
	vm15 =	vle.s32 v42, v20;
	vm1 =	vmor vm1, vm6  }
0x8d: {  	[tilespmem:s15+$0x2000] =	vst v18;
	v43, _, _ =	vpop (xrf0);
	v47 =	vnsel vm1, $0x0, v13;
	v48 =	vsel vm1, $0x3F800000, v1;
	vm1 =	vmand vm4, vm15  }
0x8e: {  	[tilespmem:s15+$0x4000] =	vst v28;
	vm3 =	vmor vm7, vm3;
	v45 =	vbroadcast v43, $0xF;
	vm1 =	vmor vm2, vm1  }
0x8f: {  	[tilespmem:s14+$0x2030] =	vst v16;
	v44 =	vnsel vm3, $0x0, v12;
	v46 =	vsel vm3, $0x3F800000, v1;
	v50, _, _ =	vpop (xrf0);
	v53 =	vsel vm1, $0x3F800000, v1  }
0x90: {  	[tilespmem:s14+$0x2010] =	vst v17;
	vm13 =	vle.s32 v50, v20;
	v54 =	vnsel vm1, $0x0, v10;
	vm12 =	veq.f32 v8, v45  }
0x91: {  	[tilespmem:s14+$0x4010] =	vst v56;
	vm6 =	veq.f32 v7, v45;
	vm7 =	vgt.f32 v8, v45;
	v49 =	vsel vm12, $0x1, v1  }
0x92: {  	vm3 =	vgt.f32 v4, v45;
	vm4 =	veq.f32 v4, v45;
	vm2 =	vgt.f32 v7, v45;
	(xrf0) =	vadd.scan.msk.s32 $0xffff, v49  }
0x93: {  	[tilespmem:s14+$0x4030] =	vst v21;
	vm1 =	vgt.f32 v2, v45;
	vm10 =	vmand vm5, vm13;
	v52 =	vsel vm4, $0x1, v1  }
0x94: {  	vm5 =	veq.f32 v2, v45;
	v51 =	vmpcnt.ones.xlane vm6;
	v55 =	vsel vm6, $0x1, v1;
	(xrf0) =	vadd.scan.msk.s32 $0xffff, v52;
	v57, _, _ =	vpop (xrf1)  }
0x95: {  	v56 =	vmpcnt.ones.xlane vm2;
	v58 =	vmpcnt.ones.xlane vm1;
	(xrf0) =	vadd.scan.msk.s32 $0xffff, v55;
	v16 =	vsel vm0, $0x7F800000, v57  }
0x96: {  	v59 =	vmpcnt.ones.xlane vm3;
	vm9 =	vmor vm9, vm10;
	v60 =	vmpcnt.ones.xlane vm5;
	(xrf0) =	vmin.scan.msk.f32 $0xffff, v16  }
0x97: {  	[tilespmem:s14+$0x4020] =	vst v61;
	v63 =	vmpcnt.ones.xlane vm7;
	v26 =	vmpcnt.ones.xlane vm4;
	v62 =	vadd.s32 v56, v58  }
0x98: {  	[tilespmem:s14+$0x2020] =	vst v15;
	v34 =	vsel vm5, $0x1, v1;
	v27 =	vadd.s32 v60, v51;
	v25, _, _ =	vpop (xrf0);
	v16 =	vadd.s32 v59, v62  }
0x99: {  	[tilespmem:s14+$0x2000] =	vst v14;
	vm1 =	vmmov vm1;
	v16 =	vadd.s32 v63, v16;
	v31 =	vadd.s32 v27, v25  }
0x9a: {  	[tilespmem:s14+$0x4000] =	vst v38;
	v61 =	vnsel vm9, $0x0, v9;
	v30, _, _ =	vpop (xrf0);
	v16 =	vsub.s32 $0x8, v16;
	v15 =	vadd.s32 v26, v31  }
0x9b: {  	[tilespmem:s12+$0x2030] =	vst v44;
	v28 =	vsel vm9, $0x3F800000, v1;
	v32 =	vadd.s32 v27, v30;
	v33, _, _ =	vpop (xrf0);
	vm14 =	vle.s32 v15, v16  }
0x9c: {  	(xrf0) =	vadd.scan.msk.s32 $0xffff, v34;
	v35 =	vadd.s32 v60, v33;
	vm15 =	vle.s32 v32, v16;
	vm8 =	vmand vm12, vm14;
	v36, _, _ =	vpop (xrf0)  }
0x9d: {  	[tilespmem:s12+$0x2010] =	vst v47;
	vm12 =	vle.s32 v35, v16;
	vm13 =	vmand vm4, vm15;
	v12 =	vbroadcast v36, $0xF  }
0x9e: {  	[tilespmem:s12+$0x4010] =	vst v48;
	vm7 =	vmor vm7, vm8;
	vm6 =	vmand vm6, vm12;
	vm3 =	vmor vm3, vm13  }
0x9f: {  	[tilespmem:s12+$0x4030] =	vst v46;
	v37 =	vnsel vm7, $0x0, v8;
	v38 =	vsel vm7, $0x3F800000, v1;
	vm7 =	veq.f32 v3, v12  }
0xa0: {  	[tilespmem:s12+$0x4020] =	vst v53;
	vm2 =	vmor vm2, vm6;
	vm4 =	veq.f32 v5, v12;
	v41 =	vsel vm7, $0x1, v1  }
0xa1: {  	v45 =	vsel vm3, $0x3F800000, v1;
	vm6 =	veq.f32 v6, v12;
	v44 =	vsel vm4, $0x1, v1;
	(xrf0) =	vadd.scan.msk.s32 $0xffff, v41  }
0xa2: {  	v46 =	vnsel vm3, $0x0, v4;
	v39 =	vnsel vm2, $0x0, v7;
	v42, _, _ =	vpop (xrf0);
	v47 =	vsel vm6, $0x1, v1;
	(xrf0) =	vadd.scan.msk.s32 $0xffff, v44  }
0xa3: {  	v40 =	vsel vm2, $0x3F800000, v1;
	vm2 =	vgt.f32 v5, v12;
	vm14 =	vle.s32 v42, v16;
	(xrf0) =	vadd.scan.msk.s32 $0xffff, v47  }
0xa4: {  	[tilespmem:s12+$0x2020] =	vst v54;
	vm3 =	vgt.f32 v11, v12;
	vm15 =	vgt.f32 v6, v12;
	v43 =	vmpcnt.ones.xlane vm6  }
0xa5: {  	[tilespmem:s12+$0x2000] =	vst v61;
	vm12 =	vgt.f32 v3, v12;
	v48 =	vmpcnt.ones.xlane vm15;
	v49 =	vmpcnt.ones.xlane vm3  }
0xa6: {  	[tilespmem:s12+$0x4000] =	vst v28;
	vm9 =	vmand vm5, vm14;
	vm5 =	veq.f32 v11, v12;
	v50 =	vmpcnt.ones.xlane vm2  }
0xa7: {  	[tilespmem:s11+$0x2030] =	vst v37;
	v53 =	vmpcnt.ones.xlane vm12;
	v51 =	vmpcnt.ones.xlane vm5;
	v52 =	vadd.s32 v48, v49;
	v55, _, _ =	vpop (xrf0)  }
0xa8: {  	[tilespmem:s11+$0x4030] =	vst v38;
	v54 =	vmpcnt.ones.xlane vm4;
	v59 =	vsel vm5, $0x1, v1;
	v8 =	vadd.s32 v50, v52;
	v57, _, _ =	vpop (xrf0)  }
0xa9: {  	[tilespmem:s11+$0x4020] =	vst v45;
	vm1 =	vmor vm1, vm9;
	v56 =	vadd.s32 v51, v43;
	v8 =	vadd.s32 v53, v8;
	v60, _, _ =	vpop (xrf0)  }
0xaa: {  	[tilespmem:s11+$0x2020] =	vst v46;
	v8 =	vsub.s32 $0x8, v8;
	v58 =	vadd.s32 v56, v55;
	v61 =	vadd.s32 v51, v60  }
0xab: {  	v2 =	vnsel vm1, $0x0, v2;
	(xrf0) =	vadd.scan.msk.s32 $0xffff, v59;
	v7 =	vadd.s32 v54, v58;
	vm14 =	vle.s32 v61, v8  }
0xac: {  	[tilespmem:s11+$0x2010] =	vst v39;
	v62 =	vsel vm1, $0x3F800000, v1;
	vm13 =	vle.s32 v7, v8;
	vm6 =	vmand vm6, vm14  }
0xad: {  	[tilespmem:s11+$0x2000] =	vst v2;
	v2 =	vadd.s32 v56, v57;
	vm7 =	vmand vm7, vm13;
	vm6 =	vmor vm15, vm6  }
0xae: {  	[tilespmem:s11+$0x4010] =	vst v40;
	vm1 =	vmor vm12, vm7;
	vm15 =	vle.s32 v2, v8;
	v2 =	vnsel vm6, $0x0, v6  }
0xaf: {  	[tilespmem:s11+$0x4000] =	vst v62;
	v3 =	vnsel vm1, $0x0, v3  }
0xb0: {  	[tilespmem:s13+$0x2030] =	vst v3  }
0xb1: {  	v63 =	vsel vm1, $0x3F800000, v1;
	vm4 =	vmand vm4, vm15;
	[tilespmem:s13+$0x2010] =	vst v2;
	v2, _, _ =	vpop (xrf0)  }
0xb2: {  	v3 =	vsel vm6, $0x3F800000, v1;
	[tilespmem:s13+$0x4030] =	vst v63;
	vm1 =	vmor vm2, vm4;
	vm2 =	vle.s32 v2, v8  }
0xb3: {  	vm3 =	vmmov vm3;
	[tilespmem:s13+$0x4010] =	vst v3;
	v3 =	vnsel vm1, $0x0, v5;
	vm2 =	vmand vm5, vm2  }
0xb4: {  	[tilespmem:s13+$0x2020] =	vst v3;
	v2 =	vsel vm1, $0x3F800000, v1;
	vm1 =	vmor vm3, vm2  }
0xb5: {  	[tilespmem:s13+$0x4020] =	vst v2;
	v2 =	vnsel vm1, $0x0, v11  }
0xb6: {  	v3 =	vsel vm1, $0x3F800000, v1;
	[tilespmem:s13+$0x2000] =	vst v2  }
0xb7: {  	[tilespmem:s13+$0x4000] =	vst v3  }
0xb8: {  	[hbm4b:s4+s2] =	stream.linear.scatter [tilespmem:s8], [sflag:$0x1], $0x2000, $0x38;
	[tilespmem:$0x6000] =	vst v63  }
0xb9: {  	s10 =	sadd.s32 $0x1, s10;
	_ =	swait.ge [sflag:s7], $0x2000  }
0xba: {  	p0 =	sne.s32 s10, s6;
	[sflag:s7] =	ssyncset.done $0x0  }
.Ltmp1:
0xbb: {  	[sflag:s7] =	ssyncadd.s32 $0xFFFFE000;
	(pc) =	sbr.rel @p0 .LBB2_1-.Ltmp1, $4  }
0xbc: {  	[hbm4b:s5+s2] =	stream.linear.scatter [tilespmem:s9], [sflag:$0x1], $0x2000, $0x38;
	[tilespmem:$0x6000] =	vst v63  }
0xbd: {  	_ =	swait.ge [sflag:s7], $0x2000  }
0xbe: {  	[sflag:s7] =	ssyncset.done $0x0  }
0xbf: {  	[sflag:s7] =	ssyncadd.s32 $0xFFFFE000  }
0xc0: {  	_ =	sfence.sel $0x180000  }
0xc1: {  	[bflag:$0x0] =	sbarrier.arrive $0xFFFF  }
0xc2: {  	p0 =	sne.s32 s1, $0x0;
	_ =	strace $0x9000004D  }
0xc3: {  	s0 =	sadd.s32 @!p0 $0x100000, s0;
	[bflag:$0x2] =	sbarrier.arrive $0xFFFF  }
0xc4: {  	[sflag:s0] =	ssyncadd.tile.s32 @!p0 $0x1;
	_ =	shalt  }
.Lfunc_end2:
_tile_overlayer_lowered:
.L_overlay_start_2:
0xc5: {  	(tag) =	ssettag $0x2  }
0xc6: {  	s0 =	rddreg [dreg:$0x0];
	s2 =	stileid.u32  }
0xc7: {  	s1 =	rddreg [dreg:$0x1];
	p0 =	sne.s32 s2, $0x0  }
0xc8: {  	s3 =	rddreg [dreg:$0x2];
	[bflag:$0x3] =	sbarrier.arrive $0xFFFF;
	s2 =	simm.s32 @!p0 $0x1C01  }
0xc9: {  	[timem:s3], [sflag:s2] =	dma.local @!p0 [hbm:s0], s1  }
0xca: {  	s0 =	simm.s32 @!p0 $0x1  }
0xcb: {  	_ =	swait.ge @!p0 [sflag:s0], s1  }
0xcc: {  	s1 =	ssub.s32 @!p0 $0x0, s1;
	[sflag:s0] =	ssyncset.done @!p0 $0x0  }
0xcd: {  	[sflag:s0] =	ssyncadd.s32 @!p0 s1  }
0xce: {  	[bflag:$0x3] =	sbarrier.arrive $0xFFFF  }
0xcf: {  	_ =	shalt  }

</sc_bundles>
